<compile_context>
chip_gen: v7x
topology: tpu7x:2x2x1
jax: 0.10.2.dev20260603
libtpu: 0.0.44.dev20260713+nightly
codegen_flags: <defaults>
</compile_context>

<pallas_src>
import functools

import jax
import jax.numpy as jnp
from jax import lax
from jax.experimental import pallas as pl
from jax.experimental.pallas import tpu as pltpu
from jax.experimental.pallas import tpu_sc as plsc

N, P2, TOPK, W2, CKV = 8, 49, 4, 64, 384
NW = 32
ITEMS = N * P2 * TOPK
IPW = ITEMS // NW
LANES = 16
CHUNKS = CKV // LANES
NBUF = 4
GROUPS = (IPW - 1) // NBUF


def _body(bidx_hbm, w_hbm, kv_hbm, out_hbm, bidx_v, w_v, buf,
          in_sems, out_sems):
    nc = 2
    wid = lax.axis_index("s") * nc + lax.axis_index("c")

    pltpu.sync_copy(bidx_hbm.at[wid], bidx_v)
    pltpu.sync_copy(w_hbm.at[wid], w_v)

    def start_gather(item, slot):
        base = jnp.max(bidx_v[item])
        pltpu.async_copy(kv_hbm.at[base], buf.at[slot], in_sems.at[slot])

    def wait_in(slot):
        pltpu.make_async_copy(kv_hbm.at[0], buf.at[slot],
                              in_sems.at[slot]).wait()

    def start_out(item, slot):
        pltpu.async_copy(buf.at[slot], out_hbm.at[wid * IPW + item],
                         out_sems.at[slot])

    def wait_out(slot):
        pltpu.make_async_copy(buf.at[slot], out_hbm.at[0],
                              out_sems.at[slot]).wait()

    def scale(item, slot):
        wv = w_v[item]

        def row(r, c2):
            for cc in range(CHUNKS):
                sl = pl.ds(cc * LANES, LANES)
                buf[slot, r, sl] = buf[slot, r, sl] * wv
            return c2

        lax.fori_loop(0, W2, row, 0)

    start_gather(0, 0)
    start_gather(1, 1)

    def group(g, carry):
        for b in range(NBUF):
            j = g * NBUF + b
            b2 = (b + 2) % NBUF
            @pl.when(j >= 2)
            def _():
                wait_out(b2)

            @pl.when(j + 2 < IPW)
            def _():
                start_gather(j + 2, b2)

            wait_in(b)
            scale(j, b)
            start_out(j, b)
        return carry

    lax.fori_loop(0, GROUPS, group, 0)

    last = IPW - 1
    wait_in(last % NBUF)
    scale(last, last % NBUF)
    start_out(last, last % NBUF)

    wait_out(2)
    wait_out(3)
    wait_out(0)


@functools.partial(
    pl.kernel,
    mesh=plsc.VectorSubcoreMesh(core_axis_name="c", subcore_axis_name="s"),
    out_type=jax.ShapeDtypeStruct((ITEMS, W2, CKV), jnp.float32),
    scratch_types=[
        pltpu.VMEM((IPW, LANES), jnp.int32),
        pltpu.VMEM((IPW, LANES), jnp.float32),
        pltpu.VMEM((NBUF, W2, CKV), jnp.float32),
        pltpu.SemaphoreType.DMA((NBUF,)),
        pltpu.SemaphoreType.DMA((NBUF,)),
    ],
    compiler_params=pltpu.CompilerParams(needs_layout_passes=False),
)
def _gather_scale(bidx_hbm, w_hbm, kv_hbm, out_hbm, bidx_v, w_v, buf,
                  in_sems, out_sems):
    _body(bidx_hbm, w_hbm, kv_hbm, out_hbm, bidx_v, w_v, buf,
          in_sems, out_sems)


def kernel(r_idx, r_weight, kv):
    n, p2, w2, c_kv = kv.shape
    topk = r_idx.shape[-1]
    base = (jnp.arange(n, dtype=jnp.int32)[:, None, None] * p2
            + r_idx.astype(jnp.int32)).reshape(NW, IPW)
    bidx = jnp.broadcast_to(base[:, :, None], (NW, IPW, LANES))
    wgt = jnp.broadcast_to(
        r_weight.astype(jnp.float32).reshape(NW, IPW)[:, :, None],
        (NW, IPW, LANES))
    kvr = kv.reshape(n * p2, w2, c_kv)
    out = _gather_scale(bidx, wgt, kvr)
    return out.reshape(n, p2, topk, w2, c_kv)

# --- scband reference (transcript-rebuilt; emitter-appended) ---
"""Pipeline reference for scband-kvgather-45234595561684 (READ-ONLY COPY).

The authoritative reference and input builder live on the scoring server;
editing this copy changes nothing except your own understanding.
"""

import jax, jax.numpy as jnp
import numpy as np


def setup_inputs(seed: int = 0) -> dict:
    key = jax.random.key(seed)
    k1, k2, k3 = jax.random.split(key, 3)
    n, p2, topk, w2, c_kv = 8, 49, 4, 64, 384
    r_idx = jax.random.randint(k1, (n, p2, topk), 0, p2, dtype=jnp.int64 if jax.config.jax_enable_x64 else jnp.int32)
    r_weight = jax.random.uniform(k2, (n, p2, topk), dtype=jnp.float32)
    kv = jax.random.normal(k3, (n, p2, w2, c_kv), dtype=jnp.float32)
    return {"r_idx": r_idx, "r_weight": r_weight, "kv": kv}


def reference(r_idx, r_weight, kv):
    # r_idx: (n, p2, topk) int; r_weight: (n, p2, topk); kv: (n, p2, w2, c_kv)
    n, p2, w2, c_kv = kv.shape
    topk = r_idx.shape[-1]
    # torch.gather over the region axis:
    # topk_kv[b, i, t, w, c] = kv[b, r_idx[b, i, t], w, c]
    batch_idx = jnp.arange(n)[:, None, None]  # (n,1,1) broadcasts with (n,p2,topk)
    topk_kv = kv[batch_idx, r_idx]  # (n, p2, topk, w2, c_kv)
    # mul_weight == 'soft'
    topk_kv = r_weight[:, :, :, None, None] * topk_kv
    return topk_kv

if __name__ == "__main__":
    import jax
    _d = setup_inputs()
    print(jax.jit(kernel)(*tuple(_d.values())))

</pallas_src>

<mosaic_0001>
#map = affine_map<(d0, d1) -> (0, 0, 0)>
module attributes {stable_mosaic.version = 14 : i64} {
  func.func @_gather_scale(%arg0: i32, %arg1: i32, %arg2: memref<32x49x16xi32, #tpu.memory_space<hbm>>, %arg3: memref<32x49x16xf32, #tpu.memory_space<hbm>>, %arg4: memref<392x64x384xf32, #tpu.memory_space<hbm>>, %arg5: memref<1568x64x384xf32, #tpu.memory_space<hbm>>, %arg6: memref<49x16xi32, #tpu.memory_space<vmem>>, %arg7: memref<49x16xf32, #tpu.memory_space<vmem>>, %arg8: memref<4x64x384xf32, #tpu.memory_space<vmem>>, %arg9: memref<4x!tpu.dma_semaphore, #tpu.memory_space<semaphore_mem>>, %arg10: memref<4x!tpu.dma_semaphore, #tpu.memory_space<semaphore_mem>>) attributes {dimension_semantics = [#tpu.dimension_semantics<core_parallel>, #tpu.dimension_semantics<subcore_parallel>], iteration_bounds = array<i64: 2, 16>, scalar_prefetch = 0 : i64, scratch_operands = 5 : i64, tpu.core_type = #tpu.core_type<sc_vector_subcore>, window_params = [{transform_indices = #map}, {transform_indices = #map}, {transform_indices = #map}, {transform_indices = #map}]} {
    %mul3A = arith.constant 2 : i32
    %mul3A_0 = arith.muli %arg1, %mul3A : i32
    %add3A = arith.addi %mul3A_0, %arg0 : i32
    "tpu.region"() ({
      %run_scoped3A = tpu.sem_alloc : memref<!tpu.dma_semaphore, #tpu.memory_space<semaphore_mem>>
      %dma_start3A_184 = arith.constant 0 : i32
      %dma_start3A_185 = arith.constant 0 : i32
      %dma_start3A_186 = tpu.memref_slice %arg2[%add3A, %dma_start3A_184, %dma_start3A_185] : memref<32x49x16xi32, #tpu.memory_space<hbm>> -> memref<1x49x16xi32, #tpu.memory_space<hbm>>
      %dma_start3A_187 = tpu.memref_squeeze %dma_start3A_186 : memref<1x49x16xi32, #tpu.memory_space<hbm>> -> memref<49x16xi32, #tpu.memory_space<hbm>>
      %dma_start3A_188 = arith.constant 0 : i32
      %dma_start3A_189 = arith.constant 0 : i32
      %dma_start3A_190 = tpu.memref_slice %arg2[%add3A, %dma_start3A_188, %dma_start3A_189] : memref<32x49x16xi32, #tpu.memory_space<hbm>> -> memref<1x49x16xi32, #tpu.memory_space<hbm>>
      %dma_start3A_191 = tpu.memref_squeeze %dma_start3A_190 : memref<1x49x16xi32, #tpu.memory_space<hbm>> -> memref<49x16xi32, #tpu.memory_space<hbm>>
      tpu.enqueue_dma source(%dma_start3A_191 : memref<49x16xi32, #tpu.memory_space<hbm>>) target(%arg6 : memref<49x16xi32, #tpu.memory_space<vmem>>) target_semaphore(%run_scoped3A : memref<!tpu.dma_semaphore, #tpu.memory_space<semaphore_mem>>)
      %dma_wait3A_192 = arith.constant 0 : i32
      %dma_wait3A_193 = arith.constant 0 : i32
      %dma_wait3A_194 = tpu.memref_slice %arg2[%add3A, %dma_wait3A_192, %dma_wait3A_193] : memref<32x49x16xi32, #tpu.memory_space<hbm>> -> memref<1x49x16xi32, #tpu.memory_space<hbm>>
      %dma_wait3A_195 = tpu.memref_squeeze %dma_wait3A_194 : memref<1x49x16xi32, #tpu.memory_space<hbm>> -> memref<49x16xi32, #tpu.memory_space<hbm>>
      %dma_wait3A_196 = arith.constant 0 : i32
      %dma_wait3A_197 = arith.constant 0 : i32
      %dma_wait3A_198 = tpu.memref_slice %arg2[%add3A, %dma_wait3A_196, %dma_wait3A_197] : memref<32x49x16xi32, #tpu.memory_space<hbm>> -> memref<1x49x16xi32, #tpu.memory_space<hbm>>
      %dma_wait3A_199 = tpu.memref_squeeze %dma_wait3A_198 : memref<1x49x16xi32, #tpu.memory_space<hbm>> -> memref<49x16xi32, #tpu.memory_space<hbm>>
      tpu.wait_dma2 semaphore(%run_scoped3A : memref<!tpu.dma_semaphore, #tpu.memory_space<semaphore_mem>>) src(%dma_wait3A_199 : memref<49x16xi32, #tpu.memory_space<hbm>>) dst(%arg6 : memref<49x16xi32, #tpu.memory_space<vmem>>)
      tpu.yield
    }) : () -> ()
    "tpu.region"() ({
      %run_scoped3A = tpu.sem_alloc : memref<!tpu.dma_semaphore, #tpu.memory_space<semaphore_mem>>
      %dma_start3A_184 = arith.constant 0 : i32
      %dma_start3A_185 = arith.constant 0 : i32
      %dma_start3A_186 = tpu.memref_slice %arg3[%add3A, %dma_start3A_184, %dma_start3A_185] : memref<32x49x16xf32, #tpu.memory_space<hbm>> -> memref<1x49x16xf32, #tpu.memory_space<hbm>>
      %dma_start3A_187 = tpu.memref_squeeze %dma_start3A_186 : memref<1x49x16xf32, #tpu.memory_space<hbm>> -> memref<49x16xf32, #tpu.memory_space<hbm>>
      %dma_start3A_188 = arith.constant 0 : i32
      %dma_start3A_189 = arith.constant 0 : i32
      %dma_start3A_190 = tpu.memref_slice %arg3[%add3A, %dma_start3A_188, %dma_start3A_189] : memref<32x49x16xf32, #tpu.memory_space<hbm>> -> memref<1x49x16xf32, #tpu.memory_space<hbm>>
      %dma_start3A_191 = tpu.memref_squeeze %dma_start3A_190 : memref<1x49x16xf32, #tpu.memory_space<hbm>> -> memref<49x16xf32, #tpu.memory_space<hbm>>
      tpu.enqueue_dma source(%dma_start3A_191 : memref<49x16xf32, #tpu.memory_space<hbm>>) target(%arg7 : memref<49x16xf32, #tpu.memory_space<vmem>>) target_semaphore(%run_scoped3A : memref<!tpu.dma_semaphore, #tpu.memory_space<semaphore_mem>>)
      %dma_wait3A_192 = arith.constant 0 : i32
      %dma_wait3A_193 = arith.constant 0 : i32
      %dma_wait3A_194 = tpu.memref_slice %arg3[%add3A, %dma_wait3A_192, %dma_wait3A_193] : memref<32x49x16xf32, #tpu.memory_space<hbm>> -> memref<1x49x16xf32, #tpu.memory_space<hbm>>
      %dma_wait3A_195 = tpu.memref_squeeze %dma_wait3A_194 : memref<1x49x16xf32, #tpu.memory_space<hbm>> -> memref<49x16xf32, #tpu.memory_space<hbm>>
      %dma_wait3A_196 = arith.constant 0 : i32
      %dma_wait3A_197 = arith.constant 0 : i32
      %dma_wait3A_198 = tpu.memref_slice %arg3[%add3A, %dma_wait3A_196, %dma_wait3A_197] : memref<32x49x16xf32, #tpu.memory_space<hbm>> -> memref<1x49x16xf32, #tpu.memory_space<hbm>>
      %dma_wait3A_199 = tpu.memref_squeeze %dma_wait3A_198 : memref<1x49x16xf32, #tpu.memory_space<hbm>> -> memref<49x16xf32, #tpu.memory_space<hbm>>
      tpu.wait_dma2 semaphore(%run_scoped3A : memref<!tpu.dma_semaphore, #tpu.memory_space<semaphore_mem>>) src(%dma_wait3A_199 : memref<49x16xf32, #tpu.memory_space<hbm>>) dst(%arg7 : memref<49x16xf32, #tpu.memory_space<vmem>>)
      tpu.yield
    }) : () -> ()
    %get3A = arith.constant 0 : i32
    %get3A_1 = arith.index_cast %get3A : i32 to index
    %get3A_2 = arith.constant 0 : index
    %get3A_3 = tpu.vector_load %arg6[%get3A_1, %get3A_2] {strides = array<i32>} : memref<49x16xi32, #tpu.memory_space<vmem>>, vector<16xi32>,
    %reduce_max3A = arith.constant true
    %reduce_max3A_4 = vector.broadcast %reduce_max3A : i1 to vector<16xi1>
    %reduce_max3A_5 = arith.constant -2147483648 : i32
    %reduce_max3A_6 = vector.broadcast %reduce_max3A_5 : i32 to vector<16xi32>
    %reduce_max3A_7 = arith.xori %get3A_3, %reduce_max3A_6 : vector<16xi32>
    %reduce_max3A_8 = tpu.scan <max>, %reduce_max3A_7 masked %reduce_max3A_4 : vector<16xi32>, vector<16xi1> -> vector<16xi32>
    %reduce_max3A_9 = arith.xori %reduce_max3A_8, %reduce_max3A_6 : vector<16xi32>
    %reduce_max3A_10 = vector.extract %reduce_max3A_9[15] : i32 from vector<16xi32>
    %dma_start3A = arith.constant 0 : i32
    %dma_start3A_11 = arith.constant 0 : i32
    %dma_start3A_12 = arith.constant 0 : i32
    %dma_start3A_13 = arith.constant 0 : i32
    %dma_start3A_14 = tpu.memref_slice %arg8[%dma_start3A, %dma_start3A_12, %dma_start3A_13] : memref<4x64x384xf32, #tpu.memory_space<vmem>> -> memref<1x64x384xf32, #tpu.memory_space<vmem>>
    %dma_start3A_15 = tpu.memref_squeeze %dma_start3A_14 : memref<1x64x384xf32, #tpu.memory_space<vmem>> -> memref<64x384xf32, #tpu.memory_space<vmem>>
    %dma_start3A_16 = arith.constant 0 : i32
    %dma_start3A_17 = arith.constant 0 : i32
    %dma_start3A_18 = tpu.memref_slice %arg4[%reduce_max3A_10, %dma_start3A_16, %dma_start3A_17] : memref<392x64x384xf32, #tpu.memory_space<hbm>> -> memref<1x64x384xf32, #tpu.memory_space<hbm>>
    %dma_start3A_19 = tpu.memref_squeeze %dma_start3A_18 : memref<1x64x384xf32, #tpu.memory_space<hbm>> -> memref<64x384xf32, #tpu.memory_space<hbm>>
    %dma_start3A_20 = tpu.memref_slice %arg9[%dma_start3A_11] : memref<4x!tpu.dma_semaphore, #tpu.memory_space<semaphore_mem>> -> memref<1x!tpu.dma_semaphore, #tpu.memory_space<semaphore_mem>>
    %dma_start3A_21 = tpu.memref_squeeze %dma_start3A_20 : memref<1x!tpu.dma_semaphore, #tpu.memory_space<semaphore_mem>> -> memref<!tpu.dma_semaphore, #tpu.memory_space<semaphore_mem>>
    %dma_start3A_22 = arith.constant 0 : i32
    %dma_start3A_23 = arith.constant 0 : i32
    %dma_start3A_24 = tpu.memref_slice %arg8[%dma_start3A, %dma_start3A_22, %dma_start3A_23] : memref<4x64x384xf32, #tpu.memory_space<vmem>> -> memref<1x64x384xf32, #tpu.memory_space<vmem>>
    %dma_start3A_25 = tpu.memref_squeeze %dma_start3A_24 : memref<1x64x384xf32, #tpu.memory_space<vmem>> -> memref<64x384xf32, #tpu.memory_space<vmem>>
    %dma_start3A_26 = arith.constant 0 : i32
    %dma_start3A_27 = arith.constant 0 : i32
    %dma_start3A_28 = tpu.memref_slice %arg4[%reduce_max3A_10, %dma_start3A_26, %dma_start3A_27] : memref<392x64x384xf32, #tpu.memory_space<hbm>> -> memref<1x64x384xf32, #tpu.memory_space<hbm>>
    %dma_start3A_29 = tpu.memref_squeeze %dma_start3A_28 : memref<1x64x384xf32, #tpu.memory_space<hbm>> -> memref<64x384xf32, #tpu.memory_space<hbm>>
    tpu.enqueue_dma source(%dma_start3A_29 : memref<64x384xf32, #tpu.memory_space<hbm>>) target(%dma_start3A_25 : memref<64x384xf32, #tpu.memory_space<vmem>>) target_semaphore(%dma_start3A_21 : memref<!tpu.dma_semaphore, #tpu.memory_space<semaphore_mem>>)
    %get3A_30 = arith.constant 1 : i32
    %get3A_31 = arith.index_cast %get3A_30 : i32 to index
    %get3A_32 = arith.constant 0 : index
    %get3A_33 = tpu.vector_load %arg6[%get3A_31, %get3A_32] {strides = array<i32>} : memref<49x16xi32, #tpu.memory_space<vmem>>, vector<16xi32>,
    %reduce_max3A_34 = arith.constant true
    %reduce_max3A_35 = vector.broadcast %reduce_max3A_34 : i1 to vector<16xi1>
    %reduce_max3A_36 = arith.constant -2147483648 : i32
    %reduce_max3A_37 = vector.broadcast %reduce_max3A_36 : i32 to vector<16xi32>
    %reduce_max3A_38 = arith.xori %get3A_33, %reduce_max3A_37 : vector<16xi32>
    %reduce_max3A_39 = tpu.scan <max>, %reduce_max3A_38 masked %reduce_max3A_35 : vector<16xi32>, vector<16xi1> -> vector<16xi32>
    %reduce_max3A_40 = arith.xori %reduce_max3A_39, %reduce_max3A_37 : vector<16xi32>
    %reduce_max3A_41 = vector.extract %reduce_max3A_40[15] : i32 from vector<16xi32>
    %dma_start3A_42 = arith.constant 1 : i32
    %dma_start3A_43 = arith.constant 1 : i32
    %dma_start3A_44 = arith.constant 0 : i32
    %dma_start3A_45 = arith.constant 0 : i32
    %dma_start3A_46 = tpu.memref_slice %arg8[%dma_start3A_42, %dma_start3A_44, %dma_start3A_45] : memref<4x64x384xf32, #tpu.memory_space<vmem>> -> memref<1x64x384xf32, #tpu.memory_space<vmem>>
    %dma_start3A_47 = tpu.memref_squeeze %dma_start3A_46 : memref<1x64x384xf32, #tpu.memory_space<vmem>> -> memref<64x384xf32, #tpu.memory_space<vmem>>
    %dma_start3A_48 = arith.constant 0 : i32
    %dma_start3A_49 = arith.constant 0 : i32
    %dma_start3A_50 = tpu.memref_slice %arg4[%reduce_max3A_41, %dma_start3A_48, %dma_start3A_49] : memref<392x64x384xf32, #tpu.memory_space<hbm>> -> memref<1x64x384xf32, #tpu.memory_space<hbm>>
    %dma_start3A_51 = tpu.memref_squeeze %dma_start3A_50 : memref<1x64x384xf32, #tpu.memory_space<hbm>> -> memref<64x384xf32, #tpu.memory_space<hbm>>
    %dma_start3A_52 = tpu.memref_slice %arg9[%dma_start3A_43] : memref<4x!tpu.dma_semaphore, #tpu.memory_space<semaphore_mem>> -> memref<1x!tpu.dma_semaphore, #tpu.memory_space<semaphore_mem>>
    %dma_start3A_53 = tpu.memref_squeeze %dma_start3A_52 : memref<1x!tpu.dma_semaphore, #tpu.memory_space<semaphore_mem>> -> memref<!tpu.dma_semaphore, #tpu.memory_space<semaphore_mem>>
    %dma_start3A_54 = arith.constant 0 : i32
    %dma_start3A_55 = arith.constant 0 : i32
    %dma_start3A_56 = tpu.memref_slice %arg8[%dma_start3A_42, %dma_start3A_54, %dma_start3A_55] : memref<4x64x384xf32, #tpu.memory_space<vmem>> -> memref<1x64x384xf32, #tpu.memory_space<vmem>>
    %dma_start3A_57 = tpu.memref_squeeze %dma_start3A_56 : memref<1x64x384xf32, #tpu.memory_space<vmem>> -> memref<64x384xf32, #tpu.memory_space<vmem>>
    %dma_start3A_58 = arith.constant 0 : i32
    %dma_start3A_59 = arith.constant 0 : i32
    %dma_start3A_60 = tpu.memref_slice %arg4[%reduce_max3A_41, %dma_start3A_58, %dma_start3A_59] : memref<392x64x384xf32, #tpu.memory_space<hbm>> -> memref<1x64x384xf32, #tpu.memory_space<hbm>>
    %dma_start3A_61 = tpu.memref_squeeze %dma_start3A_60 : memref<1x64x384xf32, #tpu.memory_space<hbm>> -> memref<64x384xf32, #tpu.memory_space<hbm>>
    tpu.enqueue_dma source(%dma_start3A_61 : memref<64x384xf32, #tpu.memory_space<hbm>>) target(%dma_start3A_57 : memref<64x384xf32, #tpu.memory_space<vmem>>) target_semaphore(%dma_start3A_53 : memref<!tpu.dma_semaphore, #tpu.memory_space<semaphore_mem>>)
    %scan3A = arith.constant 0 : i32
    %scan3A_62 = arith.constant 0 : i32
    %scan3A_63 = arith.constant 12 : i32
    %scan3A_64 = arith.addi %scan3A_62, %scan3A_63 : i32
    %scan3A_65 = arith.constant 1 : i32
    scf.for %scan3A_184 = %scan3A_62 to %scan3A_64 step %scan3A_65  : i32 {
      %mul3A_185 = arith.constant 4 : i32
      %mul3A_186 = arith.muli %scan3A_184, %mul3A_185 : i32
      %add3A_187 = arith.constant 0 : i32
      %add3A_188 = arith.addi %mul3A_186, %add3A_187 : i32
      %ge3A = arith.constant 2 : i32
      %ge3A_189 = arith.cmpi sge, %add3A_188, %ge3A : i32
      %convert_element_type3A = arith.extui %ge3A_189 : i1 to i32
      %cond3A = arith.constant 0 : i32
      %cond3A_190 = arith.cmpi ne, %convert_element_type3A, %cond3A : i32
      scf.if %cond3A_190 {
        %dma_wait3A_457 = arith.constant 2 : i32
        %dma_wait3A_458 = arith.constant 0 : i32
        %dma_wait3A_459 = arith.constant 2 : i32
        %dma_wait3A_460 = arith.constant 0 : i32
        %dma_wait3A_461 = arith.constant 0 : i32
        %dma_wait3A_462 = tpu.memref_slice %arg8[%dma_wait3A_457, %dma_wait3A_460, %dma_wait3A_461] : memref<4x64x384xf32, #tpu.memory_space<vmem>> -> memref<1x64x384xf32, #tpu.memory_space<vmem>>
        %dma_wait3A_463 = tpu.memref_squeeze %dma_wait3A_462 : memref<1x64x384xf32, #tpu.memory_space<vmem>> -> memref<64x384xf32, #tpu.memory_space<vmem>>
        %dma_wait3A_464 = arith.constant 0 : i32
        %dma_wait3A_465 = arith.constant 0 : i32
        %dma_wait3A_466 = tpu.memref_slice %arg5[%dma_wait3A_458, %dma_wait3A_464, %dma_wait3A_465] : memref<1568x64x384xf32, #tpu.memory_space<hbm>> -> memref<1x64x384xf32, #tpu.memory_space<hbm>>
        %dma_wait3A_467 = tpu.memref_squeeze %dma_wait3A_466 : memref<1x64x384xf32, #tpu.memory_space<hbm>> -> memref<64x384xf32, #tpu.memory_space<hbm>>
        %dma_wait3A_468 = tpu.memref_slice %arg10[%dma_wait3A_459] : memref<4x!tpu.dma_semaphore, #tpu.memory_space<semaphore_mem>> -> memref<1x!tpu.dma_semaphore, #tpu.memory_space<semaphore_mem>>
        %dma_wait3A_469 = tpu.memref_squeeze %dma_wait3A_468 : memref<1x!tpu.dma_semaphore, #tpu.memory_space<semaphore_mem>> -> memref<!tpu.dma_semaphore, #tpu.memory_space<semaphore_mem>>
        %dma_wait3A_470 = arith.constant 0 : i32
        %dma_wait3A_471 = arith.constant 0 : i32
        %dma_wait3A_472 = tpu.memref_slice %arg5[%dma_wait3A_458, %dma_wait3A_470, %dma_wait3A_471] : memref<1568x64x384xf32, #tpu.memory_space<hbm>> -> memref<1x64x384xf32, #tpu.memory_space<hbm>>
        %dma_wait3A_473 = tpu.memref_squeeze %dma_wait3A_472 : memref<1x64x384xf32, #tpu.memory_space<hbm>> -> memref<64x384xf32, #tpu.memory_space<hbm>>
        %dma_wait3A_474 = arith.constant 0 : i32
        %dma_wait3A_475 = arith.constant 0 : i32
        %dma_wait3A_476 = tpu.memref_slice %arg8[%dma_wait3A_457, %dma_wait3A_474, %dma_wait3A_475] : memref<4x64x384xf32, #tpu.memory_space<vmem>> -> memref<1x64x384xf32, #tpu.memory_space<vmem>>
        %dma_wait3A_477 = tpu.memref_squeeze %dma_wait3A_476 : memref<1x64x384xf32, #tpu.memory_space<vmem>> -> memref<64x384xf32, #tpu.memory_space<vmem>>
        tpu.wait_dma2 semaphore(%dma_wait3A_469 : memref<!tpu.dma_semaphore, #tpu.memory_space<semaphore_mem>>) src(%dma_wait3A_477 : memref<64x384xf32, #tpu.memory_space<vmem>>) dst(%dma_wait3A_473 : memref<64x384xf32, #tpu.memory_space<hbm>>)
      } else {
      }
      %add3A_191 = arith.constant 2 : i32
      %add3A_192 = arith.addi %add3A_188, %add3A_191 : i32
      %lt3A = arith.constant 49 : i32
      %lt3A_193 = arith.cmpi slt, %add3A_192, %lt3A : i32
      %convert_element_type3A_194 = arith.extui %lt3A_193 : i1 to i32
      %cond3A_195 = arith.constant 0 : i32
      %cond3A_196 = arith.cmpi ne, %convert_element_type3A_194, %cond3A_195 : i32
      scf.if %cond3A_196 {
        %add3A_457 = arith.constant 2 : i32
        %add3A_458 = arith.addi %add3A_188, %add3A_457 : i32
        %get3A_459 = arith.index_cast %add3A_458 : i32 to index
        %get3A_460 = arith.constant 0 : index
        %get3A_461 = tpu.vector_load %arg6[%get3A_459, %get3A_460] {strides = array<i32>} : memref<49x16xi32, #tpu.memory_space<vmem>>, vector<16xi32>,
        %reduce_max3A_462 = arith.constant true
        %reduce_max3A_463 = vector.broadcast %reduce_max3A_462 : i1 to vector<16xi1>
        %reduce_max3A_464 = arith.constant -2147483648 : i32
        %reduce_max3A_465 = vector.broadcast %reduce_max3A_464 : i32 to vector<16xi32>
        %reduce_max3A_466 = arith.xori %get3A_461, %reduce_max3A_465 : vector<16xi32>
        %reduce_max3A_467 = tpu.scan <max>, %reduce_max3A_466 masked %reduce_max3A_463 : vector<16xi32>, vector<16xi1> -> vector<16xi32>
        %reduce_max3A_468 = arith.xori %reduce_max3A_467, %reduce_max3A_465 : vector<16xi32>
        %reduce_max3A_469 = vector.extract %reduce_max3A_468[15] : i32 from vector<16xi32>
        %dma_start3A_470 = arith.constant 2 : i32
        %dma_start3A_471 = arith.constant 2 : i32
        %dma_start3A_472 = arith.constant 0 : i32
        %dma_start3A_473 = arith.constant 0 : i32
        %dma_start3A_474 = tpu.memref_slice %arg8[%dma_start3A_470, %dma_start3A_472, %dma_start3A_473] : memref<4x64x384xf32, #tpu.memory_space<vmem>> -> memref<1x64x384xf32, #tpu.memory_space<vmem>>
        %dma_start3A_475 = tpu.memref_squeeze %dma_start3A_474 : memref<1x64x384xf32, #tpu.memory_space<vmem>> -> memref<64x384xf32, #tpu.memory_space<vmem>>
        %dma_start3A_476 = arith.constant 0 : i32
        %dma_start3A_477 = arith.constant 0 : i32
        %dma_start3A_478 = tpu.memref_slice %arg4[%reduce_max3A_469, %dma_start3A_476, %dma_start3A_477] : memref<392x64x384xf32, #tpu.memory_space<hbm>> -> memref<1x64x384xf32, #tpu.memory_space<hbm>>
        %dma_start3A_479 = tpu.memref_squeeze %dma_start3A_478 : memref<1x64x384xf32, #tpu.memory_space<hbm>> -> memref<64x384xf32, #tpu.memory_space<hbm>>
        %dma_start3A_480 = tpu.memref_slice %arg9[%dma_start3A_471] : memref<4x!tpu.dma_semaphore, #tpu.memory_space<semaphore_mem>> -> memref<1x!tpu.dma_semaphore, #tpu.memory_space<semaphore_mem>>
        %dma_start3A_481 = tpu.memref_squeeze %dma_start3A_480 : memref<1x!tpu.dma_semaphore, #tpu.memory_space<semaphore_mem>> -> memref<!tpu.dma_semaphore, #tpu.memory_space<semaphore_mem>>
        %dma_start3A_482 = arith.constant 0 : i32
        %dma_start3A_483 = arith.constant 0 : i32
        %dma_start3A_484 = tpu.memref_slice %arg8[%dma_start3A_470, %dma_start3A_482, %dma_start3A_483] : memref<4x64x384xf32, #tpu.memory_space<vmem>> -> memref<1x64x384xf32, #tpu.memory_space<vmem>>
        %dma_start3A_485 = tpu.memref_squeeze %dma_start3A_484 : memref<1x64x384xf32, #tpu.memory_space<vmem>> -> memref<64x384xf32, #tpu.memory_space<vmem>>
        %dma_start3A_486 = arith.constant 0 : i32
        %dma_start3A_487 = arith.constant 0 : i32
        %dma_start3A_488 = tpu.memref_slice %arg4[%reduce_max3A_469, %dma_start3A_486, %dma_start3A_487] : memref<392x64x384xf32, #tpu.memory_space<hbm>> -> memref<1x64x384xf32, #tpu.memory_space<hbm>>
        %dma_start3A_489 = tpu.memref_squeeze %dma_start3A_488 : memref<1x64x384xf32, #tpu.memory_space<hbm>> -> memref<64x384xf32, #tpu.memory_space<hbm>>
        tpu.enqueue_dma source(%dma_start3A_489 : memref<64x384xf32, #tpu.memory_space<hbm>>) target(%dma_start3A_485 : memref<64x384xf32, #tpu.memory_space<vmem>>) target_semaphore(%dma_start3A_481 : memref<!tpu.dma_semaphore, #tpu.memory_space<semaphore_mem>>)
      } else {
      }
      %dma_wait3A_197 = arith.constant 0 : i32
      %dma_wait3A_198 = arith.constant 0 : i32
      %dma_wait3A_199 = arith.constant 0 : i32
      %dma_wait3A_200 = arith.constant 0 : i32
      %dma_wait3A_201 = arith.constant 0 : i32
      %dma_wait3A_202 = tpu.memref_slice %arg8[%dma_wait3A_198, %dma_wait3A_200, %dma_wait3A_201] : memref<4x64x384xf32, #tpu.memory_space<vmem>> -> memref<1x64x384xf32, #tpu.memory_space<vmem>>
      %dma_wait3A_203 = tpu.memref_squeeze %dma_wait3A_202 : memref<1x64x384xf32, #tpu.memory_space<vmem>> -> memref<64x384xf32, #tpu.memory_space<vmem>>
      %dma_wait3A_204 = arith.constant 0 : i32
      %dma_wait3A_205 = arith.constant 0 : i32
      %dma_wait3A_206 = tpu.memref_slice %arg4[%dma_wait3A_197, %dma_wait3A_204, %dma_wait3A_205] : memref<392x64x384xf32, #tpu.memory_space<hbm>> -> memref<1x64x384xf32, #tpu.memory_space<hbm>>
      %dma_wait3A_207 = tpu.memref_squeeze %dma_wait3A_206 : memref<1x64x384xf32, #tpu.memory_space<hbm>> -> memref<64x384xf32, #tpu.memory_space<hbm>>
      %dma_wait3A_208 = tpu.memref_slice %arg9[%dma_wait3A_199] : memref<4x!tpu.dma_semaphore, #tpu.memory_space<semaphore_mem>> -> memref<1x!tpu.dma_semaphore, #tpu.memory_space<semaphore_mem>>
      %dma_wait3A_209 = tpu.memref_squeeze %dma_wait3A_208 : memref<1x!tpu.dma_semaphore, #tpu.memory_space<semaphore_mem>> -> memref<!tpu.dma_semaphore, #tpu.memory_space<semaphore_mem>>
      %dma_wait3A_210 = arith.constant 0 : i32
      %dma_wait3A_211 = arith.constant 0 : i32
      %dma_wait3A_212 = tpu.memref_slice %arg8[%dma_wait3A_198, %dma_wait3A_210, %dma_wait3A_211] : memref<4x64x384xf32, #tpu.memory_space<vmem>> -> memref<1x64x384xf32, #tpu.memory_space<vmem>>
      %dma_wait3A_213 = tpu.memref_squeeze %dma_wait3A_212 : memref<1x64x384xf32, #tpu.memory_space<vmem>> -> memref<64x384xf32, #tpu.memory_space<vmem>>
      %dma_wait3A_214 = arith.constant 0 : i32
      %dma_wait3A_215 = arith.constant 0 : i32
      %dma_wait3A_216 = tpu.memref_slice %arg4[%dma_wait3A_197, %dma_wait3A_214, %dma_wait3A_215] : memref<392x64x384xf32, #tpu.memory_space<hbm>> -> memref<1x64x384xf32, #tpu.memory_space<hbm>>
      %dma_wait3A_217 = tpu.memref_squeeze %dma_wait3A_216 : memref<1x64x384xf32, #tpu.memory_space<hbm>> -> memref<64x384xf32, #tpu.memory_space<hbm>>
      tpu.wait_dma2 semaphore(%dma_wait3A_209 : memref<!tpu.dma_semaphore, #tpu.memory_space<semaphore_mem>>) src(%dma_wait3A_217 : memref<64x384xf32, #tpu.memory_space<hbm>>) dst(%dma_wait3A_213 : memref<64x384xf32, #tpu.memory_space<vmem>>)
      %get3A_218 = arith.index_cast %add3A_188 : i32 to index
      %get3A_219 = arith.constant 0 : index
      %get3A_220 = tpu.vector_load %arg7[%get3A_218, %get3A_219] {strides = array<i32>} : memref<49x16xf32, #tpu.memory_space<vmem>>, vector<16xf32>,
      %scan3A_221 = arith.constant 0 : i32
      %scan3A_222 = arith.constant 0 : i32
      %scan3A_223 = arith.constant 64 : i32
      %scan3A_224 = arith.addi %scan3A_222, %scan3A_223 : i32
      %scan3A_225 = arith.constant 1 : i32
      scf.for %scan3A_457 = %scan3A_222 to %scan3A_224 step %scan3A_225  : i32 {
        %get3A_458 = arith.constant 0 : i32
        %get3A_459 = arith.index_cast %get3A_458 : i32 to index
        %get3A_460 = arith.index_cast %scan3A_457 : i32 to index
        %get3A_461 = arith.constant 0 : index
        %get3A_462 = tpu.vector_load %arg8[%get3A_459, %get3A_460, %get3A_461] {strides = array<i32>} : memref<4x64x384xf32, #tpu.memory_space<vmem>>, vector<16xf32>,
        %mul3A_463 = arith.mulf %get3A_462, %get3A_220 : vector<16xf32>
        %swap3A = arith.constant 0 : i32
        %swap3A_464 = arith.index_cast %swap3A : i32 to index
        %swap3A_465 = arith.index_cast %scan3A_457 : i32 to index
        %swap3A_466 = arith.constant 0 : index
        %swap3A_467 = tpu.vector_load %arg8[%swap3A_464, %swap3A_465, %swap3A_466] {strides = array<i32>} : memref<4x64x384xf32, #tpu.memory_space<vmem>>, vector<16xf32>,
        tpu.vector_store %arg8[%swap3A_464, %swap3A_465, %swap3A_466], %mul3A_463 {strides = array<i32>} : memref<4x64x384xf32, #tpu.memory_space<vmem>>, vector<16xf32>,
        %get3A_468 = arith.constant 0 : i32
        %get3A_469 = arith.index_cast %get3A_468 : i32 to index
        %get3A_470 = arith.index_cast %scan3A_457 : i32 to index
        %get3A_471 = arith.constant 16 : index
        %get3A_472 = tpu.vector_load %arg8[%get3A_469, %get3A_470, %get3A_471] {strides = array<i32>} : memref<4x64x384xf32, #tpu.memory_space<vmem>>, vector<16xf32>,
        %mul3A_473 = arith.mulf %get3A_472, %get3A_220 : vector<16xf32>
        %swap3A_474 = arith.constant 0 : i32
        %swap3A_475 = arith.index_cast %swap3A_474 : i32 to index
        %swap3A_476 = arith.index_cast %scan3A_457 : i32 to index
        %swap3A_477 = arith.constant 16 : index
        %swap3A_478 = tpu.vector_load %arg8[%swap3A_475, %swap3A_476, %swap3A_477] {strides = array<i32>} : memref<4x64x384xf32, #tpu.memory_space<vmem>>, vector<16xf32>,
        tpu.vector_store %arg8[%swap3A_475, %swap3A_476, %swap3A_477], %mul3A_473 {strides = array<i32>} : memref<4x64x384xf32, #tpu.memory_space<vmem>>, vector<16xf32>,
        %get3A_479 = arith.constant 0 : i32
        %get3A_480 = arith.index_cast %get3A_479 : i32 to index
        %get3A_481 = arith.index_cast %scan3A_457 : i32 to index
        %get3A_482 = arith.constant 32 : index
        %get3A_483 = tpu.vector_load %arg8[%get3A_480, %get3A_481, %get3A_482] {strides = array<i32>} : memref<4x64x384xf32, #tpu.memory_space<vmem>>, vector<16xf32>,
        %mul3A_484 = arith.mulf %get3A_483, %get3A_220 : vector<16xf32>
        %swap3A_485 = arith.constant 0 : i32
        %swap3A_486 = arith.index_cast %swap3A_485 : i32 to index
        %swap3A_487 = arith.index_cast %scan3A_457 : i32 to index
        %swap3A_488 = arith.constant 32 : index
        %swap3A_489 = tpu.vector_load %arg8[%swap3A_486, %swap3A_487, %swap3A_488] {strides = array<i32>} : memref<4x64x384xf32, #tpu.memory_space<vmem>>, vector<16xf32>,
        tpu.vector_store %arg8[%swap3A_486, %swap3A_487, %swap3A_488], %mul3A_484 {strides = array<i32>} : memref<4x64x384xf32, #tpu.memory_space<vmem>>, vector<16xf32>,
        %get3A_490 = arith.constant 0 : i32
        %get3A_491 = arith.index_cast %get3A_490 : i32 to index
        %get3A_492 = arith.index_cast %scan3A_457 : i32 to index
        %get3A_493 = arith.constant 48 : index
        %get3A_494 = tpu.vector_load %arg8[%get3A_491, %get3A_492, %get3A_493] {strides = array<i32>} : memref<4x64x384xf32, #tpu.memory_space<vmem>>, vector<16xf32>,
        %mul3A_495 = arith.mulf %get3A_494, %get3A_220 : vector<16xf32>
        %swap3A_496 = arith.constant 0 : i32
        %swap3A_497 = arith.index_cast %swap3A_496 : i32 to index
        %swap3A_498 = arith.index_cast %scan3A_457 : i32 to index
        %swap3A_499 = arith.constant 48 : index
        %swap3A_500 = tpu.vector_load %arg8[%swap3A_497, %swap3A_498, %swap3A_499] {strides = array<i32>} : memref<4x64x384xf32, #tpu.memory_space<vmem>>, vector<16xf32>,
        tpu.vector_store %arg8[%swap3A_497, %swap3A_498, %swap3A_499], %mul3A_495 {strides = array<i32>} : memref<4x64x384xf32, #tpu.memory_space<vmem>>, vector<16xf32>,
        %get3A_501 = arith.constant 0 : i32
        %get3A_502 = arith.index_cast %get3A_501 : i32 to index
        %get3A_503 = arith.index_cast %scan3A_457 : i32 to index
        %get3A_504 = arith.constant 64 : index
        %get3A_505 = tpu.vector_load %arg8[%get3A_502, %get3A_503, %get3A_504] {strides = array<i32>} : memref<4x64x384xf32, #tpu.memory_space<vmem>>, vector<16xf32>,
        %mul3A_506 = arith.mulf %get3A_505, %get3A_220 : vector<16xf32>
        %swap3A_507 = arith.constant 0 : i32
        %swap3A_508 = arith.index_cast %swap3A_507 : i32 to index
        %swap3A_509 = arith.index_cast %scan3A_457 : i32 to index
        %swap3A_510 = arith.constant 64 : index
        %swap3A_511 = tpu.vector_load %arg8[%swap3A_508, %swap3A_509, %swap3A_510] {strides = array<i32>} : memref<4x64x384xf32, #tpu.memory_space<vmem>>, vector<16xf32>,
        tpu.vector_store %arg8[%swap3A_508, %swap3A_509, %swap3A_510], %mul3A_506 {strides = array<i32>} : memref<4x64x384xf32, #tpu.memory_space<vmem>>, vector<16xf32>,
        %get3A_512 = arith.constant 0 : i32
        %get3A_513 = arith.index_cast %get3A_512 : i32 to index
        %get3A_514 = arith.index_cast %scan3A_457 : i32 to index
        %get3A_515 = arith.constant 80 : index
        %get3A_516 = tpu.vector_load %arg8[%get3A_513, %get3A_514, %get3A_515] {strides = array<i32>} : memref<4x64x384xf32, #tpu.memory_space<vmem>>, vector<16xf32>,
        %mul3A_517 = arith.mulf %get3A_516, %get3A_220 : vector<16xf32>
        %swap3A_518 = arith.constant 0 : i32
        %swap3A_519 = arith.index_cast %swap3A_518 : i32 to index
        %swap3A_520 = arith.index_cast %scan3A_457 : i32 to index
        %swap3A_521 = arith.constant 80 : index
        %swap3A_522 = tpu.vector_load %arg8[%swap3A_519, %swap3A_520, %swap3A_521] {strides = array<i32>} : memref<4x64x384xf32, #tpu.memory_space<vmem>>, vector<16xf32>,
        tpu.vector_store %arg8[%swap3A_519, %swap3A_520, %swap3A_521], %mul3A_517 {strides = array<i32>} : memref<4x64x384xf32, #tpu.memory_space<vmem>>, vector<16xf32>,
        %get3A_523 = arith.constant 0 : i32
        %get3A_524 = arith.index_cast %get3A_523 : i32 to index
        %get3A_525 = arith.index_cast %scan3A_457 : i32 to index
        %get3A_526 = arith.constant 96 : index
        %get3A_527 = tpu.vector_load %arg8[%get3A_524, %get3A_525, %get3A_526] {strides = array<i32>} : memref<4x64x384xf32, #tpu.memory_space<vmem>>, vector<16xf32>,
        %mul3A_528 = arith.mulf %get3A_527, %get3A_220 : vector<16xf32>
        %swap3A_529 = arith.constant 0 : i32
        %swap3A_530 = arith.index_cast %swap3A_529 : i32 to index
        %swap3A_531 = arith.index_cast %scan3A_457 : i32 to index
        %swap3A_532 = arith.constant 96 : index
        %swap3A_533 = tpu.vector_load %arg8[%swap3A_530, %swap3A_531, %swap3A_532] {strides = array<i32>} : memref<4x64x384xf32, #tpu.memory_space<vmem>>, vector<16xf32>,
        tpu.vector_store %arg8[%swap3A_530, %swap3A_531, %swap3A_532], %mul3A_528 {strides = array<i32>} : memref<4x64x384xf32, #tpu.memory_space<vmem>>, vector<16xf32>,
        %get3A_534 = arith.constant 0 : i32
        %get3A_535 = arith.index_cast %get3A_534 : i32 to index
        %get3A_536 = arith.index_cast %scan3A_457 : i32 to index
        %get3A_537 = arith.constant 112 : index
        %get3A_538 = tpu.vector_load %arg8[%get3A_535, %get3A_536, %get3A_537] {strides = array<i32>} : memref<4x64x384xf32, #tpu.memory_space<vmem>>, vector<16xf32>,
        %mul3A_539 = arith.mulf %get3A_538, %get3A_220 : vector<16xf32>
        %swap3A_540 = arith.constant 0 : i32
        %swap3A_541 = arith.index_cast %swap3A_540 : i32 to index
        %swap3A_542 = arith.index_cast %scan3A_457 : i32 to index
        %swap3A_543 = arith.constant 112 : index
        %swap3A_544 = tpu.vector_load %arg8[%swap3A_541, %swap3A_542, %swap3A_543] {strides = array<i32>} : memref<4x64x384xf32, #tpu.memory_space<vmem>>, vector<16xf32>,
        tpu.vector_store %arg8[%swap3A_541, %swap3A_542, %swap3A_543], %mul3A_539 {strides = array<i32>} : memref<4x64x384xf32, #tpu.memory_space<vmem>>, vector<16xf32>,
        %get3A_545 = arith.constant 0 : i32
        %get3A_546 = arith.index_cast %get3A_545 : i32 to index
        %get3A_547 = arith.index_cast %scan3A_457 : i32 to index
        %get3A_548 = arith.constant 128 : index
        %get3A_549 = tpu.vector_load %arg8[%get3A_546, %get3A_547, %get3A_548] {strides = array<i32>} : memref<4x64x384xf32, #tpu.memory_space<vmem>>, vector<16xf32>,
        %mul3A_550 = arith.mulf %get3A_549, %get3A_220 : vector<16xf32>
        %swap3A_551 = arith.constant 0 : i32
        %swap3A_552 = arith.index_cast %swap3A_551 : i32 to index
        %swap3A_553 = arith.index_cast %scan3A_457 : i32 to index
        %swap3A_554 = arith.constant 128 : index
        %swap3A_555 = tpu.vector_load %arg8[%swap3A_552, %swap3A_553, %swap3A_554] {strides = array<i32>} : memref<4x64x384xf32, #tpu.memory_space<vmem>>, vector<16xf32>,
        tpu.vector_store %arg8[%swap3A_552, %swap3A_553, %swap3A_554], %mul3A_550 {strides = array<i32>} : memref<4x64x384xf32, #tpu.memory_space<vmem>>, vector<16xf32>,
        %get3A_556 = arith.constant 0 : i32
        %get3A_557 = arith.index_cast %get3A_556 : i32 to index
        %get3A_558 = arith.index_cast %scan3A_457 : i32 to index
        %get3A_559 = arith.constant 144 : index
        %get3A_560 = tpu.vector_load %arg8[%get3A_557, %get3A_558, %get3A_559] {strides = array<i32>} : memref<4x64x384xf32, #tpu.memory_space<vmem>>, vector<16xf32>,
        %mul3A_561 = arith.mulf %get3A_560, %get3A_220 : vector<16xf32>
        %swap3A_562 = arith.constant 0 : i32
        %swap3A_563 = arith.index_cast %swap3A_562 : i32 to index
        %swap3A_564 = arith.index_cast %scan3A_457 : i32 to index
        %swap3A_565 = arith.constant 144 : index
        %swap3A_566 = tpu.vector_load %arg8[%swap3A_563, %swap3A_564, %swap3A_565] {strides = array<i32>} : memref<4x64x384xf32, #tpu.memory_space<vmem>>, vector<16xf32>,
        tpu.vector_store %arg8[%swap3A_563, %swap3A_564, %swap3A_565], %mul3A_561 {strides = array<i32>} : memref<4x64x384xf32, #tpu.memory_space<vmem>>, vector<16xf32>,
        %get3A_567 = arith.constant 0 : i32
        %get3A_568 = arith.index_cast %get3A_567 : i32 to index
        %get3A_569 = arith.index_cast %scan3A_457 : i32 to index
        %get3A_570 = arith.constant 160 : index
        %get3A_571 = tpu.vector_load %arg8[%get3A_568, %get3A_569, %get3A_570] {strides = array<i32>} : memref<4x64x384xf32, #tpu.memory_space<vmem>>, vector<16xf32>,
        %mul3A_572 = arith.mulf %get3A_571, %get3A_220 : vector<16xf32>
        %swap3A_573 = arith.constant 0 : i32
        %swap3A_574 = arith.index_cast %swap3A_573 : i32 to index
        %swap3A_575 = arith.index_cast %scan3A_457 : i32 to index
        %swap3A_576 = arith.constant 160 : index
        %swap3A_577 = tpu.vector_load %arg8[%swap3A_574, %swap3A_575, %swap3A_576] {strides = array<i32>} : memref<4x64x384xf32, #tpu.memory_space<vmem>>, vector<16xf32>,
        tpu.vector_store %arg8[%swap3A_574, %swap3A_575, %swap3A_576], %mul3A_572 {strides = array<i32>} : memref<4x64x384xf32, #tpu.memory_space<vmem>>, vector<16xf32>,
        %get3A_578 = arith.constant 0 : i32
        %get3A_579 = arith.index_cast %get3A_578 : i32 to index
        %get3A_580 = arith.index_cast %scan3A_457 : i32 to index
        %get3A_581 = arith.constant 176 : index
        %get3A_582 = tpu.vector_load %arg8[%get3A_579, %get3A_580, %get3A_581] {strides = array<i32>} : memref<4x64x384xf32, #tpu.memory_space<vmem>>, vector<16xf32>,
        %mul3A_583 = arith.mulf %get3A_582, %get3A_220 : vector<16xf32>
        %swap3A_584 = arith.constant 0 : i32
        %swap3A_585 = arith.index_cast %swap3A_584 : i32 to index
        %swap3A_586 = arith.index_cast %scan3A_457 : i32 to index
        %swap3A_587 = arith.constant 176 : index
        %swap3A_588 = tpu.vector_load %arg8[%swap3A_585, %swap3A_586, %swap3A_587] {strides = array<i32>} : memref<4x64x384xf32, #tpu.memory_space<vmem>>, vector<16xf32>,
        tpu.vector_store %arg8[%swap3A_585, %swap3A_586, %swap3A_587], %mul3A_583 {strides = array<i32>} : memref<4x64x384xf32, #tpu.memory_space<vmem>>, vector<16xf32>,
        %get3A_589 = arith.constant 0 : i32
        %get3A_590 = arith.index_cast %get3A_589 : i32 to index
        %get3A_591 = arith.index_cast %scan3A_457 : i32 to index
        %get3A_592 = arith.constant 192 : index
        %get3A_593 = tpu.vector_load %arg8[%get3A_590, %get3A_591, %get3A_592] {strides = array<i32>} : memref<4x64x384xf32, #tpu.memory_space<vmem>>, vector<16xf32>,
        %mul3A_594 = arith.mulf %get3A_593, %get3A_220 : vector<16xf32>
        %swap3A_595 = arith.constant 0 : i32
        %swap3A_596 = arith.index_cast %swap3A_595 : i32 to index
        %swap3A_597 = arith.index_cast %scan3A_457 : i32 to index
        %swap3A_598 = arith.constant 192 : index
        %swap3A_599 = tpu.vector_load %arg8[%swap3A_596, %swap3A_597, %swap3A_598] {strides = array<i32>} : memref<4x64x384xf32, #tpu.memory_space<vmem>>, vector<16xf32>,
        tpu.vector_store %arg8[%swap3A_596, %swap3A_597, %swap3A_598], %mul3A_594 {strides = array<i32>} : memref<4x64x384xf32, #tpu.memory_space<vmem>>, vector<16xf32>,
        %get3A_600 = arith.constant 0 : i32
        %get3A_601 = arith.index_cast %get3A_600 : i32 to index
        %get3A_602 = arith.index_cast %scan3A_457 : i32 to index
        %get3A_603 = arith.constant 208 : index
        %get3A_604 = tpu.vector_load %arg8[%get3A_601, %get3A_602, %get3A_603] {strides = array<i32>} : memref<4x64x384xf32, #tpu.memory_space<vmem>>, vector<16xf32>,
        %mul3A_605 = arith.mulf %get3A_604, %get3A_220 : vector<16xf32>
        %swap3A_606 = arith.constant 0 : i32
        %swap3A_607 = arith.index_cast %swap3A_606 : i32 to index
        %swap3A_608 = arith.index_cast %scan3A_457 : i32 to index
        %swap3A_609 = arith.constant 208 : index
        %swap3A_610 = tpu.vector_load %arg8[%swap3A_607, %swap3A_608, %swap3A_609] {strides = array<i32>} : memref<4x64x384xf32, #tpu.memory_space<vmem>>, vector<16xf32>,
        tpu.vector_store %arg8[%swap3A_607, %swap3A_608, %swap3A_609], %mul3A_605 {strides = array<i32>} : memref<4x64x384xf32, #tpu.memory_space<vmem>>, vector<16xf32>,
        %get3A_611 = arith.constant 0 : i32
        %get3A_612 = arith.index_cast %get3A_611 : i32 to index
        %get3A_613 = arith.index_cast %scan3A_457 : i32 to index
        %get3A_614 = arith.constant 224 : index
        %get3A_615 = tpu.vector_load %arg8[%get3A_612, %get3A_613, %get3A_614] {strides = array<i32>} : memref<4x64x384xf32, #tpu.memory_space<vmem>>, vector<16xf32>,
        %mul3A_616 = arith.mulf %get3A_615, %get3A_220 : vector<16xf32>
        %swap3A_617 = arith.constant 0 : i32
        %swap3A_618 = arith.index_cast %swap3A_617 : i32 to index
        %swap3A_619 = arith.index_cast %scan3A_457 : i32 to index
        %swap3A_620 = arith.constant 224 : index
        %swap3A_621 = tpu.vector_load %arg8[%swap3A_618, %swap3A_619, %swap3A_620] {strides = array<i32>} : memref<4x64x384xf32, #tpu.memory_space<vmem>>, vector<16xf32>,
        tpu.vector_store %arg8[%swap3A_618, %swap3A_619, %swap3A_620], %mul3A_616 {strides = array<i32>} : memref<4x64x384xf32, #tpu.memory_space<vmem>>, vector<16xf32>,
        %get3A_622 = arith.constant 0 : i32
        %get3A_623 = arith.index_cast %get3A_622 : i32 to index
        %get3A_624 = arith.index_cast %scan3A_457 : i32 to index
        %get3A_625 = arith.constant 240 : index
        %get3A_626 = tpu.vector_load %arg8[%get3A_623, %get3A_624, %get3A_625] {strides = array<i32>} : memref<4x64x384xf32, #tpu.memory_space<vmem>>, vector<16xf32>,
        %mul3A_627 = arith.mulf %get3A_626, %get3A_220 : vector<16xf32>
        %swap3A_628 = arith.constant 0 : i32
        %swap3A_629 = arith.index_cast %swap3A_628 : i32 to index
        %swap3A_630 = arith.index_cast %scan3A_457 : i32 to index
        %swap3A_631 = arith.constant 240 : index
        %swap3A_632 = tpu.vector_load %arg8[%swap3A_629, %swap3A_630, %swap3A_631] {strides = array<i32>} : memref<4x64x384xf32, #tpu.memory_space<vmem>>, vector<16xf32>,
        tpu.vector_store %arg8[%swap3A_629, %swap3A_630, %swap3A_631], %mul3A_627 {strides = array<i32>} : memref<4x64x384xf32, #tpu.memory_space<vmem>>, vector<16xf32>,
        %get3A_633 = arith.constant 0 : i32
        %get3A_634 = arith.index_cast %get3A_633 : i32 to index
        %get3A_635 = arith.index_cast %scan3A_457 : i32 to index
        %get3A_636 = arith.constant 256 : index
        %get3A_637 = tpu.vector_load %arg8[%get3A_634, %get3A_635, %get3A_636] {strides = array<i32>} : memref<4x64x384xf32, #tpu.memory_space<vmem>>, vector<16xf32>,
        %mul3A_638 = arith.mulf %get3A_637, %get3A_220 : vector<16xf32>
        %swap3A_639 = arith.constant 0 : i32
        %swap3A_640 = arith.index_cast %swap3A_639 : i32 to index
        %swap3A_641 = arith.index_cast %scan3A_457 : i32 to index
        %swap3A_642 = arith.constant 256 : index
        %swap3A_643 = tpu.vector_load %arg8[%swap3A_640, %swap3A_641, %swap3A_642] {strides = array<i32>} : memref<4x64x384xf32, #tpu.memory_space<vmem>>, vector<16xf32>,
        tpu.vector_store %arg8[%swap3A_640, %swap3A_641, %swap3A_642], %mul3A_638 {strides = array<i32>} : memref<4x64x384xf32, #tpu.memory_space<vmem>>, vector<16xf32>,
        %get3A_644 = arith.constant 0 : i32
        %get3A_645 = arith.index_cast %get3A_644 : i32 to index
        %get3A_646 = arith.index_cast %scan3A_457 : i32 to index
        %get3A_647 = arith.constant 272 : index
        %get3A_648 = tpu.vector_load %arg8[%get3A_645, %get3A_646, %get3A_647] {strides = array<i32>} : memref<4x64x384xf32, #tpu.memory_space<vmem>>, vector<16xf32>,
        %mul3A_649 = arith.mulf %get3A_648, %get3A_220 : vector<16xf32>
        %swap3A_650 = arith.constant 0 : i32
        %swap3A_651 = arith.index_cast %swap3A_650 : i32 to index
        %swap3A_652 = arith.index_cast %scan3A_457 : i32 to index
        %swap3A_653 = arith.constant 272 : index
        %swap3A_654 = tpu.vector_load %arg8[%swap3A_651, %swap3A_652, %swap3A_653] {strides = array<i32>} : memref<4x64x384xf32, #tpu.memory_space<vmem>>, vector<16xf32>,
        tpu.vector_store %arg8[%swap3A_651, %swap3A_652, %swap3A_653], %mul3A_649 {strides = array<i32>} : memref<4x64x384xf32, #tpu.memory_space<vmem>>, vector<16xf32>,
        %get3A_655 = arith.constant 0 : i32
        %get3A_656 = arith.index_cast %get3A_655 : i32 to index
        %get3A_657 = arith.index_cast %scan3A_457 : i32 to index
        %get3A_658 = arith.constant 288 : index
        %get3A_659 = tpu.vector_load %arg8[%get3A_656, %get3A_657, %get3A_658] {strides = array<i32>} : memref<4x64x384xf32, #tpu.memory_space<vmem>>, vector<16xf32>,
        %mul3A_660 = arith.mulf %get3A_659, %get3A_220 : vector<16xf32>
        %swap3A_661 = arith.constant 0 : i32
        %swap3A_662 = arith.index_cast %swap3A_661 : i32 to index
        %swap3A_663 = arith.index_cast %scan3A_457 : i32 to index
        %swap3A_664 = arith.constant 288 : index
        %swap3A_665 = tpu.vector_load %arg8[%swap3A_662, %swap3A_663, %swap3A_664] {strides = array<i32>} : memref<4x64x384xf32, #tpu.memory_space<vmem>>, vector<16xf32>,
        tpu.vector_store %arg8[%swap3A_662, %swap3A_663, %swap3A_664], %mul3A_660 {strides = array<i32>} : memref<4x64x384xf32, #tpu.memory_space<vmem>>, vector<16xf32>,
        %get3A_666 = arith.constant 0 : i32
        %get3A_667 = arith.index_cast %get3A_666 : i32 to index
        %get3A_668 = arith.index_cast %scan3A_457 : i32 to index
        %get3A_669 = arith.constant 304 : index
        %get3A_670 = tpu.vector_load %arg8[%get3A_667, %get3A_668, %get3A_669] {strides = array<i32>} : memref<4x64x384xf32, #tpu.memory_space<vmem>>, vector<16xf32>,
        %mul3A_671 = arith.mulf %get3A_670, %get3A_220 : vector<16xf32>
        %swap3A_672 = arith.constant 0 : i32
        %swap3A_673 = arith.index_cast %swap3A_672 : i32 to index
        %swap3A_674 = arith.index_cast %scan3A_457 : i32 to index
        %swap3A_675 = arith.constant 304 : index
        %swap3A_676 = tpu.vector_load %arg8[%swap3A_673, %swap3A_674, %swap3A_675] {strides = array<i32>} : memref<4x64x384xf32, #tpu.memory_space<vmem>>, vector<16xf32>,
        tpu.vector_store %arg8[%swap3A_673, %swap3A_674, %swap3A_675], %mul3A_671 {strides = array<i32>} : memref<4x64x384xf32, #tpu.memory_space<vmem>>, vector<16xf32>,
        %get3A_677 = arith.constant 0 : i32
        %get3A_678 = arith.index_cast %get3A_677 : i32 to index
        %get3A_679 = arith.index_cast %scan3A_457 : i32 to index
        %get3A_680 = arith.constant 320 : index
        %get3A_681 = tpu.vector_load %arg8[%get3A_678, %get3A_679, %get3A_680] {strides = array<i32>} : memref<4x64x384xf32, #tpu.memory_space<vmem>>, vector<16xf32>,
        %mul3A_682 = arith.mulf %get3A_681, %get3A_220 : vector<16xf32>
        %swap3A_683 = arith.constant 0 : i32
        %swap3A_684 = arith.index_cast %swap3A_683 : i32 to index
        %swap3A_685 = arith.index_cast %scan3A_457 : i32 to index
        %swap3A_686 = arith.constant 320 : index
        %swap3A_687 = tpu.vector_load %arg8[%swap3A_684, %swap3A_685, %swap3A_686] {strides = array<i32>} : memref<4x64x384xf32, #tpu.memory_space<vmem>>, vector<16xf32>,
        tpu.vector_store %arg8[%swap3A_684, %swap3A_685, %swap3A_686], %mul3A_682 {strides = array<i32>} : memref<4x64x384xf32, #tpu.memory_space<vmem>>, vector<16xf32>,
        %get3A_688 = arith.constant 0 : i32
        %get3A_689 = arith.index_cast %get3A_688 : i32 to index
        %get3A_690 = arith.index_cast %scan3A_457 : i32 to index
        %get3A_691 = arith.constant 336 : index
        %get3A_692 = tpu.vector_load %arg8[%get3A_689, %get3A_690, %get3A_691] {strides = array<i32>} : memref<4x64x384xf32, #tpu.memory_space<vmem>>, vector<16xf32>,
        %mul3A_693 = arith.mulf %get3A_692, %get3A_220 : vector<16xf32>
        %swap3A_694 = arith.constant 0 : i32
        %swap3A_695 = arith.index_cast %swap3A_694 : i32 to index
        %swap3A_696 = arith.index_cast %scan3A_457 : i32 to index
        %swap3A_697 = arith.constant 336 : index
        %swap3A_698 = tpu.vector_load %arg8[%swap3A_695, %swap3A_696, %swap3A_697] {strides = array<i32>} : memref<4x64x384xf32, #tpu.memory_space<vmem>>, vector<16xf32>,
        tpu.vector_store %arg8[%swap3A_695, %swap3A_696, %swap3A_697], %mul3A_693 {strides = array<i32>} : memref<4x64x384xf32, #tpu.memory_space<vmem>>, vector<16xf32>,
        %get3A_699 = arith.constant 0 : i32
        %get3A_700 = arith.index_cast %get3A_699 : i32 to index
        %get3A_701 = arith.index_cast %scan3A_457 : i32 to index
        %get3A_702 = arith.constant 352 : index
        %get3A_703 = tpu.vector_load %arg8[%get3A_700, %get3A_701, %get3A_702] {strides = array<i32>} : memref<4x64x384xf32, #tpu.memory_space<vmem>>, vector<16xf32>,
        %mul3A_704 = arith.mulf %get3A_703, %get3A_220 : vector<16xf32>
        %swap3A_705 = arith.constant 0 : i32
        %swap3A_706 = arith.index_cast %swap3A_705 : i32 to index
        %swap3A_707 = arith.index_cast %scan3A_457 : i32 to index
        %swap3A_708 = arith.constant 352 : index
        %swap3A_709 = tpu.vector_load %arg8[%swap3A_706, %swap3A_707, %swap3A_708] {strides = array<i32>} : memref<4x64x384xf32, #tpu.memory_space<vmem>>, vector<16xf32>,
        tpu.vector_store %arg8[%swap3A_706, %swap3A_707, %swap3A_708], %mul3A_704 {strides = array<i32>} : memref<4x64x384xf32, #tpu.memory_space<vmem>>, vector<16xf32>,
        %get3A_710 = arith.constant 0 : i32
        %get3A_711 = arith.index_cast %get3A_710 : i32 to index
        %get3A_712 = arith.index_cast %scan3A_457 : i32 to index
        %get3A_713 = arith.constant 368 : index
        %get3A_714 = tpu.vector_load %arg8[%get3A_711, %get3A_712, %get3A_713] {strides = array<i32>} : memref<4x64x384xf32, #tpu.memory_space<vmem>>, vector<16xf32>,
        %mul3A_715 = arith.mulf %get3A_714, %get3A_220 : vector<16xf32>
        %swap3A_716 = arith.constant 0 : i32
        %swap3A_717 = arith.index_cast %swap3A_716 : i32 to index
        %swap3A_718 = arith.index_cast %scan3A_457 : i32 to index
        %swap3A_719 = arith.constant 368 : index
        %swap3A_720 = tpu.vector_load %arg8[%swap3A_717, %swap3A_718, %swap3A_719] {strides = array<i32>} : memref<4x64x384xf32, #tpu.memory_space<vmem>>, vector<16xf32>,
        tpu.vector_store %arg8[%swap3A_717, %swap3A_718, %swap3A_719], %mul3A_715 {strides = array<i32>} : memref<4x64x384xf32, #tpu.memory_space<vmem>>, vector<16xf32>,
      }
      %scan3A_226 = arith.constant 64 : i32
      %mul3A_227 = arith.constant 49 : i32
      %mul3A_228 = arith.muli %add3A, %mul3A_227 : i32
      %add3A_229 = arith.addi %mul3A_228, %add3A_188 : i32
      %dma_start3A_230 = arith.constant 0 : i32
      %dma_start3A_231 = arith.constant 0 : i32
      %dma_start3A_232 = arith.constant 0 : i32
      %dma_start3A_233 = arith.constant 0 : i32
      %dma_start3A_234 = tpu.memref_slice %arg8[%dma_start3A_230, %dma_start3A_232, %dma_start3A_233] : memref<4x64x384xf32, #tpu.memory_space<vmem>> -> memref<1x64x384xf32, #tpu.memory_space<vmem>>
      %dma_start3A_235 = tpu.memref_squeeze %dma_start3A_234 : memref<1x64x384xf32, #tpu.memory_space<vmem>> -> memref<64x384xf32, #tpu.memory_space<vmem>>
      %dma_start3A_236 = arith.constant 0 : i32
      %dma_start3A_237 = arith.constant 0 : i32
      %dma_start3A_238 = tpu.memref_slice %arg5[%add3A_229, %dma_start3A_236, %dma_start3A_237] : memref<1568x64x384xf32, #tpu.memory_space<hbm>> -> memref<1x64x384xf32, #tpu.memory_space<hbm>>
      %dma_start3A_239 = tpu.memref_squeeze %dma_start3A_238 : memref<1x64x384xf32, #tpu.memory_space<hbm>> -> memref<64x384xf32, #tpu.memory_space<hbm>>
      %dma_start3A_240 = tpu.memref_slice %arg10[%dma_start3A_231] : memref<4x!tpu.dma_semaphore, #tpu.memory_space<semaphore_mem>> -> memref<1x!tpu.dma_semaphore, #tpu.memory_space<semaphore_mem>>
      %dma_start3A_241 = tpu.memref_squeeze %dma_start3A_240 : memref<1x!tpu.dma_semaphore, #tpu.memory_space<semaphore_mem>> -> memref<!tpu.dma_semaphore, #tpu.memory_space<semaphore_mem>>
      %dma_start3A_242 = arith.constant 0 : i32
      %dma_start3A_243 = arith.constant 0 : i32
      %dma_start3A_244 = tpu.memref_slice %arg5[%add3A_229, %dma_start3A_242, %dma_start3A_243] : memref<1568x64x384xf32, #tpu.memory_space<hbm>> -> memref<1x64x384xf32, #tpu.memory_space<hbm>>
      %dma_start3A_245 = tpu.memref_squeeze %dma_start3A_244 : memref<1x64x384xf32, #tpu.memory_space<hbm>> -> memref<64x384xf32, #tpu.memory_space<hbm>>
      %dma_start3A_246 = arith.constant 0 : i32
      %dma_start3A_247 = arith.constant 0 : i32
      %dma_start3A_248 = tpu.memref_slice %arg8[%dma_start3A_230, %dma_start3A_246, %dma_start3A_247] : memref<4x64x384xf32, #tpu.memory_space<vmem>> -> memref<1x64x384xf32, #tpu.memory_space<vmem>>
      %dma_start3A_249 = tpu.memref_squeeze %dma_start3A_248 : memref<1x64x384xf32, #tpu.memory_space<vmem>> -> memref<64x384xf32, #tpu.memory_space<vmem>>
      tpu.enqueue_dma source(%dma_start3A_249 : memref<64x384xf32, #tpu.memory_space<vmem>>) target(%dma_start3A_245 : memref<64x384xf32, #tpu.memory_space<hbm>>) target_semaphore(%dma_start3A_241 : memref<!tpu.dma_semaphore, #tpu.memory_space<semaphore_mem>>)
      %mul3A_250 = arith.constant 4 : i32
      %mul3A_251 = arith.muli %scan3A_184, %mul3A_250 : i32
      %add3A_252 = arith.constant 1 : i32
      %add3A_253 = arith.addi %mul3A_251, %add3A_252 : i32
      %ge3A_254 = arith.constant 2 : i32
      %ge3A_255 = arith.cmpi sge, %add3A_253, %ge3A_254 : i32
      %convert_element_type3A_256 = arith.extui %ge3A_255 : i1 to i32
      %cond3A_257 = arith.constant 0 : i32
      %cond3A_258 = arith.cmpi ne, %convert_element_type3A_256, %cond3A_257 : i32
      scf.if %cond3A_258 {
        %dma_wait3A_457 = arith.constant 3 : i32
        %dma_wait3A_458 = arith.constant 0 : i32
        %dma_wait3A_459 = arith.constant 3 : i32
        %dma_wait3A_460 = arith.constant 0 : i32
        %dma_wait3A_461 = arith.constant 0 : i32
        %dma_wait3A_462 = tpu.memref_slice %arg8[%dma_wait3A_457, %dma_wait3A_460, %dma_wait3A_461] : memref<4x64x384xf32, #tpu.memory_space<vmem>> -> memref<1x64x384xf32, #tpu.memory_space<vmem>>
        %dma_wait3A_463 = tpu.memref_squeeze %dma_wait3A_462 : memref<1x64x384xf32, #tpu.memory_space<vmem>> -> memref<64x384xf32, #tpu.memory_space<vmem>>
        %dma_wait3A_464 = arith.constant 0 : i32
        %dma_wait3A_465 = arith.constant 0 : i32
        %dma_wait3A_466 = tpu.memref_slice %arg5[%dma_wait3A_458, %dma_wait3A_464, %dma_wait3A_465] : memref<1568x64x384xf32, #tpu.memory_space<hbm>> -> memref<1x64x384xf32, #tpu.memory_space<hbm>>
        %dma_wait3A_467 = tpu.memref_squeeze %dma_wait3A_466 : memref<1x64x384xf32, #tpu.memory_space<hbm>> -> memref<64x384xf32, #tpu.memory_space<hbm>>
        %dma_wait3A_468 = tpu.memref_slice %arg10[%dma_wait3A_459] : memref<4x!tpu.dma_semaphore, #tpu.memory_space<semaphore_mem>> -> memref<1x!tpu.dma_semaphore, #tpu.memory_space<semaphore_mem>>
        %dma_wait3A_469 = tpu.memref_squeeze %dma_wait3A_468 : memref<1x!tpu.dma_semaphore, #tpu.memory_space<semaphore_mem>> -> memref<!tpu.dma_semaphore, #tpu.memory_space<semaphore_mem>>
        %dma_wait3A_470 = arith.constant 0 : i32
        %dma_wait3A_471 = arith.constant 0 : i32
        %dma_wait3A_472 = tpu.memref_slice %arg5[%dma_wait3A_458, %dma_wait3A_470, %dma_wait3A_471] : memref<1568x64x384xf32, #tpu.memory_space<hbm>> -> memref<1x64x384xf32, #tpu.memory_space<hbm>>
        %dma_wait3A_473 = tpu.memref_squeeze %dma_wait3A_472 : memref<1x64x384xf32, #tpu.memory_space<hbm>> -> memref<64x384xf32, #tpu.memory_space<hbm>>
        %dma_wait3A_474 = arith.constant 0 : i32
        %dma_wait3A_475 = arith.constant 0 : i32
        %dma_wait3A_476 = tpu.memref_slice %arg8[%dma_wait3A_457, %dma_wait3A_474, %dma_wait3A_475] : memref<4x64x384xf32, #tpu.memory_space<vmem>> -> memref<1x64x384xf32, #tpu.memory_space<vmem>>
        %dma_wait3A_477 = tpu.memref_squeeze %dma_wait3A_476 : memref<1x64x384xf32, #tpu.memory_space<vmem>> -> memref<64x384xf32, #tpu.memory_space<vmem>>
        tpu.wait_dma2 semaphore(%dma_wait3A_469 : memref<!tpu.dma_semaphore, #tpu.memory_space<semaphore_mem>>) src(%dma_wait3A_477 : memref<64x384xf32, #tpu.memory_space<vmem>>) dst(%dma_wait3A_473 : memref<64x384xf32, #tpu.memory_space<hbm>>)
      } else {
      }
      %add3A_259 = arith.constant 2 : i32
      %add3A_260 = arith.addi %add3A_253, %add3A_259 : i32
      %lt3A_261 = arith.constant 49 : i32
      %lt3A_262 = arith.cmpi slt, %add3A_260, %lt3A_261 : i32
      %convert_element_type3A_263 = arith.extui %lt3A_262 : i1 to i32
      %cond3A_264 = arith.constant 0 : i32
      %cond3A_265 = arith.cmpi ne, %convert_element_type3A_263, %cond3A_264 : i32
      scf.if %cond3A_265 {
        %add3A_457 = arith.constant 2 : i32
        %add3A_458 = arith.addi %add3A_253, %add3A_457 : i32
        %get3A_459 = arith.index_cast %add3A_458 : i32 to index
        %get3A_460 = arith.constant 0 : index
        %get3A_461 = tpu.vector_load %arg6[%get3A_459, %get3A_460] {strides = array<i32>} : memref<49x16xi32, #tpu.memory_space<vmem>>, vector<16xi32>,
        %reduce_max3A_462 = arith.constant true
        %reduce_max3A_463 = vector.broadcast %reduce_max3A_462 : i1 to vector<16xi1>
        %reduce_max3A_464 = arith.constant -2147483648 : i32
        %reduce_max3A_465 = vector.broadcast %reduce_max3A_464 : i32 to vector<16xi32>
        %reduce_max3A_466 = arith.xori %get3A_461, %reduce_max3A_465 : vector<16xi32>
        %reduce_max3A_467 = tpu.scan <max>, %reduce_max3A_466 masked %reduce_max3A_463 : vector<16xi32>, vector<16xi1> -> vector<16xi32>
        %reduce_max3A_468 = arith.xori %reduce_max3A_467, %reduce_max3A_465 : vector<16xi32>
        %reduce_max3A_469 = vector.extract %reduce_max3A_468[15] : i32 from vector<16xi32>
        %dma_start3A_470 = arith.constant 3 : i32
        %dma_start3A_471 = arith.constant 3 : i32
        %dma_start3A_472 = arith.constant 0 : i32
        %dma_start3A_473 = arith.constant 0 : i32
        %dma_start3A_474 = tpu.memref_slice %arg8[%dma_start3A_470, %dma_start3A_472, %dma_start3A_473] : memref<4x64x384xf32, #tpu.memory_space<vmem>> -> memref<1x64x384xf32, #tpu.memory_space<vmem>>
        %dma_start3A_475 = tpu.memref_squeeze %dma_start3A_474 : memref<1x64x384xf32, #tpu.memory_space<vmem>> -> memref<64x384xf32, #tpu.memory_space<vmem>>
        %dma_start3A_476 = arith.constant 0 : i32
        %dma_start3A_477 = arith.constant 0 : i32
        %dma_start3A_478 = tpu.memref_slice %arg4[%reduce_max3A_469, %dma_start3A_476, %dma_start3A_477] : memref<392x64x384xf32, #tpu.memory_space<hbm>> -> memref<1x64x384xf32, #tpu.memory_space<hbm>>
        %dma_start3A_479 = tpu.memref_squeeze %dma_start3A_478 : memref<1x64x384xf32, #tpu.memory_space<hbm>> -> memref<64x384xf32, #tpu.memory_space<hbm>>
        %dma_start3A_480 = tpu.memref_slice %arg9[%dma_start3A_471] : memref<4x!tpu.dma_semaphore, #tpu.memory_space<semaphore_mem>> -> memref<1x!tpu.dma_semaphore, #tpu.memory_space<semaphore_mem>>
        %dma_start3A_481 = tpu.memref_squeeze %dma_start3A_480 : memref<1x!tpu.dma_semaphore, #tpu.memory_space<semaphore_mem>> -> memref<!tpu.dma_semaphore, #tpu.memory_space<semaphore_mem>>
        %dma_start3A_482 = arith.constant 0 : i32
        %dma_start3A_483 = arith.constant 0 : i32
        %dma_start3A_484 = tpu.memref_slice %arg8[%dma_start3A_470, %dma_start3A_482, %dma_start3A_483] : memref<4x64x384xf32, #tpu.memory_space<vmem>> -> memref<1x64x384xf32, #tpu.memory_space<vmem>>
        %dma_start3A_485 = tpu.memref_squeeze %dma_start3A_484 : memref<1x64x384xf32, #tpu.memory_space<vmem>> -> memref<64x384xf32, #tpu.memory_space<vmem>>
        %dma_start3A_486 = arith.constant 0 : i32
        %dma_start3A_487 = arith.constant 0 : i32
        %dma_start3A_488 = tpu.memref_slice %arg4[%reduce_max3A_469, %dma_start3A_486, %dma_start3A_487] : memref<392x64x384xf32, #tpu.memory_space<hbm>> -> memref<1x64x384xf32, #tpu.memory_space<hbm>>
        %dma_start3A_489 = tpu.memref_squeeze %dma_start3A_488 : memref<1x64x384xf32, #tpu.memory_space<hbm>> -> memref<64x384xf32, #tpu.memory_space<hbm>>
        tpu.enqueue_dma source(%dma_start3A_489 : memref<64x384xf32, #tpu.memory_space<hbm>>) target(%dma_start3A_485 : memref<64x384xf32, #tpu.memory_space<vmem>>) target_semaphore(%dma_start3A_481 : memref<!tpu.dma_semaphore, #tpu.memory_space<semaphore_mem>>)
      } else {
      }
      %dma_wait3A_266 = arith.constant 0 : i32
      %dma_wait3A_267 = arith.constant 1 : i32
      %dma_wait3A_268 = arith.constant 1 : i32
      %dma_wait3A_269 = arith.constant 0 : i32
      %dma_wait3A_270 = arith.constant 0 : i32
      %dma_wait3A_271 = tpu.memref_slice %arg8[%dma_wait3A_267, %dma_wait3A_269, %dma_wait3A_270] : memref<4x64x384xf32, #tpu.memory_space<vmem>> -> memref<1x64x384xf32, #tpu.memory_space<vmem>>
      %dma_wait3A_272 = tpu.memref_squeeze %dma_wait3A_271 : memref<1x64x384xf32, #tpu.memory_space<vmem>> -> memref<64x384xf32, #tpu.memory_space<vmem>>
      %dma_wait3A_273 = arith.constant 0 : i32
      %dma_wait3A_274 = arith.constant 0 : i32
      %dma_wait3A_275 = tpu.memref_slice %arg4[%dma_wait3A_266, %dma_wait3A_273, %dma_wait3A_274] : memref<392x64x384xf32, #tpu.memory_space<hbm>> -> memref<1x64x384xf32, #tpu.memory_space<hbm>>
      %dma_wait3A_276 = tpu.memref_squeeze %dma_wait3A_275 : memref<1x64x384xf32, #tpu.memory_space<hbm>> -> memref<64x384xf32, #tpu.memory_space<hbm>>
      %dma_wait3A_277 = tpu.memref_slice %arg9[%dma_wait3A_268] : memref<4x!tpu.dma_semaphore, #tpu.memory_space<semaphore_mem>> -> memref<1x!tpu.dma_semaphore, #tpu.memory_space<semaphore_mem>>
      %dma_wait3A_278 = tpu.memref_squeeze %dma_wait3A_277 : memref<1x!tpu.dma_semaphore, #tpu.memory_space<semaphore_mem>> -> memref<!tpu.dma_semaphore, #tpu.memory_space<semaphore_mem>>
      %dma_wait3A_279 = arith.constant 0 : i32
      %dma_wait3A_280 = arith.constant 0 : i32
      %dma_wait3A_281 = tpu.memref_slice %arg8[%dma_wait3A_267, %dma_wait3A_279, %dma_wait3A_280] : memref<4x64x384xf32, #tpu.memory_space<vmem>> -> memref<1x64x384xf32, #tpu.memory_space<vmem>>
      %dma_wait3A_282 = tpu.memref_squeeze %dma_wait3A_281 : memref<1x64x384xf32, #tpu.memory_space<vmem>> -> memref<64x384xf32, #tpu.memory_space<vmem>>
      %dma_wait3A_283 = arith.constant 0 : i32
      %dma_wait3A_284 = arith.constant 0 : i32
      %dma_wait3A_285 = tpu.memref_slice %arg4[%dma_wait3A_266, %dma_wait3A_283, %dma_wait3A_284] : memref<392x64x384xf32, #tpu.memory_space<hbm>> -> memref<1x64x384xf32, #tpu.memory_space<hbm>>
      %dma_wait3A_286 = tpu.memref_squeeze %dma_wait3A_285 : memref<1x64x384xf32, #tpu.memory_space<hbm>> -> memref<64x384xf32, #tpu.memory_space<hbm>>
      tpu.wait_dma2 semaphore(%dma_wait3A_278 : memref<!tpu.dma_semaphore, #tpu.memory_space<semaphore_mem>>) src(%dma_wait3A_286 : memref<64x384xf32, #tpu.memory_space<hbm>>) dst(%dma_wait3A_282 : memref<64x384xf32, #tpu.memory_space<vmem>>)
      %get3A_287 = arith.index_cast %add3A_253 : i32 to index
      %get3A_288 = arith.constant 0 : index
      %get3A_289 = tpu.vector_load %arg7[%get3A_287, %get3A_288] {strides = array<i32>} : memref<49x16xf32, #tpu.memory_space<vmem>>, vector<16xf32>,
      %scan3A_290 = arith.constant 0 : i32
      %scan3A_291 = arith.constant 0 : i32
      %scan3A_292 = arith.constant 64 : i32
      %scan3A_293 = arith.addi %scan3A_291, %scan3A_292 : i32
      %scan3A_294 = arith.constant 1 : i32
      scf.for %scan3A_457 = %scan3A_291 to %scan3A_293 step %scan3A_294  : i32 {
        %get3A_458 = arith.constant 1 : i32
        %get3A_459 = arith.index_cast %get3A_458 : i32 to index
        %get3A_460 = arith.index_cast %scan3A_457 : i32 to index
        %get3A_461 = arith.constant 0 : index
        %get3A_462 = tpu.vector_load %arg8[%get3A_459, %get3A_460, %get3A_461] {strides = array<i32>} : memref<4x64x384xf32, #tpu.memory_space<vmem>>, vector<16xf32>,
        %mul3A_463 = arith.mulf %get3A_462, %get3A_289 : vector<16xf32>
        %swap3A = arith.constant 1 : i32
        %swap3A_464 = arith.index_cast %swap3A : i32 to index
        %swap3A_465 = arith.index_cast %scan3A_457 : i32 to index
        %swap3A_466 = arith.constant 0 : index
        %swap3A_467 = tpu.vector_load %arg8[%swap3A_464, %swap3A_465, %swap3A_466] {strides = array<i32>} : memref<4x64x384xf32, #tpu.memory_space<vmem>>, vector<16xf32>,
        tpu.vector_store %arg8[%swap3A_464, %swap3A_465, %swap3A_466], %mul3A_463 {strides = array<i32>} : memref<4x64x384xf32, #tpu.memory_space<vmem>>, vector<16xf32>,
        %get3A_468 = arith.constant 1 : i32
        %get3A_469 = arith.index_cast %get3A_468 : i32 to index
        %get3A_470 = arith.index_cast %scan3A_457 : i32 to index
        %get3A_471 = arith.constant 16 : index
        %get3A_472 = tpu.vector_load %arg8[%get3A_469, %get3A_470, %get3A_471] {strides = array<i32>} : memref<4x64x384xf32, #tpu.memory_space<vmem>>, vector<16xf32>,
        %mul3A_473 = arith.mulf %get3A_472, %get3A_289 : vector<16xf32>
        %swap3A_474 = arith.constant 1 : i32
        %swap3A_475 = arith.index_cast %swap3A_474 : i32 to index
        %swap3A_476 = arith.index_cast %scan3A_457 : i32 to index
        %swap3A_477 = arith.constant 16 : index
        %swap3A_478 = tpu.vector_load %arg8[%swap3A_475, %swap3A_476, %swap3A_477] {strides = array<i32>} : memref<4x64x384xf32, #tpu.memory_space<vmem>>, vector<16xf32>,
        tpu.vector_store %arg8[%swap3A_475, %swap3A_476, %swap3A_477], %mul3A_473 {strides = array<i32>} : memref<4x64x384xf32, #tpu.memory_space<vmem>>, vector<16xf32>,
        %get3A_479 = arith.constant 1 : i32
        %get3A_480 = arith.index_cast %get3A_479 : i32 to index
        %get3A_481 = arith.index_cast %scan3A_457 : i32 to index
        %get3A_482 = arith.constant 32 : index
        %get3A_483 = tpu.vector_load %arg8[%get3A_480, %get3A_481, %get3A_482] {strides = array<i32>} : memref<4x64x384xf32, #tpu.memory_space<vmem>>, vector<16xf32>,
        %mul3A_484 = arith.mulf %get3A_483, %get3A_289 : vector<16xf32>
        %swap3A_485 = arith.constant 1 : i32
        %swap3A_486 = arith.index_cast %swap3A_485 : i32 to index
        %swap3A_487 = arith.index_cast %scan3A_457 : i32 to index
        %swap3A_488 = arith.constant 32 : index
        %swap3A_489 = tpu.vector_load %arg8[%swap3A_486, %swap3A_487, %swap3A_488] {strides = array<i32>} : memref<4x64x384xf32, #tpu.memory_space<vmem>>, vector<16xf32>,
        tpu.vector_store %arg8[%swap3A_486, %swap3A_487, %swap3A_488], %mul3A_484 {strides = array<i32>} : memref<4x64x384xf32, #tpu.memory_space<vmem>>, vector<16xf32>,
        %get3A_490 = arith.constant 1 : i32
        %get3A_491 = arith.index_cast %get3A_490 : i32 to index
        %get3A_492 = arith.index_cast %scan3A_457 : i32 to index
        %get3A_493 = arith.constant 48 : index
        %get3A_494 = tpu.vector_load %arg8[%get3A_491, %get3A_492, %get3A_493] {strides = array<i32>} : memref<4x64x384xf32, #tpu.memory_space<vmem>>, vector<16xf32>,
        %mul3A_495 = arith.mulf %get3A_494, %get3A_289 : vector<16xf32>
        %swap3A_496 = arith.constant 1 : i32
        %swap3A_497 = arith.index_cast %swap3A_496 : i32 to index
        %swap3A_498 = arith.index_cast %scan3A_457 : i32 to index
        %swap3A_499 = arith.constant 48 : index
        %swap3A_500 = tpu.vector_load %arg8[%swap3A_497, %swap3A_498, %swap3A_499] {strides = array<i32>} : memref<4x64x384xf32, #tpu.memory_space<vmem>>, vector<16xf32>,
        tpu.vector_store %arg8[%swap3A_497, %swap3A_498, %swap3A_499], %mul3A_495 {strides = array<i32>} : memref<4x64x384xf32, #tpu.memory_space<vmem>>, vector<16xf32>,
        %get3A_501 = arith.constant 1 : i32
        %get3A_502 = arith.index_cast %get3A_501 : i32 to index
        %get3A_503 = arith.index_cast %scan3A_457 : i32 to index
        %get3A_504 = arith.constant 64 : index
        %get3A_505 = tpu.vector_load %arg8[%get3A_502, %get3A_503, %get3A_504] {strides = array<i32>} : memref<4x64x384xf32, #tpu.memory_space<vmem>>, vector<16xf32>,
        %mul3A_506 = arith.mulf %get3A_505, %get3A_289 : vector<16xf32>
        %swap3A_507 = arith.constant 1 : i32
        %swap3A_508 = arith.index_cast %swap3A_507 : i32 to index
        %swap3A_509 = arith.index_cast %scan3A_457 : i32 to index
        %swap3A_510 = arith.constant 64 : index
        %swap3A_511 = tpu.vector_load %arg8[%swap3A_508, %swap3A_509, %swap3A_510] {strides = array<i32>} : memref<4x64x384xf32, #tpu.memory_space<vmem>>, vector<16xf32>,
        tpu.vector_store %arg8[%swap3A_508, %swap3A_509, %swap3A_510], %mul3A_506 {strides = array<i32>} : memref<4x64x384xf32, #tpu.memory_space<vmem>>, vector<16xf32>,
        %get3A_512 = arith.constant 1 : i32
        %get3A_513 = arith.index_cast %get3A_512 : i32 to index
        %get3A_514 = arith.index_cast %scan3A_457 : i32 to index
        %get3A_515 = arith.constant 80 : index
        %get3A_516 = tpu.vector_load %arg8[%get3A_513, %get3A_514, %get3A_515] {strides = array<i32>} : memref<4x64x384xf32, #tpu.memory_space<vmem>>, vector<16xf32>,
        %mul3A_517 = arith.mulf %get3A_516, %get3A_289 : vector<16xf32>
        %swap3A_518 = arith.constant 1 : i32
        %swap3A_519 = arith.index_cast %swap3A_518 : i32 to index
        %swap3A_520 = arith.index_cast %scan3A_457 : i32 to index
        %swap3A_521 = arith.constant 80 : index
        %swap3A_522 = tpu.vector_load %arg8[%swap3A_519, %swap3A_520, %swap3A_521] {strides = array<i32>} : memref<4x64x384xf32, #tpu.memory_space<vmem>>, vector<16xf32>,
        tpu.vector_store %arg8[%swap3A_519, %swap3A_520, %swap3A_521], %mul3A_517 {strides = array<i32>} : memref<4x64x384xf32, #tpu.memory_space<vmem>>, vector<16xf32>,
        %get3A_523 = arith.constant 1 : i32
        %get3A_524 = arith.index_cast %get3A_523 : i32 to index
        %get3A_525 = arith.index_cast %scan3A_457 : i32 to index
        %get3A_526 = arith.constant 96 : index
        %get3A_527 = tpu.vector_load %arg8[%get3A_524, %get3A_525, %get3A_526] {strides = array<i32>} : memref<4x64x384xf32, #tpu.memory_space<vmem>>, vector<16xf32>,
        %mul3A_528 = arith.mulf %get3A_527, %get3A_289 : vector<16xf32>
        %swap3A_529 = arith.constant 1 : i32
        %swap3A_530 = arith.index_cast %swap3A_529 : i32 to index
        %swap3A_531 = arith.index_cast %scan3A_457 : i32 to index
        %swap3A_532 = arith.constant 96 : index
        %swap3A_533 = tpu.vector_load %arg8[%swap3A_530, %swap3A_531, %swap3A_532] {strides = array<i32>} : memref<4x64x384xf32, #tpu.memory_space<vmem>>, vector<16xf32>,
        tpu.vector_store %arg8[%swap3A_530, %swap3A_531, %swap3A_532], %mul3A_528 {strides = array<i32>} : memref<4x64x384xf32, #tpu.memory_space<vmem>>, vector<16xf32>,
        %get3A_534 = arith.constant 1 : i32
        %get3A_535 = arith.index_cast %get3A_534 : i32 to index
        %get3A_536 = arith.index_cast %scan3A_457 : i32 to index
        %get3A_537 = arith.constant 112 : index
        %get3A_538 = tpu.vector_load %arg8[%get3A_535, %get3A_536, %get3A_537] {strides = array<i32>} : memref<4x64x384xf32, #tpu.memory_space<vmem>>, vector<16xf32>,
        %mul3A_539 = arith.mulf %get3A_538, %get3A_289 : vector<16xf32>
        %swap3A_540 = arith.constant 1 : i32
        %swap3A_541 = arith.index_cast %swap3A_540 : i32 to index
        %swap3A_542 = arith.index_cast %scan3A_457 : i32 to index
        %swap3A_543 = arith.constant 112 : index
        %swap3A_544 = tpu.vector_load %arg8[%swap3A_541, %swap3A_542, %swap3A_543] {strides = array<i32>} : memref<4x64x384xf32, #tpu.memory_space<vmem>>, vector<16xf32>,
        tpu.vector_store %arg8[%swap3A_541, %swap3A_542, %swap3A_543], %mul3A_539 {strides = array<i32>} : memref<4x64x384xf32, #tpu.memory_space<vmem>>, vector<16xf32>,
        %get3A_545 = arith.constant 1 : i32
        %get3A_546 = arith.index_cast %get3A_545 : i32 to index
        %get3A_547 = arith.index_cast %scan3A_457 : i32 to index
        %get3A_548 = arith.constant 128 : index
        %get3A_549 = tpu.vector_load %arg8[%get3A_546, %get3A_547, %get3A_548] {strides = array<i32>} : memref<4x64x384xf32, #tpu.memory_space<vmem>>, vector<16xf32>,
        %mul3A_550 = arith.mulf %get3A_549, %get3A_289 : vector<16xf32>
        %swap3A_551 = arith.constant 1 : i32
        %swap3A_552 = arith.index_cast %swap3A_551 : i32 to index
        %swap3A_553 = arith.index_cast %scan3A_457 : i32 to index
        %swap3A_554 = arith.constant 128 : index
        %swap3A_555 = tpu.vector_load %arg8[%swap3A_552, %swap3A_553, %swap3A_554] {strides = array<i32>} : memref<4x64x384xf32, #tpu.memory_space<vmem>>, vector<16xf32>,
        tpu.vector_store %arg8[%swap3A_552, %swap3A_553, %swap3A_554], %mul3A_550 {strides = array<i32>} : memref<4x64x384xf32, #tpu.memory_space<vmem>>, vector<16xf32>,
        %get3A_556 = arith.constant 1 : i32
        %get3A_557 = arith.index_cast %get3A_556 : i32 to index
        %get3A_558 = arith.index_cast %scan3A_457 : i32 to index
        %get3A_559 = arith.constant 144 : index
        %get3A_560 = tpu.vector_load %arg8[%get3A_557, %get3A_558, %get3A_559] {strides = array<i32>} : memref<4x64x384xf32, #tpu.memory_space<vmem>>, vector<16xf32>,
        %mul3A_561 = arith.mulf %get3A_560, %get3A_289 : vector<16xf32>
        %swap3A_562 = arith.constant 1 : i32
        %swap3A_563 = arith.index_cast %swap3A_562 : i32 to index
        %swap3A_564 = arith.index_cast %scan3A_457 : i32 to index
        %swap3A_565 = arith.constant 144 : index
        %swap3A_566 = tpu.vector_load %arg8[%swap3A_563, %swap3A_564, %swap3A_565] {strides = array<i32>} : memref<4x64x384xf32, #tpu.memory_space<vmem>>, vector<16xf32>,
        tpu.vector_store %arg8[%swap3A_563, %swap3A_564, %swap3A_565], %mul3A_561 {strides = array<i32>} : memref<4x64x384xf32, #tpu.memory_space<vmem>>, vector<16xf32>,
        %get3A_567 = arith.constant 1 : i32
        %get3A_568 = arith.index_cast %get3A_567 : i32 to index
        %get3A_569 = arith.index_cast %scan3A_457 : i32 to index
        %get3A_570 = arith.constant 160 : index
        %get3A_571 = tpu.vector_load %arg8[%get3A_568, %get3A_569, %get3A_570] {strides = array<i32>} : memref<4x64x384xf32, #tpu.memory_space<vmem>>, vector<16xf32>,
        %mul3A_572 = arith.mulf %get3A_571, %get3A_289 : vector<16xf32>
        %swap3A_573 = arith.constant 1 : i32
        %swap3A_574 = arith.index_cast %swap3A_573 : i32 to index
        %swap3A_575 = arith.index_cast %scan3A_457 : i32 to index
        %swap3A_576 = arith.constant 160 : index
        %swap3A_577 = tpu.vector_load %arg8[%swap3A_574, %swap3A_575, %swap3A_576] {strides = array<i32>} : memref<4x64x384xf32, #tpu.memory_space<vmem>>, vector<16xf32>,
        tpu.vector_store %arg8[%swap3A_574, %swap3A_575, %swap3A_576], %mul3A_572 {strides = array<i32>} : memref<4x64x384xf32, #tpu.memory_space<vmem>>, vector<16xf32>,
        %get3A_578 = arith.constant 1 : i32
        %get3A_579 = arith.index_cast %get3A_578 : i32 to index
        %get3A_580 = arith.index_cast %scan3A_457 : i32 to index
        %get3A_581 = arith.constant 176 : index
        %get3A_582 = tpu.vector_load %arg8[%get3A_579, %get3A_580, %get3A_581] {strides = array<i32>} : memref<4x64x384xf32, #tpu.memory_space<vmem>>, vector<16xf32>,
        %mul3A_583 = arith.mulf %get3A_582, %get3A_289 : vector<16xf32>
        %swap3A_584 = arith.constant 1 : i32
        %swap3A_585 = arith.index_cast %swap3A_584 : i32 to index
        %swap3A_586 = arith.index_cast %scan3A_457 : i32 to index
        %swap3A_587 = arith.constant 176 : index
        %swap3A_588 = tpu.vector_load %arg8[%swap3A_585, %swap3A_586, %swap3A_587] {strides = array<i32>} : memref<4x64x384xf32, #tpu.memory_space<vmem>>, vector<16xf32>,
        tpu.vector_store %arg8[%swap3A_585, %swap3A_586, %swap3A_587], %mul3A_583 {strides = array<i32>} : memref<4x64x384xf32, #tpu.memory_space<vmem>>, vector<16xf32>,
        %get3A_589 = arith.constant 1 : i32
        %get3A_590 = arith.index_cast %get3A_589 : i32 to index
        %get3A_591 = arith.index_cast %scan3A_457 : i32 to index
        %get3A_592 = arith.constant 192 : index
        %get3A_593 = tpu.vector_load %arg8[%get3A_590, %get3A_591, %get3A_592] {strides = array<i32>} : memref<4x64x384xf32, #tpu.memory_space<vmem>>, vector<16xf32>,
        %mul3A_594 = arith.mulf %get3A_593, %get3A_289 : vector<16xf32>
        %swap3A_595 = arith.constant 1 : i32
        %swap3A_596 = arith.index_cast %swap3A_595 : i32 to index
        %swap3A_597 = arith.index_cast %scan3A_457 : i32 to index
        %swap3A_598 = arith.constant 192 : index
        %swap3A_599 = tpu.vector_load %arg8[%swap3A_596, %swap3A_597, %swap3A_598] {strides = array<i32>} : memref<4x64x384xf32, #tpu.memory_space<vmem>>, vector<16xf32>,
        tpu.vector_store %arg8[%swap3A_596, %swap3A_597, %swap3A_598], %mul3A_594 {strides = array<i32>} : memref<4x64x384xf32, #tpu.memory_space<vmem>>, vector<16xf32>,
        %get3A_600 = arith.constant 1 : i32
        %get3A_601 = arith.index_cast %get3A_600 : i32 to index
        %get3A_602 = arith.index_cast %scan3A_457 : i32 to index
        %get3A_603 = arith.constant 208 : index
        %get3A_604 = tpu.vector_load %arg8[%get3A_601, %get3A_602, %get3A_603] {strides = array<i32>} : memref<4x64x384xf32, #tpu.memory_space<vmem>>, vector<16xf32>,
        %mul3A_605 = arith.mulf %get3A_604, %get3A_289 : vector<16xf32>
        %swap3A_606 = arith.constant 1 : i32
        %swap3A_607 = arith.index_cast %swap3A_606 : i32 to index
        %swap3A_608 = arith.index_cast %scan3A_457 : i32 to index
        %swap3A_609 = arith.constant 208 : index
        %swap3A_610 = tpu.vector_load %arg8[%swap3A_607, %swap3A_608, %swap3A_609] {strides = array<i32>} : memref<4x64x384xf32, #tpu.memory_space<vmem>>, vector<16xf32>,
        tpu.vector_store %arg8[%swap3A_607, %swap3A_608, %swap3A_609], %mul3A_605 {strides = array<i32>} : memref<4x64x384xf32, #tpu.memory_space<vmem>>, vector<16xf32>,
        %get3A_611 = arith.constant 1 : i32
        %get3A_612 = arith.index_cast %get3A_611 : i32 to index
        %get3A_613 = arith.index_cast %scan3A_457 : i32 to index
        %get3A_614 = arith.constant 224 : index
        %get3A_615 = tpu.vector_load %arg8[%get3A_612, %get3A_613, %get3A_614] {strides = array<i32>} : memref<4x64x384xf32, #tpu.memory_space<vmem>>, vector<16xf32>,
        %mul3A_616 = arith.mulf %get3A_615, %get3A_289 : vector<16xf32>
        %swap3A_617 = arith.constant 1 : i32
        %swap3A_618 = arith.index_cast %swap3A_617 : i32 to index
        %swap3A_619 = arith.index_cast %scan3A_457 : i32 to index
        %swap3A_620 = arith.constant 224 : index
        %swap3A_621 = tpu.vector_load %arg8[%swap3A_618, %swap3A_619, %swap3A_620] {strides = array<i32>} : memref<4x64x384xf32, #tpu.memory_space<vmem>>, vector<16xf32>,
        tpu.vector_store %arg8[%swap3A_618, %swap3A_619, %swap3A_620], %mul3A_616 {strides = array<i32>} : memref<4x64x384xf32, #tpu.memory_space<vmem>>, vector<16xf32>,
        %get3A_622 = arith.constant 1 : i32
        %get3A_623 = arith.index_cast %get3A_622 : i32 to index
        %get3A_624 = arith.index_cast %scan3A_457 : i32 to index
        %get3A_625 = arith.constant 240 : index
        %get3A_626 = tpu.vector_load %arg8[%get3A_623, %get3A_624, %get3A_625] {strides = array<i32>} : memref<4x64x384xf32, #tpu.memory_space<vmem>>, vector<16xf32>,
        %mul3A_627 = arith.mulf %get3A_626, %get3A_289 : vector<16xf32>
        %swap3A_628 = arith.constant 1 : i32
        %swap3A_629 = arith.index_cast %swap3A_628 : i32 to index
        %swap3A_630 = arith.index_cast %scan3A_457 : i32 to index
        %swap3A_631 = arith.constant 240 : index
        %swap3A_632 = tpu.vector_load %arg8[%swap3A_629, %swap3A_630, %swap3A_631] {strides = array<i32>} : memref<4x64x384xf32, #tpu.memory_space<vmem>>, vector<16xf32>,
        tpu.vector_store %arg8[%swap3A_629, %swap3A_630, %swap3A_631], %mul3A_627 {strides = array<i32>} : memref<4x64x384xf32, #tpu.memory_space<vmem>>, vector<16xf32>,
        %get3A_633 = arith.constant 1 : i32
        %get3A_634 = arith.index_cast %get3A_633 : i32 to index
        %get3A_635 = arith.index_cast %scan3A_457 : i32 to index
        %get3A_636 = arith.constant 256 : index
        %get3A_637 = tpu.vector_load %arg8[%get3A_634, %get3A_635, %get3A_636] {strides = array<i32>} : memref<4x64x384xf32, #tpu.memory_space<vmem>>, vector<16xf32>,
        %mul3A_638 = arith.mulf %get3A_637, %get3A_289 : vector<16xf32>
        %swap3A_639 = arith.constant 1 : i32
        %swap3A_640 = arith.index_cast %swap3A_639 : i32 to index
        %swap3A_641 = arith.index_cast %scan3A_457 : i32 to index
        %swap3A_642 = arith.constant 256 : index
        %swap3A_643 = tpu.vector_load %arg8[%swap3A_640, %swap3A_641, %swap3A_642] {strides = array<i32>} : memref<4x64x384xf32, #tpu.memory_space<vmem>>, vector<16xf32>,
        tpu.vector_store %arg8[%swap3A_640, %swap3A_641, %swap3A_642], %mul3A_638 {strides = array<i32>} : memref<4x64x384xf32, #tpu.memory_space<vmem>>, vector<16xf32>,
        %get3A_644 = arith.constant 1 : i32
        %get3A_645 = arith.index_cast %get3A_644 : i32 to index
        %get3A_646 = arith.index_cast %scan3A_457 : i32 to index
        %get3A_647 = arith.constant 272 : index
        %get3A_648 = tpu.vector_load %arg8[%get3A_645, %get3A_646, %get3A_647] {strides = array<i32>} : memref<4x64x384xf32, #tpu.memory_space<vmem>>, vector<16xf32>,
        %mul3A_649 = arith.mulf %get3A_648, %get3A_289 : vector<16xf32>
        %swap3A_650 = arith.constant 1 : i32
        %swap3A_651 = arith.index_cast %swap3A_650 : i32 to index
        %swap3A_652 = arith.index_cast %scan3A_457 : i32 to index
        %swap3A_653 = arith.constant 272 : index
        %swap3A_654 = tpu.vector_load %arg8[%swap3A_651, %swap3A_652, %swap3A_653] {strides = array<i32>} : memref<4x64x384xf32, #tpu.memory_space<vmem>>, vector<16xf32>,
        tpu.vector_store %arg8[%swap3A_651, %swap3A_652, %swap3A_653], %mul3A_649 {strides = array<i32>} : memref<4x64x384xf32, #tpu.memory_space<vmem>>, vector<16xf32>,
        %get3A_655 = arith.constant 1 : i32
        %get3A_656 = arith.index_cast %get3A_655 : i32 to index
        %get3A_657 = arith.index_cast %scan3A_457 : i32 to index
        %get3A_658 = arith.constant 288 : index
        %get3A_659 = tpu.vector_load %arg8[%get3A_656, %get3A_657, %get3A_658] {strides = array<i32>} : memref<4x64x384xf32, #tpu.memory_space<vmem>>, vector<16xf32>,
        %mul3A_660 = arith.mulf %get3A_659, %get3A_289 : vector<16xf32>
        %swap3A_661 = arith.constant 1 : i32
        %swap3A_662 = arith.index_cast %swap3A_661 : i32 to index
        %swap3A_663 = arith.index_cast %scan3A_457 : i32 to index
        %swap3A_664 = arith.constant 288 : index
        %swap3A_665 = tpu.vector_load %arg8[%swap3A_662, %swap3A_663, %swap3A_664] {strides = array<i32>} : memref<4x64x384xf32, #tpu.memory_space<vmem>>, vector<16xf32>,
        tpu.vector_store %arg8[%swap3A_662, %swap3A_663, %swap3A_664], %mul3A_660 {strides = array<i32>} : memref<4x64x384xf32, #tpu.memory_space<vmem>>, vector<16xf32>,
        %get3A_666 = arith.constant 1 : i32
        %get3A_667 = arith.index_cast %get3A_666 : i32 to index
        %get3A_668 = arith.index_cast %scan3A_457 : i32 to index
        %get3A_669 = arith.constant 304 : index
        %get3A_670 = tpu.vector_load %arg8[%get3A_667, %get3A_668, %get3A_669] {strides = array<i32>} : memref<4x64x384xf32, #tpu.memory_space<vmem>>, vector<16xf32>,
        %mul3A_671 = arith.mulf %get3A_670, %get3A_289 : vector<16xf32>
        %swap3A_672 = arith.constant 1 : i32
        %swap3A_673 = arith.index_cast %swap3A_672 : i32 to index
        %swap3A_674 = arith.index_cast %scan3A_457 : i32 to index
        %swap3A_675 = arith.constant 304 : index
        %swap3A_676 = tpu.vector_load %arg8[%swap3A_673, %swap3A_674, %swap3A_675] {strides = array<i32>} : memref<4x64x384xf32, #tpu.memory_space<vmem>>, vector<16xf32>,
        tpu.vector_store %arg8[%swap3A_673, %swap3A_674, %swap3A_675], %mul3A_671 {strides = array<i32>} : memref<4x64x384xf32, #tpu.memory_space<vmem>>, vector<16xf32>,
        %get3A_677 = arith.constant 1 : i32
        %get3A_678 = arith.index_cast %get3A_677 : i32 to index
        %get3A_679 = arith.index_cast %scan3A_457 : i32 to index
        %get3A_680 = arith.constant 320 : index
        %get3A_681 = tpu.vector_load %arg8[%get3A_678, %get3A_679, %get3A_680] {strides = array<i32>} : memref<4x64x384xf32, #tpu.memory_space<vmem>>, vector<16xf32>,
        %mul3A_682 = arith.mulf %get3A_681, %get3A_289 : vector<16xf32>
        %swap3A_683 = arith.constant 1 : i32
        %swap3A_684 = arith.index_cast %swap3A_683 : i32 to index
        %swap3A_685 = arith.index_cast %scan3A_457 : i32 to index
        %swap3A_686 = arith.constant 320 : index
        %swap3A_687 = tpu.vector_load %arg8[%swap3A_684, %swap3A_685, %swap3A_686] {strides = array<i32>} : memref<4x64x384xf32, #tpu.memory_space<vmem>>, vector<16xf32>,
        tpu.vector_store %arg8[%swap3A_684, %swap3A_685, %swap3A_686], %mul3A_682 {strides = array<i32>} : memref<4x64x384xf32, #tpu.memory_space<vmem>>, vector<16xf32>,
        %get3A_688 = arith.constant 1 : i32
        %get3A_689 = arith.index_cast %get3A_688 : i32 to index
        %get3A_690 = arith.index_cast %scan3A_457 : i32 to index
        %get3A_691 = arith.constant 336 : index
        %get3A_692 = tpu.vector_load %arg8[%get3A_689, %get3A_690, %get3A_691] {strides = array<i32>} : memref<4x64x384xf32, #tpu.memory_space<vmem>>, vector<16xf32>,
        %mul3A_693 = arith.mulf %get3A_692, %get3A_289 : vector<16xf32>
        %swap3A_694 = arith.constant 1 : i32
        %swap3A_695 = arith.index_cast %swap3A_694 : i32 to index
        %swap3A_696 = arith.index_cast %scan3A_457 : i32 to index
        %swap3A_697 = arith.constant 336 : index
        %swap3A_698 = tpu.vector_load %arg8[%swap3A_695, %swap3A_696, %swap3A_697] {strides = array<i32>} : memref<4x64x384xf32, #tpu.memory_space<vmem>>, vector<16xf32>,
        tpu.vector_store %arg8[%swap3A_695, %swap3A_696, %swap3A_697], %mul3A_693 {strides = array<i32>} : memref<4x64x384xf32, #tpu.memory_space<vmem>>, vector<16xf32>,
        %get3A_699 = arith.constant 1 : i32
        %get3A_700 = arith.index_cast %get3A_699 : i32 to index
        %get3A_701 = arith.index_cast %scan3A_457 : i32 to index
        %get3A_702 = arith.constant 352 : index
        %get3A_703 = tpu.vector_load %arg8[%get3A_700, %get3A_701, %get3A_702] {strides = array<i32>} : memref<4x64x384xf32, #tpu.memory_space<vmem>>, vector<16xf32>,
        %mul3A_704 = arith.mulf %get3A_703, %get3A_289 : vector<16xf32>
        %swap3A_705 = arith.constant 1 : i32
        %swap3A_706 = arith.index_cast %swap3A_705 : i32 to index
        %swap3A_707 = arith.index_cast %scan3A_457 : i32 to index
        %swap3A_708 = arith.constant 352 : index
        %swap3A_709 = tpu.vector_load %arg8[%swap3A_706, %swap3A_707, %swap3A_708] {strides = array<i32>} : memref<4x64x384xf32, #tpu.memory_space<vmem>>, vector<16xf32>,
        tpu.vector_store %arg8[%swap3A_706, %swap3A_707, %swap3A_708], %mul3A_704 {strides = array<i32>} : memref<4x64x384xf32, #tpu.memory_space<vmem>>, vector<16xf32>,
        %get3A_710 = arith.constant 1 : i32
        %get3A_711 = arith.index_cast %get3A_710 : i32 to index
        %get3A_712 = arith.index_cast %scan3A_457 : i32 to index
        %get3A_713 = arith.constant 368 : index
        %get3A_714 = tpu.vector_load %arg8[%get3A_711, %get3A_712, %get3A_713] {strides = array<i32>} : memref<4x64x384xf32, #tpu.memory_space<vmem>>, vector<16xf32>,
        %mul3A_715 = arith.mulf %get3A_714, %get3A_289 : vector<16xf32>
        %swap3A_716 = arith.constant 1 : i32
        %swap3A_717 = arith.index_cast %swap3A_716 : i32 to index
        %swap3A_718 = arith.index_cast %scan3A_457 : i32 to index
        %swap3A_719 = arith.constant 368 : index
        %swap3A_720 = tpu.vector_load %arg8[%swap3A_717, %swap3A_718, %swap3A_719] {strides = array<i32>} : memref<4x64x384xf32, #tpu.memory_space<vmem>>, vector<16xf32>,
        tpu.vector_store %arg8[%swap3A_717, %swap3A_718, %swap3A_719], %mul3A_715 {strides = array<i32>} : memref<4x64x384xf32, #tpu.memory_space<vmem>>, vector<16xf32>,
      }
      %scan3A_295 = arith.constant 64 : i32
      %mul3A_296 = arith.constant 49 : i32
      %mul3A_297 = arith.muli %add3A, %mul3A_296 : i32
      %add3A_298 = arith.addi %mul3A_297, %add3A_253 : i32
      %dma_start3A_299 = arith.constant 1 : i32
      %dma_start3A_300 = arith.constant 1 : i32
      %dma_start3A_301 = arith.constant 0 : i32
      %dma_start3A_302 = arith.constant 0 : i32
      %dma_start3A_303 = tpu.memref_slice %arg8[%dma_start3A_299, %dma_start3A_301, %dma_start3A_302] : memref<4x64x384xf32, #tpu.memory_space<vmem>> -> memref<1x64x384xf32, #tpu.memory_space<vmem>>
      %dma_start3A_304 = tpu.memref_squeeze %dma_start3A_303 : memref<1x64x384xf32, #tpu.memory_space<vmem>> -> memref<64x384xf32, #tpu.memory_space<vmem>>
      %dma_start3A_305 = arith.constant 0 : i32
      %dma_start3A_306 = arith.constant 0 : i32
      %dma_start3A_307 = tpu.memref_slice %arg5[%add3A_298, %dma_start3A_305, %dma_start3A_306] : memref<1568x64x384xf32, #tpu.memory_space<hbm>> -> memref<1x64x384xf32, #tpu.memory_space<hbm>>
      %dma_start3A_308 = tpu.memref_squeeze %dma_start3A_307 : memref<1x64x384xf32, #tpu.memory_space<hbm>> -> memref<64x384xf32, #tpu.memory_space<hbm>>
      %dma_start3A_309 = tpu.memref_slice %arg10[%dma_start3A_300] : memref<4x!tpu.dma_semaphore, #tpu.memory_space<semaphore_mem>> -> memref<1x!tpu.dma_semaphore, #tpu.memory_space<semaphore_mem>>
      %dma_start3A_310 = tpu.memref_squeeze %dma_start3A_309 : memref<1x!tpu.dma_semaphore, #tpu.memory_space<semaphore_mem>> -> memref<!tpu.dma_semaphore, #tpu.memory_space<semaphore_mem>>
      %dma_start3A_311 = arith.constant 0 : i32
      %dma_start3A_312 = arith.constant 0 : i32
      %dma_start3A_313 = tpu.memref_slice %arg5[%add3A_298, %dma_start3A_311, %dma_start3A_312] : memref<1568x64x384xf32, #tpu.memory_space<hbm>> -> memref<1x64x384xf32, #tpu.memory_space<hbm>>
      %dma_start3A_314 = tpu.memref_squeeze %dma_start3A_313 : memref<1x64x384xf32, #tpu.memory_space<hbm>> -> memref<64x384xf32, #tpu.memory_space<hbm>>
      %dma_start3A_315 = arith.constant 0 : i32
      %dma_start3A_316 = arith.constant 0 : i32
      %dma_start3A_317 = tpu.memref_slice %arg8[%dma_start3A_299, %dma_start3A_315, %dma_start3A_316] : memref<4x64x384xf32, #tpu.memory_space<vmem>> -> memref<1x64x384xf32, #tpu.memory_space<vmem>>
      %dma_start3A_318 = tpu.memref_squeeze %dma_start3A_317 : memref<1x64x384xf32, #tpu.memory_space<vmem>> -> memref<64x384xf32, #tpu.memory_space<vmem>>
      tpu.enqueue_dma source(%dma_start3A_318 : memref<64x384xf32, #tpu.memory_space<vmem>>) target(%dma_start3A_314 : memref<64x384xf32, #tpu.memory_space<hbm>>) target_semaphore(%dma_start3A_310 : memref<!tpu.dma_semaphore, #tpu.memory_space<semaphore_mem>>)
      %mul3A_319 = arith.constant 4 : i32
      %mul3A_320 = arith.muli %scan3A_184, %mul3A_319 : i32
      %add3A_321 = arith.constant 2 : i32
      %add3A_322 = arith.addi %mul3A_320, %add3A_321 : i32
      %ge3A_323 = arith.constant 2 : i32
      %ge3A_324 = arith.cmpi sge, %add3A_322, %ge3A_323 : i32
      %convert_element_type3A_325 = arith.extui %ge3A_324 : i1 to i32
      %cond3A_326 = arith.constant 0 : i32
      %cond3A_327 = arith.cmpi ne, %convert_element_type3A_325, %cond3A_326 : i32
      scf.if %cond3A_327 {
        %dma_wait3A_457 = arith.constant 0 : i32
        %dma_wait3A_458 = arith.constant 0 : i32
        %dma_wait3A_459 = arith.constant 0 : i32
        %dma_wait3A_460 = arith.constant 0 : i32
        %dma_wait3A_461 = arith.constant 0 : i32
        %dma_wait3A_462 = tpu.memref_slice %arg8[%dma_wait3A_457, %dma_wait3A_460, %dma_wait3A_461] : memref<4x64x384xf32, #tpu.memory_space<vmem>> -> memref<1x64x384xf32, #tpu.memory_space<vmem>>
        %dma_wait3A_463 = tpu.memref_squeeze %dma_wait3A_462 : memref<1x64x384xf32, #tpu.memory_space<vmem>> -> memref<64x384xf32, #tpu.memory_space<vmem>>
        %dma_wait3A_464 = arith.constant 0 : i32
        %dma_wait3A_465 = arith.constant 0 : i32
        %dma_wait3A_466 = tpu.memref_slice %arg5[%dma_wait3A_458, %dma_wait3A_464, %dma_wait3A_465] : memref<1568x64x384xf32, #tpu.memory_space<hbm>> -> memref<1x64x384xf32, #tpu.memory_space<hbm>>
        %dma_wait3A_467 = tpu.memref_squeeze %dma_wait3A_466 : memref<1x64x384xf32, #tpu.memory_space<hbm>> -> memref<64x384xf32, #tpu.memory_space<hbm>>
        %dma_wait3A_468 = tpu.memref_slice %arg10[%dma_wait3A_459] : memref<4x!tpu.dma_semaphore, #tpu.memory_space<semaphore_mem>> -> memref<1x!tpu.dma_semaphore, #tpu.memory_space<semaphore_mem>>
        %dma_wait3A_469 = tpu.memref_squeeze %dma_wait3A_468 : memref<1x!tpu.dma_semaphore, #tpu.memory_space<semaphore_mem>> -> memref<!tpu.dma_semaphore, #tpu.memory_space<semaphore_mem>>
        %dma_wait3A_470 = arith.constant 0 : i32
        %dma_wait3A_471 = arith.constant 0 : i32
        %dma_wait3A_472 = tpu.memref_slice %arg5[%dma_wait3A_458, %dma_wait3A_470, %dma_wait3A_471] : memref<1568x64x384xf32, #tpu.memory_space<hbm>> -> memref<1x64x384xf32, #tpu.memory_space<hbm>>
        %dma_wait3A_473 = tpu.memref_squeeze %dma_wait3A_472 : memref<1x64x384xf32, #tpu.memory_space<hbm>> -> memref<64x384xf32, #tpu.memory_space<hbm>>
        %dma_wait3A_474 = arith.constant 0 : i32
        %dma_wait3A_475 = arith.constant 0 : i32
        %dma_wait3A_476 = tpu.memref_slice %arg8[%dma_wait3A_457, %dma_wait3A_474, %dma_wait3A_475] : memref<4x64x384xf32, #tpu.memory_space<vmem>> -> memref<1x64x384xf32, #tpu.memory_space<vmem>>
        %dma_wait3A_477 = tpu.memref_squeeze %dma_wait3A_476 : memref<1x64x384xf32, #tpu.memory_space<vmem>> -> memref<64x384xf32, #tpu.memory_space<vmem>>
        tpu.wait_dma2 semaphore(%dma_wait3A_469 : memref<!tpu.dma_semaphore, #tpu.memory_space<semaphore_mem>>) src(%dma_wait3A_477 : memref<64x384xf32, #tpu.memory_space<vmem>>) dst(%dma_wait3A_473 : memref<64x384xf32, #tpu.memory_space<hbm>>)
      } else {
      }
      %add3A_328 = arith.constant 2 : i32
      %add3A_329 = arith.addi %add3A_322, %add3A_328 : i32
      %lt3A_330 = arith.constant 49 : i32
      %lt3A_331 = arith.cmpi slt, %add3A_329, %lt3A_330 : i32
      %convert_element_type3A_332 = arith.extui %lt3A_331 : i1 to i32
      %cond3A_333 = arith.constant 0 : i32
      %cond3A_334 = arith.cmpi ne, %convert_element_type3A_332, %cond3A_333 : i32
      scf.if %cond3A_334 {
        %add3A_457 = arith.constant 2 : i32
        %add3A_458 = arith.addi %add3A_322, %add3A_457 : i32
        %get3A_459 = arith.index_cast %add3A_458 : i32 to index
        %get3A_460 = arith.constant 0 : index
        %get3A_461 = tpu.vector_load %arg6[%get3A_459, %get3A_460] {strides = array<i32>} : memref<49x16xi32, #tpu.memory_space<vmem>>, vector<16xi32>,
        %reduce_max3A_462 = arith.constant true
        %reduce_max3A_463 = vector.broadcast %reduce_max3A_462 : i1 to vector<16xi1>
        %reduce_max3A_464 = arith.constant -2147483648 : i32
        %reduce_max3A_465 = vector.broadcast %reduce_max3A_464 : i32 to vector<16xi32>
        %reduce_max3A_466 = arith.xori %get3A_461, %reduce_max3A_465 : vector<16xi32>
        %reduce_max3A_467 = tpu.scan <max>, %reduce_max3A_466 masked %reduce_max3A_463 : vector<16xi32>, vector<16xi1> -> vector<16xi32>
        %reduce_max3A_468 = arith.xori %reduce_max3A_467, %reduce_max3A_465 : vector<16xi32>
        %reduce_max3A_469 = vector.extract %reduce_max3A_468[15] : i32 from vector<16xi32>
        %dma_start3A_470 = arith.constant 0 : i32
        %dma_start3A_471 = arith.constant 0 : i32
        %dma_start3A_472 = arith.constant 0 : i32
        %dma_start3A_473 = arith.constant 0 : i32
        %dma_start3A_474 = tpu.memref_slice %arg8[%dma_start3A_470, %dma_start3A_472, %dma_start3A_473] : memref<4x64x384xf32, #tpu.memory_space<vmem>> -> memref<1x64x384xf32, #tpu.memory_space<vmem>>
        %dma_start3A_475 = tpu.memref_squeeze %dma_start3A_474 : memref<1x64x384xf32, #tpu.memory_space<vmem>> -> memref<64x384xf32, #tpu.memory_space<vmem>>
        %dma_start3A_476 = arith.constant 0 : i32
        %dma_start3A_477 = arith.constant 0 : i32
        %dma_start3A_478 = tpu.memref_slice %arg4[%reduce_max3A_469, %dma_start3A_476, %dma_start3A_477] : memref<392x64x384xf32, #tpu.memory_space<hbm>> -> memref<1x64x384xf32, #tpu.memory_space<hbm>>
        %dma_start3A_479 = tpu.memref_squeeze %dma_start3A_478 : memref<1x64x384xf32, #tpu.memory_space<hbm>> -> memref<64x384xf32, #tpu.memory_space<hbm>>
        %dma_start3A_480 = tpu.memref_slice %arg9[%dma_start3A_471] : memref<4x!tpu.dma_semaphore, #tpu.memory_space<semaphore_mem>> -> memref<1x!tpu.dma_semaphore, #tpu.memory_space<semaphore_mem>>
        %dma_start3A_481 = tpu.memref_squeeze %dma_start3A_480 : memref<1x!tpu.dma_semaphore, #tpu.memory_space<semaphore_mem>> -> memref<!tpu.dma_semaphore, #tpu.memory_space<semaphore_mem>>
        %dma_start3A_482 = arith.constant 0 : i32
        %dma_start3A_483 = arith.constant 0 : i32
        %dma_start3A_484 = tpu.memref_slice %arg8[%dma_start3A_470, %dma_start3A_482, %dma_start3A_483] : memref<4x64x384xf32, #tpu.memory_space<vmem>> -> memref<1x64x384xf32, #tpu.memory_space<vmem>>
        %dma_start3A_485 = tpu.memref_squeeze %dma_start3A_484 : memref<1x64x384xf32, #tpu.memory_space<vmem>> -> memref<64x384xf32, #tpu.memory_space<vmem>>
        %dma_start3A_486 = arith.constant 0 : i32
        %dma_start3A_487 = arith.constant 0 : i32
        %dma_start3A_488 = tpu.memref_slice %arg4[%reduce_max3A_469, %dma_start3A_486, %dma_start3A_487] : memref<392x64x384xf32, #tpu.memory_space<hbm>> -> memref<1x64x384xf32, #tpu.memory_space<hbm>>
        %dma_start3A_489 = tpu.memref_squeeze %dma_start3A_488 : memref<1x64x384xf32, #tpu.memory_space<hbm>> -> memref<64x384xf32, #tpu.memory_space<hbm>>
        tpu.enqueue_dma source(%dma_start3A_489 : memref<64x384xf32, #tpu.memory_space<hbm>>) target(%dma_start3A_485 : memref<64x384xf32, #tpu.memory_space<vmem>>) target_semaphore(%dma_start3A_481 : memref<!tpu.dma_semaphore, #tpu.memory_space<semaphore_mem>>)
      } else {
      }
      %dma_wait3A_335 = arith.constant 0 : i32
      %dma_wait3A_336 = arith.constant 2 : i32
      %dma_wait3A_337 = arith.constant 2 : i32
      %dma_wait3A_338 = arith.constant 0 : i32
      %dma_wait3A_339 = arith.constant 0 : i32
      %dma_wait3A_340 = tpu.memref_slice %arg8[%dma_wait3A_336, %dma_wait3A_338, %dma_wait3A_339] : memref<4x64x384xf32, #tpu.memory_space<vmem>> -> memref<1x64x384xf32, #tpu.memory_space<vmem>>
      %dma_wait3A_341 = tpu.memref_squeeze %dma_wait3A_340 : memref<1x64x384xf32, #tpu.memory_space<vmem>> -> memref<64x384xf32, #tpu.memory_space<vmem>>
      %dma_wait3A_342 = arith.constant 0 : i32
      %dma_wait3A_343 = arith.constant 0 : i32
      %dma_wait3A_344 = tpu.memref_slice %arg4[%dma_wait3A_335, %dma_wait3A_342, %dma_wait3A_343] : memref<392x64x384xf32, #tpu.memory_space<hbm>> -> memref<1x64x384xf32, #tpu.memory_space<hbm>>
      %dma_wait3A_345 = tpu.memref_squeeze %dma_wait3A_344 : memref<1x64x384xf32, #tpu.memory_space<hbm>> -> memref<64x384xf32, #tpu.memory_space<hbm>>
      %dma_wait3A_346 = tpu.memref_slice %arg9[%dma_wait3A_337] : memref<4x!tpu.dma_semaphore, #tpu.memory_space<semaphore_mem>> -> memref<1x!tpu.dma_semaphore, #tpu.memory_space<semaphore_mem>>
      %dma_wait3A_347 = tpu.memref_squeeze %dma_wait3A_346 : memref<1x!tpu.dma_semaphore, #tpu.memory_space<semaphore_mem>> -> memref<!tpu.dma_semaphore, #tpu.memory_space<semaphore_mem>>
      %dma_wait3A_348 = arith.constant 0 : i32
      %dma_wait3A_349 = arith.constant 0 : i32
      %dma_wait3A_350 = tpu.memref_slice %arg8[%dma_wait3A_336, %dma_wait3A_348, %dma_wait3A_349] : memref<4x64x384xf32, #tpu.memory_space<vmem>> -> memref<1x64x384xf32, #tpu.memory_space<vmem>>
      %dma_wait3A_351 = tpu.memref_squeeze %dma_wait3A_350 : memref<1x64x384xf32, #tpu.memory_space<vmem>> -> memref<64x384xf32, #tpu.memory_space<vmem>>
      %dma_wait3A_352 = arith.constant 0 : i32
      %dma_wait3A_353 = arith.constant 0 : i32
      %dma_wait3A_354 = tpu.memref_slice %arg4[%dma_wait3A_335, %dma_wait3A_352, %dma_wait3A_353] : memref<392x64x384xf32, #tpu.memory_space<hbm>> -> memref<1x64x384xf32, #tpu.memory_space<hbm>>
      %dma_wait3A_355 = tpu.memref_squeeze %dma_wait3A_354 : memref<1x64x384xf32, #tpu.memory_space<hbm>> -> memref<64x384xf32, #tpu.memory_space<hbm>>
      tpu.wait_dma2 semaphore(%dma_wait3A_347 : memref<!tpu.dma_semaphore, #tpu.memory_space<semaphore_mem>>) src(%dma_wait3A_355 : memref<64x384xf32, #tpu.memory_space<hbm>>) dst(%dma_wait3A_351 : memref<64x384xf32, #tpu.memory_space<vmem>>)
      %get3A_356 = arith.index_cast %add3A_322 : i32 to index
      %get3A_357 = arith.constant 0 : index
      %get3A_358 = tpu.vector_load %arg7[%get3A_356, %get3A_357] {strides = array<i32>} : memref<49x16xf32, #tpu.memory_space<vmem>>, vector<16xf32>,
      %scan3A_359 = arith.constant 0 : i32
      %scan3A_360 = arith.constant 0 : i32
      %scan3A_361 = arith.constant 64 : i32
      %scan3A_362 = arith.addi %scan3A_360, %scan3A_361 : i32
      %scan3A_363 = arith.constant 1 : i32
      scf.for %scan3A_457 = %scan3A_360 to %scan3A_362 step %scan3A_363  : i32 {
        %get3A_458 = arith.constant 2 : i32
        %get3A_459 = arith.index_cast %get3A_458 : i32 to index
        %get3A_460 = arith.index_cast %scan3A_457 : i32 to index
        %get3A_461 = arith.constant 0 : index
        %get3A_462 = tpu.vector_load %arg8[%get3A_459, %get3A_460, %get3A_461] {strides = array<i32>} : memref<4x64x384xf32, #tpu.memory_space<vmem>>, vector<16xf32>,
        %mul3A_463 = arith.mulf %get3A_462, %get3A_358 : vector<16xf32>
        %swap3A = arith.constant 2 : i32
        %swap3A_464 = arith.index_cast %swap3A : i32 to index
        %swap3A_465 = arith.index_cast %scan3A_457 : i32 to index
        %swap3A_466 = arith.constant 0 : index
        %swap3A_467 = tpu.vector_load %arg8[%swap3A_464, %swap3A_465, %swap3A_466] {strides = array<i32>} : memref<4x64x384xf32, #tpu.memory_space<vmem>>, vector<16xf32>,
        tpu.vector_store %arg8[%swap3A_464, %swap3A_465, %swap3A_466], %mul3A_463 {strides = array<i32>} : memref<4x64x384xf32, #tpu.memory_space<vmem>>, vector<16xf32>,
        %get3A_468 = arith.constant 2 : i32
        %get3A_469 = arith.index_cast %get3A_468 : i32 to index
        %get3A_470 = arith.index_cast %scan3A_457 : i32 to index
        %get3A_471 = arith.constant 16 : index
        %get3A_472 = tpu.vector_load %arg8[%get3A_469, %get3A_470, %get3A_471] {strides = array<i32>} : memref<4x64x384xf32, #tpu.memory_space<vmem>>, vector<16xf32>,
        %mul3A_473 = arith.mulf %get3A_472, %get3A_358 : vector<16xf32>
        %swap3A_474 = arith.constant 2 : i32
        %swap3A_475 = arith.index_cast %swap3A_474 : i32 to index
        %swap3A_476 = arith.index_cast %scan3A_457 : i32 to index
        %swap3A_477 = arith.constant 16 : index
        %swap3A_478 = tpu.vector_load %arg8[%swap3A_475, %swap3A_476, %swap3A_477] {strides = array<i32>} : memref<4x64x384xf32, #tpu.memory_space<vmem>>, vector<16xf32>,
        tpu.vector_store %arg8[%swap3A_475, %swap3A_476, %swap3A_477], %mul3A_473 {strides = array<i32>} : memref<4x64x384xf32, #tpu.memory_space<vmem>>, vector<16xf32>,
        %get3A_479 = arith.constant 2 : i32
        %get3A_480 = arith.index_cast %get3A_479 : i32 to index
        %get3A_481 = arith.index_cast %scan3A_457 : i32 to index
        %get3A_482 = arith.constant 32 : index
        %get3A_483 = tpu.vector_load %arg8[%get3A_480, %get3A_481, %get3A_482] {strides = array<i32>} : memref<4x64x384xf32, #tpu.memory_space<vmem>>, vector<16xf32>,
        %mul3A_484 = arith.mulf %get3A_483, %get3A_358 : vector<16xf32>
        %swap3A_485 = arith.constant 2 : i32
        %swap3A_486 = arith.index_cast %swap3A_485 : i32 to index
        %swap3A_487 = arith.index_cast %scan3A_457 : i32 to index
        %swap3A_488 = arith.constant 32 : index
        %swap3A_489 = tpu.vector_load %arg8[%swap3A_486, %swap3A_487, %swap3A_488] {strides = array<i32>} : memref<4x64x384xf32, #tpu.memory_space<vmem>>, vector<16xf32>,
        tpu.vector_store %arg8[%swap3A_486, %swap3A_487, %swap3A_488], %mul3A_484 {strides = array<i32>} : memref<4x64x384xf32, #tpu.memory_space<vmem>>, vector<16xf32>,
        %get3A_490 = arith.constant 2 : i32
        %get3A_491 = arith.index_cast %get3A_490 : i32 to index
        %get3A_492 = arith.index_cast %scan3A_457 : i32 to index
        %get3A_493 = arith.constant 48 : index
        %get3A_494 = tpu.vector_load %arg8[%get3A_491, %get3A_492, %get3A_493] {strides = array<i32>} : memref<4x64x384xf32, #tpu.memory_space<vmem>>, vector<16xf32>,
        %mul3A_495 = arith.mulf %get3A_494, %get3A_358 : vector<16xf32>
        %swap3A_496 = arith.constant 2 : i32
        %swap3A_497 = arith.index_cast %swap3A_496 : i32 to index
        %swap3A_498 = arith.index_cast %scan3A_457 : i32 to index
        %swap3A_499 = arith.constant 48 : index
        %swap3A_500 = tpu.vector_load %arg8[%swap3A_497, %swap3A_498, %swap3A_499] {strides = array<i32>} : memref<4x64x384xf32, #tpu.memory_space<vmem>>, vector<16xf32>,
        tpu.vector_store %arg8[%swap3A_497, %swap3A_498, %swap3A_499], %mul3A_495 {strides = array<i32>} : memref<4x64x384xf32, #tpu.memory_space<vmem>>, vector<16xf32>,
        %get3A_501 = arith.constant 2 : i32
        %get3A_502 = arith.index_cast %get3A_501 : i32 to index
        %get3A_503 = arith.index_cast %scan3A_457 : i32 to index
        %get3A_504 = arith.constant 64 : index
        %get3A_505 = tpu.vector_load %arg8[%get3A_502, %get3A_503, %get3A_504] {strides = array<i32>} : memref<4x64x384xf32, #tpu.memory_space<vmem>>, vector<16xf32>,
        %mul3A_506 = arith.mulf %get3A_505, %get3A_358 : vector<16xf32>
        %swap3A_507 = arith.constant 2 : i32
        %swap3A_508 = arith.index_cast %swap3A_507 : i32 to index
        %swap3A_509 = arith.index_cast %scan3A_457 : i32 to index
        %swap3A_510 = arith.constant 64 : index
        %swap3A_511 = tpu.vector_load %arg8[%swap3A_508, %swap3A_509, %swap3A_510] {strides = array<i32>} : memref<4x64x384xf32, #tpu.memory_space<vmem>>, vector<16xf32>,
        tpu.vector_store %arg8[%swap3A_508, %swap3A_509, %swap3A_510], %mul3A_506 {strides = array<i32>} : memref<4x64x384xf32, #tpu.memory_space<vmem>>, vector<16xf32>,
        %get3A_512 = arith.constant 2 : i32
        %get3A_513 = arith.index_cast %get3A_512 : i32 to index
        %get3A_514 = arith.index_cast %scan3A_457 : i32 to index
        %get3A_515 = arith.constant 80 : index
        %get3A_516 = tpu.vector_load %arg8[%get3A_513, %get3A_514, %get3A_515] {strides = array<i32>} : memref<4x64x384xf32, #tpu.memory_space<vmem>>, vector<16xf32>,
        %mul3A_517 = arith.mulf %get3A_516, %get3A_358 : vector<16xf32>
        %swap3A_518 = arith.constant 2 : i32
        %swap3A_519 = arith.index_cast %swap3A_518 : i32 to index
        %swap3A_520 = arith.index_cast %scan3A_457 : i32 to index
        %swap3A_521 = arith.constant 80 : index
        %swap3A_522 = tpu.vector_load %arg8[%swap3A_519, %swap3A_520, %swap3A_521] {strides = array<i32>} : memref<4x64x384xf32, #tpu.memory_space<vmem>>, vector<16xf32>,
        tpu.vector_store %arg8[%swap3A_519, %swap3A_520, %swap3A_521], %mul3A_517 {strides = array<i32>} : memref<4x64x384xf32, #tpu.memory_space<vmem>>, vector<16xf32>,
        %get3A_523 = arith.constant 2 : i32
        %get3A_524 = arith.index_cast %get3A_523 : i32 to index
        %get3A_525 = arith.index_cast %scan3A_457 : i32 to index
        %get3A_526 = arith.constant 96 : index
        %get3A_527 = tpu.vector_load %arg8[%get3A_524, %get3A_525, %get3A_526] {strides = array<i32>} : memref<4x64x384xf32, #tpu.memory_space<vmem>>, vector<16xf32>,
        %mul3A_528 = arith.mulf %get3A_527, %get3A_358 : vector<16xf32>
        %swap3A_529 = arith.constant 2 : i32
        %swap3A_530 = arith.index_cast %swap3A_529 : i32 to index
        %swap3A_531 = arith.index_cast %scan3A_457 : i32 to index
        %swap3A_532 = arith.constant 96 : index
        %swap3A_533 = tpu.vector_load %arg8[%swap3A_530, %swap3A_531, %swap3A_532] {strides = array<i32>} : memref<4x64x384xf32, #tpu.memory_space<vmem>>, vector<16xf32>,
        tpu.vector_store %arg8[%swap3A_530, %swap3A_531, %swap3A_532], %mul3A_528 {strides = array<i32>} : memref<4x64x384xf32, #tpu.memory_space<vmem>>, vector<16xf32>,
        %get3A_534 = arith.constant 2 : i32
        %get3A_535 = arith.index_cast %get3A_534 : i32 to index
        %get3A_536 = arith.index_cast %scan3A_457 : i32 to index
        %get3A_537 = arith.constant 112 : index
        %get3A_538 = tpu.vector_load %arg8[%get3A_535, %get3A_536, %get3A_537] {strides = array<i32>} : memref<4x64x384xf32, #tpu.memory_space<vmem>>, vector<16xf32>,
        %mul3A_539 = arith.mulf %get3A_538, %get3A_358 : vector<16xf32>
        %swap3A_540 = arith.constant 2 : i32
        %swap3A_541 = arith.index_cast %swap3A_540 : i32 to index
        %swap3A_542 = arith.index_cast %scan3A_457 : i32 to index
        %swap3A_543 = arith.constant 112 : index
        %swap3A_544 = tpu.vector_load %arg8[%swap3A_541, %swap3A_542, %swap3A_543] {strides = array<i32>} : memref<4x64x384xf32, #tpu.memory_space<vmem>>, vector<16xf32>,
        tpu.vector_store %arg8[%swap3A_541, %swap3A_542, %swap3A_543], %mul3A_539 {strides = array<i32>} : memref<4x64x384xf32, #tpu.memory_space<vmem>>, vector<16xf32>,
        %get3A_545 = arith.constant 2 : i32
        %get3A_546 = arith.index_cast %get3A_545 : i32 to index
        %get3A_547 = arith.index_cast %scan3A_457 : i32 to index
        %get3A_548 = arith.constant 128 : index
        %get3A_549 = tpu.vector_load %arg8[%get3A_546, %get3A_547, %get3A_548] {strides = array<i32>} : memref<4x64x384xf32, #tpu.memory_space<vmem>>, vector<16xf32>,
        %mul3A_550 = arith.mulf %get3A_549, %get3A_358 : vector<16xf32>
        %swap3A_551 = arith.constant 2 : i32
        %swap3A_552 = arith.index_cast %swap3A_551 : i32 to index
        %swap3A_553 = arith.index_cast %scan3A_457 : i32 to index
        %swap3A_554 = arith.constant 128 : index
        %swap3A_555 = tpu.vector_load %arg8[%swap3A_552, %swap3A_553, %swap3A_554] {strides = array<i32>} : memref<4x64x384xf32, #tpu.memory_space<vmem>>, vector<16xf32>,
        tpu.vector_store %arg8[%swap3A_552, %swap3A_553, %swap3A_554], %mul3A_550 {strides = array<i32>} : memref<4x64x384xf32, #tpu.memory_space<vmem>>, vector<16xf32>,
        %get3A_556 = arith.constant 2 : i32
        %get3A_557 = arith.index_cast %get3A_556 : i32 to index
        %get3A_558 = arith.index_cast %scan3A_457 : i32 to index
        %get3A_559 = arith.constant 144 : index
        %get3A_560 = tpu.vector_load %arg8[%get3A_557, %get3A_558, %get3A_559] {strides = array<i32>} : memref<4x64x384xf32, #tpu.memory_space<vmem>>, vector<16xf32>,
        %mul3A_561 = arith.mulf %get3A_560, %get3A_358 : vector<16xf32>
        %swap3A_562 = arith.constant 2 : i32
        %swap3A_563 = arith.index_cast %swap3A_562 : i32 to index
        %swap3A_564 = arith.index_cast %scan3A_457 : i32 to index
        %swap3A_565 = arith.constant 144 : index
        %swap3A_566 = tpu.vector_load %arg8[%swap3A_563, %swap3A_564, %swap3A_565] {strides = array<i32>} : memref<4x64x384xf32, #tpu.memory_space<vmem>>, vector<16xf32>,
        tpu.vector_store %arg8[%swap3A_563, %swap3A_564, %swap3A_565], %mul3A_561 {strides = array<i32>} : memref<4x64x384xf32, #tpu.memory_space<vmem>>, vector<16xf32>,
        %get3A_567 = arith.constant 2 : i32
        %get3A_568 = arith.index_cast %get3A_567 : i32 to index
        %get3A_569 = arith.index_cast %scan3A_457 : i32 to index
        %get3A_570 = arith.constant 160 : index
        %get3A_571 = tpu.vector_load %arg8[%get3A_568, %get3A_569, %get3A_570] {strides = array<i32>} : memref<4x64x384xf32, #tpu.memory_space<vmem>>, vector<16xf32>,
        %mul3A_572 = arith.mulf %get3A_571, %get3A_358 : vector<16xf32>
        %swap3A_573 = arith.constant 2 : i32
        %swap3A_574 = arith.index_cast %swap3A_573 : i32 to index
        %swap3A_575 = arith.index_cast %scan3A_457 : i32 to index
        %swap3A_576 = arith.constant 160 : index
        %swap3A_577 = tpu.vector_load %arg8[%swap3A_574, %swap3A_575, %swap3A_576] {strides = array<i32>} : memref<4x64x384xf32, #tpu.memory_space<vmem>>, vector<16xf32>,
        tpu.vector_store %arg8[%swap3A_574, %swap3A_575, %swap3A_576], %mul3A_572 {strides = array<i32>} : memref<4x64x384xf32, #tpu.memory_space<vmem>>, vector<16xf32>,
        %get3A_578 = arith.constant 2 : i32
        %get3A_579 = arith.index_cast %get3A_578 : i32 to index
        %get3A_580 = arith.index_cast %scan3A_457 : i32 to index
        %get3A_581 = arith.constant 176 : index
        %get3A_582 = tpu.vector_load %arg8[%get3A_579, %get3A_580, %get3A_581] {strides = array<i32>} : memref<4x64x384xf32, #tpu.memory_space<vmem>>, vector<16xf32>,
        %mul3A_583 = arith.mulf %get3A_582, %get3A_358 : vector<16xf32>
        %swap3A_584 = arith.constant 2 : i32
        %swap3A_585 = arith.index_cast %swap3A_584 : i32 to index
        %swap3A_586 = arith.index_cast %scan3A_457 : i32 to index
        %swap3A_587 = arith.constant 176 : index
        %swap3A_588 = tpu.vector_load %arg8[%swap3A_585, %swap3A_586, %swap3A_587] {strides = array<i32>} : memref<4x64x384xf32, #tpu.memory_space<vmem>>, vector<16xf32>,
        tpu.vector_store %arg8[%swap3A_585, %swap3A_586, %swap3A_587], %mul3A_583 {strides = array<i32>} : memref<4x64x384xf32, #tpu.memory_space<vmem>>, vector<16xf32>,
        %get3A_589 = arith.constant 2 : i32
        %get3A_590 = arith.index_cast %get3A_589 : i32 to index
        %get3A_591 = arith.index_cast %scan3A_457 : i32 to index
        %get3A_592 = arith.constant 192 : index
        %get3A_593 = tpu.vector_load %arg8[%get3A_590, %get3A_591, %get3A_592] {strides = array<i32>} : memref<4x64x384xf32, #tpu.memory_space<vmem>>, vector<16xf32>,
        %mul3A_594 = arith.mulf %get3A_593, %get3A_358 : vector<16xf32>
        %swap3A_595 = arith.constant 2 : i32
        %swap3A_596 = arith.index_cast %swap3A_595 : i32 to index
        %swap3A_597 = arith.index_cast %scan3A_457 : i32 to index
        %swap3A_598 = arith.constant 192 : index
        %swap3A_599 = tpu.vector_load %arg8[%swap3A_596, %swap3A_597, %swap3A_598] {strides = array<i32>} : memref<4x64x384xf32, #tpu.memory_space<vmem>>, vector<16xf32>,
        tpu.vector_store %arg8[%swap3A_596, %swap3A_597, %swap3A_598], %mul3A_594 {strides = array<i32>} : memref<4x64x384xf32, #tpu.memory_space<vmem>>, vector<16xf32>,
        %get3A_600 = arith.constant 2 : i32
        %get3A_601 = arith.index_cast %get3A_600 : i32 to index
        %get3A_602 = arith.index_cast %scan3A_457 : i32 to index
        %get3A_603 = arith.constant 208 : index
        %get3A_604 = tpu.vector_load %arg8[%get3A_601, %get3A_602, %get3A_603] {strides = array<i32>} : memref<4x64x384xf32, #tpu.memory_space<vmem>>, vector<16xf32>,
        %mul3A_605 = arith.mulf %get3A_604, %get3A_358 : vector<16xf32>
        %swap3A_606 = arith.constant 2 : i32
        %swap3A_607 = arith.index_cast %swap3A_606 : i32 to index
        %swap3A_608 = arith.index_cast %scan3A_457 : i32 to index
        %swap3A_609 = arith.constant 208 : index
        %swap3A_610 = tpu.vector_load %arg8[%swap3A_607, %swap3A_608, %swap3A_609] {strides = array<i32>} : memref<4x64x384xf32, #tpu.memory_space<vmem>>, vector<16xf32>,
        tpu.vector_store %arg8[%swap3A_607, %swap3A_608, %swap3A_609], %mul3A_605 {strides = array<i32>} : memref<4x64x384xf32, #tpu.memory_space<vmem>>, vector<16xf32>,
        %get3A_611 = arith.constant 2 : i32
        %get3A_612 = arith.index_cast %get3A_611 : i32 to index
        %get3A_613 = arith.index_cast %scan3A_457 : i32 to index
        %get3A_614 = arith.constant 224 : index
        %get3A_615 = tpu.vector_load %arg8[%get3A_612, %get3A_613, %get3A_614] {strides = array<i32>} : memref<4x64x384xf32, #tpu.memory_space<vmem>>, vector<16xf32>,
        %mul3A_616 = arith.mulf %get3A_615, %get3A_358 : vector<16xf32>
        %swap3A_617 = arith.constant 2 : i32
        %swap3A_618 = arith.index_cast %swap3A_617 : i32 to index
        %swap3A_619 = arith.index_cast %scan3A_457 : i32 to index
        %swap3A_620 = arith.constant 224 : index
        %swap3A_621 = tpu.vector_load %arg8[%swap3A_618, %swap3A_619, %swap3A_620] {strides = array<i32>} : memref<4x64x384xf32, #tpu.memory_space<vmem>>, vector<16xf32>,
        tpu.vector_store %arg8[%swap3A_618, %swap3A_619, %swap3A_620], %mul3A_616 {strides = array<i32>} : memref<4x64x384xf32, #tpu.memory_space<vmem>>, vector<16xf32>,
        %get3A_622 = arith.constant 2 : i32
        %get3A_623 = arith.index_cast %get3A_622 : i32 to index
        %get3A_624 = arith.index_cast %scan3A_457 : i32 to index
        %get3A_625 = arith.constant 240 : index
        %get3A_626 = tpu.vector_load %arg8[%get3A_623, %get3A_624, %get3A_625] {strides = array<i32>} : memref<4x64x384xf32, #tpu.memory_space<vmem>>, vector<16xf32>,
        %mul3A_627 = arith.mulf %get3A_626, %get3A_358 : vector<16xf32>
        %swap3A_628 = arith.constant 2 : i32
        %swap3A_629 = arith.index_cast %swap3A_628 : i32 to index
        %swap3A_630 = arith.index_cast %scan3A_457 : i32 to index
        %swap3A_631 = arith.constant 240 : index
        %swap3A_632 = tpu.vector_load %arg8[%swap3A_629, %swap3A_630, %swap3A_631] {strides = array<i32>} : memref<4x64x384xf32, #tpu.memory_space<vmem>>, vector<16xf32>,
        tpu.vector_store %arg8[%swap3A_629, %swap3A_630, %swap3A_631], %mul3A_627 {strides = array<i32>} : memref<4x64x384xf32, #tpu.memory_space<vmem>>, vector<16xf32>,
        %get3A_633 = arith.constant 2 : i32
        %get3A_634 = arith.index_cast %get3A_633 : i32 to index
        %get3A_635 = arith.index_cast %scan3A_457 : i32 to index
        %get3A_636 = arith.constant 256 : index
        %get3A_637 = tpu.vector_load %arg8[%get3A_634, %get3A_635, %get3A_636] {strides = array<i32>} : memref<4x64x384xf32, #tpu.memory_space<vmem>>, vector<16xf32>,
        %mul3A_638 = arith.mulf %get3A_637, %get3A_358 : vector<16xf32>
        %swap3A_639 = arith.constant 2 : i32
        %swap3A_640 = arith.index_cast %swap3A_639 : i32 to index
        %swap3A_641 = arith.index_cast %scan3A_457 : i32 to index
        %swap3A_642 = arith.constant 256 : index
        %swap3A_643 = tpu.vector_load %arg8[%swap3A_640, %swap3A_641, %swap3A_642] {strides = array<i32>} : memref<4x64x384xf32, #tpu.memory_space<vmem>>, vector<16xf32>,
        tpu.vector_store %arg8[%swap3A_640, %swap3A_641, %swap3A_642], %mul3A_638 {strides = array<i32>} : memref<4x64x384xf32, #tpu.memory_space<vmem>>, vector<16xf32>,
        %get3A_644 = arith.constant 2 : i32
        %get3A_645 = arith.index_cast %get3A_644 : i32 to index
        %get3A_646 = arith.index_cast %scan3A_457 : i32 to index
        %get3A_647 = arith.constant 272 : index
        %get3A_648 = tpu.vector_load %arg8[%get3A_645, %get3A_646, %get3A_647] {strides = array<i32>} : memref<4x64x384xf32, #tpu.memory_space<vmem>>, vector<16xf32>,
        %mul3A_649 = arith.mulf %get3A_648, %get3A_358 : vector<16xf32>
        %swap3A_650 = arith.constant 2 : i32
        %swap3A_651 = arith.index_cast %swap3A_650 : i32 to index
        %swap3A_652 = arith.index_cast %scan3A_457 : i32 to index
        %swap3A_653 = arith.constant 272 : index
        %swap3A_654 = tpu.vector_load %arg8[%swap3A_651, %swap3A_652, %swap3A_653] {strides = array<i32>} : memref<4x64x384xf32, #tpu.memory_space<vmem>>, vector<16xf32>,
        tpu.vector_store %arg8[%swap3A_651, %swap3A_652, %swap3A_653], %mul3A_649 {strides = array<i32>} : memref<4x64x384xf32, #tpu.memory_space<vmem>>, vector<16xf32>,
        %get3A_655 = arith.constant 2 : i32
        %get3A_656 = arith.index_cast %get3A_655 : i32 to index
        %get3A_657 = arith.index_cast %scan3A_457 : i32 to index
        %get3A_658 = arith.constant 288 : index
        %get3A_659 = tpu.vector_load %arg8[%get3A_656, %get3A_657, %get3A_658] {strides = array<i32>} : memref<4x64x384xf32, #tpu.memory_space<vmem>>, vector<16xf32>,
        %mul3A_660 = arith.mulf %get3A_659, %get3A_358 : vector<16xf32>
        %swap3A_661 = arith.constant 2 : i32
        %swap3A_662 = arith.index_cast %swap3A_661 : i32 to index
        %swap3A_663 = arith.index_cast %scan3A_457 : i32 to index
        %swap3A_664 = arith.constant 288 : index
        %swap3A_665 = tpu.vector_load %arg8[%swap3A_662, %swap3A_663, %swap3A_664] {strides = array<i32>} : memref<4x64x384xf32, #tpu.memory_space<vmem>>, vector<16xf32>,
        tpu.vector_store %arg8[%swap3A_662, %swap3A_663, %swap3A_664], %mul3A_660 {strides = array<i32>} : memref<4x64x384xf32, #tpu.memory_space<vmem>>, vector<16xf32>,
        %get3A_666 = arith.constant 2 : i32
        %get3A_667 = arith.index_cast %get3A_666 : i32 to index
        %get3A_668 = arith.index_cast %scan3A_457 : i32 to index
        %get3A_669 = arith.constant 304 : index
        %get3A_670 = tpu.vector_load %arg8[%get3A_667, %get3A_668, %get3A_669] {strides = array<i32>} : memref<4x64x384xf32, #tpu.memory_space<vmem>>, vector<16xf32>,
        %mul3A_671 = arith.mulf %get3A_670, %get3A_358 : vector<16xf32>
        %swap3A_672 = arith.constant 2 : i32
        %swap3A_673 = arith.index_cast %swap3A_672 : i32 to index
        %swap3A_674 = arith.index_cast %scan3A_457 : i32 to index
        %swap3A_675 = arith.constant 304 : index
        %swap3A_676 = tpu.vector_load %arg8[%swap3A_673, %swap3A_674, %swap3A_675] {strides = array<i32>} : memref<4x64x384xf32, #tpu.memory_space<vmem>>, vector<16xf32>,
        tpu.vector_store %arg8[%swap3A_673, %swap3A_674, %swap3A_675], %mul3A_671 {strides = array<i32>} : memref<4x64x384xf32, #tpu.memory_space<vmem>>, vector<16xf32>,
        %get3A_677 = arith.constant 2 : i32
        %get3A_678 = arith.index_cast %get3A_677 : i32 to index
        %get3A_679 = arith.index_cast %scan3A_457 : i32 to index
        %get3A_680 = arith.constant 320 : index
        %get3A_681 = tpu.vector_load %arg8[%get3A_678, %get3A_679, %get3A_680] {strides = array<i32>} : memref<4x64x384xf32, #tpu.memory_space<vmem>>, vector<16xf32>,
        %mul3A_682 = arith.mulf %get3A_681, %get3A_358 : vector<16xf32>
        %swap3A_683 = arith.constant 2 : i32
        %swap3A_684 = arith.index_cast %swap3A_683 : i32 to index
        %swap3A_685 = arith.index_cast %scan3A_457 : i32 to index
        %swap3A_686 = arith.constant 320 : index
        %swap3A_687 = tpu.vector_load %arg8[%swap3A_684, %swap3A_685, %swap3A_686] {strides = array<i32>} : memref<4x64x384xf32, #tpu.memory_space<vmem>>, vector<16xf32>,
        tpu.vector_store %arg8[%swap3A_684, %swap3A_685, %swap3A_686], %mul3A_682 {strides = array<i32>} : memref<4x64x384xf32, #tpu.memory_space<vmem>>, vector<16xf32>,
        %get3A_688 = arith.constant 2 : i32
        %get3A_689 = arith.index_cast %get3A_688 : i32 to index
        %get3A_690 = arith.index_cast %scan3A_457 : i32 to index
        %get3A_691 = arith.constant 336 : index
        %get3A_692 = tpu.vector_load %arg8[%get3A_689, %get3A_690, %get3A_691] {strides = array<i32>} : memref<4x64x384xf32, #tpu.memory_space<vmem>>, vector<16xf32>,
        %mul3A_693 = arith.mulf %get3A_692, %get3A_358 : vector<16xf32>
        %swap3A_694 = arith.constant 2 : i32
        %swap3A_695 = arith.index_cast %swap3A_694 : i32 to index
        %swap3A_696 = arith.index_cast %scan3A_457 : i32 to index
        %swap3A_697 = arith.constant 336 : index
        %swap3A_698 = tpu.vector_load %arg8[%swap3A_695, %swap3A_696, %swap3A_697] {strides = array<i32>} : memref<4x64x384xf32, #tpu.memory_space<vmem>>, vector<16xf32>,
        tpu.vector_store %arg8[%swap3A_695, %swap3A_696, %swap3A_697], %mul3A_693 {strides = array<i32>} : memref<4x64x384xf32, #tpu.memory_space<vmem>>, vector<16xf32>,
        %get3A_699 = arith.constant 2 : i32
        %get3A_700 = arith.index_cast %get3A_699 : i32 to index
        %get3A_701 = arith.index_cast %scan3A_457 : i32 to index
        %get3A_702 = arith.constant 352 : index
        %get3A_703 = tpu.vector_load %arg8[%get3A_700, %get3A_701, %get3A_702] {strides = array<i32>} : memref<4x64x384xf32, #tpu.memory_space<vmem>>, vector<16xf32>,
        %mul3A_704 = arith.mulf %get3A_703, %get3A_358 : vector<16xf32>
        %swap3A_705 = arith.constant 2 : i32
        %swap3A_706 = arith.index_cast %swap3A_705 : i32 to index
        %swap3A_707 = arith.index_cast %scan3A_457 : i32 to index
        %swap3A_708 = arith.constant 352 : index
        %swap3A_709 = tpu.vector_load %arg8[%swap3A_706, %swap3A_707, %swap3A_708] {strides = array<i32>} : memref<4x64x384xf32, #tpu.memory_space<vmem>>, vector<16xf32>,
        tpu.vector_store %arg8[%swap3A_706, %swap3A_707, %swap3A_708], %mul3A_704 {strides = array<i32>} : memref<4x64x384xf32, #tpu.memory_space<vmem>>, vector<16xf32>,
        %get3A_710 = arith.constant 2 : i32
        %get3A_711 = arith.index_cast %get3A_710 : i32 to index
        %get3A_712 = arith.index_cast %scan3A_457 : i32 to index
        %get3A_713 = arith.constant 368 : index
        %get3A_714 = tpu.vector_load %arg8[%get3A_711, %get3A_712, %get3A_713] {strides = array<i32>} : memref<4x64x384xf32, #tpu.memory_space<vmem>>, vector<16xf32>,
        %mul3A_715 = arith.mulf %get3A_714, %get3A_358 : vector<16xf32>
        %swap3A_716 = arith.constant 2 : i32
        %swap3A_717 = arith.index_cast %swap3A_716 : i32 to index
        %swap3A_718 = arith.index_cast %scan3A_457 : i32 to index
        %swap3A_719 = arith.constant 368 : index
        %swap3A_720 = tpu.vector_load %arg8[%swap3A_717, %swap3A_718, %swap3A_719] {strides = array<i32>} : memref<4x64x384xf32, #tpu.memory_space<vmem>>, vector<16xf32>,
        tpu.vector_store %arg8[%swap3A_717, %swap3A_718, %swap3A_719], %mul3A_715 {strides = array<i32>} : memref<4x64x384xf32, #tpu.memory_space<vmem>>, vector<16xf32>,
      }
      %scan3A_364 = arith.constant 64 : i32
      %mul3A_365 = arith.constant 49 : i32
      %mul3A_366 = arith.muli %add3A, %mul3A_365 : i32
      %add3A_367 = arith.addi %mul3A_366, %add3A_322 : i32
      %dma_start3A_368 = arith.constant 2 : i32
      %dma_start3A_369 = arith.constant 2 : i32
      %dma_start3A_370 = arith.constant 0 : i32
      %dma_start3A_371 = arith.constant 0 : i32
      %dma_start3A_372 = tpu.memref_slice %arg8[%dma_start3A_368, %dma_start3A_370, %dma_start3A_371] : memref<4x64x384xf32, #tpu.memory_space<vmem>> -> memref<1x64x384xf32, #tpu.memory_space<vmem>>
      %dma_start3A_373 = tpu.memref_squeeze %dma_start3A_372 : memref<1x64x384xf32, #tpu.memory_space<vmem>> -> memref<64x384xf32, #tpu.memory_space<vmem>>
      %dma_start3A_374 = arith.constant 0 : i32
      %dma_start3A_375 = arith.constant 0 : i32
      %dma_start3A_376 = tpu.memref_slice %arg5[%add3A_367, %dma_start3A_374, %dma_start3A_375] : memref<1568x64x384xf32, #tpu.memory_space<hbm>> -> memref<1x64x384xf32, #tpu.memory_space<hbm>>
      %dma_start3A_377 = tpu.memref_squeeze %dma_start3A_376 : memref<1x64x384xf32, #tpu.memory_space<hbm>> -> memref<64x384xf32, #tpu.memory_space<hbm>>
      %dma_start3A_378 = tpu.memref_slice %arg10[%dma_start3A_369] : memref<4x!tpu.dma_semaphore, #tpu.memory_space<semaphore_mem>> -> memref<1x!tpu.dma_semaphore, #tpu.memory_space<semaphore_mem>>
      %dma_start3A_379 = tpu.memref_squeeze %dma_start3A_378 : memref<1x!tpu.dma_semaphore, #tpu.memory_space<semaphore_mem>> -> memref<!tpu.dma_semaphore, #tpu.memory_space<semaphore_mem>>
      %dma_start3A_380 = arith.constant 0 : i32
      %dma_start3A_381 = arith.constant 0 : i32
      %dma_start3A_382 = tpu.memref_slice %arg5[%add3A_367, %dma_start3A_380, %dma_start3A_381] : memref<1568x64x384xf32, #tpu.memory_space<hbm>> -> memref<1x64x384xf32, #tpu.memory_space<hbm>>
      %dma_start3A_383 = tpu.memref_squeeze %dma_start3A_382 : memref<1x64x384xf32, #tpu.memory_space<hbm>> -> memref<64x384xf32, #tpu.memory_space<hbm>>
      %dma_start3A_384 = arith.constant 0 : i32
      %dma_start3A_385 = arith.constant 0 : i32
      %dma_start3A_386 = tpu.memref_slice %arg8[%dma_start3A_368, %dma_start3A_384, %dma_start3A_385] : memref<4x64x384xf32, #tpu.memory_space<vmem>> -> memref<1x64x384xf32, #tpu.memory_space<vmem>>
      %dma_start3A_387 = tpu.memref_squeeze %dma_start3A_386 : memref<1x64x384xf32, #tpu.memory_space<vmem>> -> memref<64x384xf32, #tpu.memory_space<vmem>>
      tpu.enqueue_dma source(%dma_start3A_387 : memref<64x384xf32, #tpu.memory_space<vmem>>) target(%dma_start3A_383 : memref<64x384xf32, #tpu.memory_space<hbm>>) target_semaphore(%dma_start3A_379 : memref<!tpu.dma_semaphore, #tpu.memory_space<semaphore_mem>>)
      %mul3A_388 = arith.constant 4 : i32
      %mul3A_389 = arith.muli %scan3A_184, %mul3A_388 : i32
      %add3A_390 = arith.constant 3 : i32
      %add3A_391 = arith.addi %mul3A_389, %add3A_390 : i32
      %ge3A_392 = arith.constant 2 : i32
      %ge3A_393 = arith.cmpi sge, %add3A_391, %ge3A_392 : i32
      %convert_element_type3A_394 = arith.extui %ge3A_393 : i1 to i32
      %cond3A_395 = arith.constant 0 : i32
      %cond3A_396 = arith.cmpi ne, %convert_element_type3A_394, %cond3A_395 : i32
      scf.if %cond3A_396 {
        %dma_wait3A_457 = arith.constant 1 : i32
        %dma_wait3A_458 = arith.constant 0 : i32
        %dma_wait3A_459 = arith.constant 1 : i32
        %dma_wait3A_460 = arith.constant 0 : i32
        %dma_wait3A_461 = arith.constant 0 : i32
        %dma_wait3A_462 = tpu.memref_slice %arg8[%dma_wait3A_457, %dma_wait3A_460, %dma_wait3A_461] : memref<4x64x384xf32, #tpu.memory_space<vmem>> -> memref<1x64x384xf32, #tpu.memory_space<vmem>>
        %dma_wait3A_463 = tpu.memref_squeeze %dma_wait3A_462 : memref<1x64x384xf32, #tpu.memory_space<vmem>> -> memref<64x384xf32, #tpu.memory_space<vmem>>
        %dma_wait3A_464 = arith.constant 0 : i32
        %dma_wait3A_465 = arith.constant 0 : i32
        %dma_wait3A_466 = tpu.memref_slice %arg5[%dma_wait3A_458, %dma_wait3A_464, %dma_wait3A_465] : memref<1568x64x384xf32, #tpu.memory_space<hbm>> -> memref<1x64x384xf32, #tpu.memory_space<hbm>>
        %dma_wait3A_467 = tpu.memref_squeeze %dma_wait3A_466 : memref<1x64x384xf32, #tpu.memory_space<hbm>> -> memref<64x384xf32, #tpu.memory_space<hbm>>
        %dma_wait3A_468 = tpu.memref_slice %arg10[%dma_wait3A_459] : memref<4x!tpu.dma_semaphore, #tpu.memory_space<semaphore_mem>> -> memref<1x!tpu.dma_semaphore, #tpu.memory_space<semaphore_mem>>
        %dma_wait3A_469 = tpu.memref_squeeze %dma_wait3A_468 : memref<1x!tpu.dma_semaphore, #tpu.memory_space<semaphore_mem>> -> memref<!tpu.dma_semaphore, #tpu.memory_space<semaphore_mem>>
        %dma_wait3A_470 = arith.constant 0 : i32
        %dma_wait3A_471 = arith.constant 0 : i32
        %dma_wait3A_472 = tpu.memref_slice %arg5[%dma_wait3A_458, %dma_wait3A_470, %dma_wait3A_471] : memref<1568x64x384xf32, #tpu.memory_space<hbm>> -> memref<1x64x384xf32, #tpu.memory_space<hbm>>
        %dma_wait3A_473 = tpu.memref_squeeze %dma_wait3A_472 : memref<1x64x384xf32, #tpu.memory_space<hbm>> -> memref<64x384xf32, #tpu.memory_space<hbm>>
        %dma_wait3A_474 = arith.constant 0 : i32
        %dma_wait3A_475 = arith.constant 0 : i32
        %dma_wait3A_476 = tpu.memref_slice %arg8[%dma_wait3A_457, %dma_wait3A_474, %dma_wait3A_475] : memref<4x64x384xf32, #tpu.memory_space<vmem>> -> memref<1x64x384xf32, #tpu.memory_space<vmem>>
        %dma_wait3A_477 = tpu.memref_squeeze %dma_wait3A_476 : memref<1x64x384xf32, #tpu.memory_space<vmem>> -> memref<64x384xf32, #tpu.memory_space<vmem>>
        tpu.wait_dma2 semaphore(%dma_wait3A_469 : memref<!tpu.dma_semaphore, #tpu.memory_space<semaphore_mem>>) src(%dma_wait3A_477 : memref<64x384xf32, #tpu.memory_space<vmem>>) dst(%dma_wait3A_473 : memref<64x384xf32, #tpu.memory_space<hbm>>)
      } else {
      }
      %add3A_397 = arith.constant 2 : i32
      %add3A_398 = arith.addi %add3A_391, %add3A_397 : i32
      %lt3A_399 = arith.constant 49 : i32
      %lt3A_400 = arith.cmpi slt, %add3A_398, %lt3A_399 : i32
      %convert_element_type3A_401 = arith.extui %lt3A_400 : i1 to i32
      %cond3A_402 = arith.constant 0 : i32
      %cond3A_403 = arith.cmpi ne, %convert_element_type3A_401, %cond3A_402 : i32
      scf.if %cond3A_403 {
        %add3A_457 = arith.constant 2 : i32
        %add3A_458 = arith.addi %add3A_391, %add3A_457 : i32
        %get3A_459 = arith.index_cast %add3A_458 : i32 to index
        %get3A_460 = arith.constant 0 : index
        %get3A_461 = tpu.vector_load %arg6[%get3A_459, %get3A_460] {strides = array<i32>} : memref<49x16xi32, #tpu.memory_space<vmem>>, vector<16xi32>,
        %reduce_max3A_462 = arith.constant true
        %reduce_max3A_463 = vector.broadcast %reduce_max3A_462 : i1 to vector<16xi1>
        %reduce_max3A_464 = arith.constant -2147483648 : i32
        %reduce_max3A_465 = vector.broadcast %reduce_max3A_464 : i32 to vector<16xi32>
        %reduce_max3A_466 = arith.xori %get3A_461, %reduce_max3A_465 : vector<16xi32>
        %reduce_max3A_467 = tpu.scan <max>, %reduce_max3A_466 masked %reduce_max3A_463 : vector<16xi32>, vector<16xi1> -> vector<16xi32>
        %reduce_max3A_468 = arith.xori %reduce_max3A_467, %reduce_max3A_465 : vector<16xi32>
        %reduce_max3A_469 = vector.extract %reduce_max3A_468[15] : i32 from vector<16xi32>
        %dma_start3A_470 = arith.constant 1 : i32
        %dma_start3A_471 = arith.constant 1 : i32
        %dma_start3A_472 = arith.constant 0 : i32
        %dma_start3A_473 = arith.constant 0 : i32
        %dma_start3A_474 = tpu.memref_slice %arg8[%dma_start3A_470, %dma_start3A_472, %dma_start3A_473] : memref<4x64x384xf32, #tpu.memory_space<vmem>> -> memref<1x64x384xf32, #tpu.memory_space<vmem>>
        %dma_start3A_475 = tpu.memref_squeeze %dma_start3A_474 : memref<1x64x384xf32, #tpu.memory_space<vmem>> -> memref<64x384xf32, #tpu.memory_space<vmem>>
        %dma_start3A_476 = arith.constant 0 : i32
        %dma_start3A_477 = arith.constant 0 : i32
        %dma_start3A_478 = tpu.memref_slice %arg4[%reduce_max3A_469, %dma_start3A_476, %dma_start3A_477] : memref<392x64x384xf32, #tpu.memory_space<hbm>> -> memref<1x64x384xf32, #tpu.memory_space<hbm>>
        %dma_start3A_479 = tpu.memref_squeeze %dma_start3A_478 : memref<1x64x384xf32, #tpu.memory_space<hbm>> -> memref<64x384xf32, #tpu.memory_space<hbm>>
        %dma_start3A_480 = tpu.memref_slice %arg9[%dma_start3A_471] : memref<4x!tpu.dma_semaphore, #tpu.memory_space<semaphore_mem>> -> memref<1x!tpu.dma_semaphore, #tpu.memory_space<semaphore_mem>>
        %dma_start3A_481 = tpu.memref_squeeze %dma_start3A_480 : memref<1x!tpu.dma_semaphore, #tpu.memory_space<semaphore_mem>> -> memref<!tpu.dma_semaphore, #tpu.memory_space<semaphore_mem>>
        %dma_start3A_482 = arith.constant 0 : i32
        %dma_start3A_483 = arith.constant 0 : i32
        %dma_start3A_484 = tpu.memref_slice %arg8[%dma_start3A_470, %dma_start3A_482, %dma_start3A_483] : memref<4x64x384xf32, #tpu.memory_space<vmem>> -> memref<1x64x384xf32, #tpu.memory_space<vmem>>
        %dma_start3A_485 = tpu.memref_squeeze %dma_start3A_484 : memref<1x64x384xf32, #tpu.memory_space<vmem>> -> memref<64x384xf32, #tpu.memory_space<vmem>>
        %dma_start3A_486 = arith.constant 0 : i32
        %dma_start3A_487 = arith.constant 0 : i32
        %dma_start3A_488 = tpu.memref_slice %arg4[%reduce_max3A_469, %dma_start3A_486, %dma_start3A_487] : memref<392x64x384xf32, #tpu.memory_space<hbm>> -> memref<1x64x384xf32, #tpu.memory_space<hbm>>
        %dma_start3A_489 = tpu.memref_squeeze %dma_start3A_488 : memref<1x64x384xf32, #tpu.memory_space<hbm>> -> memref<64x384xf32, #tpu.memory_space<hbm>>
        tpu.enqueue_dma source(%dma_start3A_489 : memref<64x384xf32, #tpu.memory_space<hbm>>) target(%dma_start3A_485 : memref<64x384xf32, #tpu.memory_space<vmem>>) target_semaphore(%dma_start3A_481 : memref<!tpu.dma_semaphore, #tpu.memory_space<semaphore_mem>>)
      } else {
      }
      %dma_wait3A_404 = arith.constant 0 : i32
      %dma_wait3A_405 = arith.constant 3 : i32
      %dma_wait3A_406 = arith.constant 3 : i32
      %dma_wait3A_407 = arith.constant 0 : i32
      %dma_wait3A_408 = arith.constant 0 : i32
      %dma_wait3A_409 = tpu.memref_slice %arg8[%dma_wait3A_405, %dma_wait3A_407, %dma_wait3A_408] : memref<4x64x384xf32, #tpu.memory_space<vmem>> -> memref<1x64x384xf32, #tpu.memory_space<vmem>>
      %dma_wait3A_410 = tpu.memref_squeeze %dma_wait3A_409 : memref<1x64x384xf32, #tpu.memory_space<vmem>> -> memref<64x384xf32, #tpu.memory_space<vmem>>
      %dma_wait3A_411 = arith.constant 0 : i32
      %dma_wait3A_412 = arith.constant 0 : i32
      %dma_wait3A_413 = tpu.memref_slice %arg4[%dma_wait3A_404, %dma_wait3A_411, %dma_wait3A_412] : memref<392x64x384xf32, #tpu.memory_space<hbm>> -> memref<1x64x384xf32, #tpu.memory_space<hbm>>
      %dma_wait3A_414 = tpu.memref_squeeze %dma_wait3A_413 : memref<1x64x384xf32, #tpu.memory_space<hbm>> -> memref<64x384xf32, #tpu.memory_space<hbm>>
      %dma_wait3A_415 = tpu.memref_slice %arg9[%dma_wait3A_406] : memref<4x!tpu.dma_semaphore, #tpu.memory_space<semaphore_mem>> -> memref<1x!tpu.dma_semaphore, #tpu.memory_space<semaphore_mem>>
      %dma_wait3A_416 = tpu.memref_squeeze %dma_wait3A_415 : memref<1x!tpu.dma_semaphore, #tpu.memory_space<semaphore_mem>> -> memref<!tpu.dma_semaphore, #tpu.memory_space<semaphore_mem>>
      %dma_wait3A_417 = arith.constant 0 : i32
      %dma_wait3A_418 = arith.constant 0 : i32
      %dma_wait3A_419 = tpu.memref_slice %arg8[%dma_wait3A_405, %dma_wait3A_417, %dma_wait3A_418] : memref<4x64x384xf32, #tpu.memory_space<vmem>> -> memref<1x64x384xf32, #tpu.memory_space<vmem>>
      %dma_wait3A_420 = tpu.memref_squeeze %dma_wait3A_419 : memref<1x64x384xf32, #tpu.memory_space<vmem>> -> memref<64x384xf32, #tpu.memory_space<vmem>>
      %dma_wait3A_421 = arith.constant 0 : i32
      %dma_wait3A_422 = arith.constant 0 : i32
      %dma_wait3A_423 = tpu.memref_slice %arg4[%dma_wait3A_404, %dma_wait3A_421, %dma_wait3A_422] : memref<392x64x384xf32, #tpu.memory_space<hbm>> -> memref<1x64x384xf32, #tpu.memory_space<hbm>>
      %dma_wait3A_424 = tpu.memref_squeeze %dma_wait3A_423 : memref<1x64x384xf32, #tpu.memory_space<hbm>> -> memref<64x384xf32, #tpu.memory_space<hbm>>
      tpu.wait_dma2 semaphore(%dma_wait3A_416 : memref<!tpu.dma_semaphore, #tpu.memory_space<semaphore_mem>>) src(%dma_wait3A_424 : memref<64x384xf32, #tpu.memory_space<hbm>>) dst(%dma_wait3A_420 : memref<64x384xf32, #tpu.memory_space<vmem>>)
      %get3A_425 = arith.index_cast %add3A_391 : i32 to index
      %get3A_426 = arith.constant 0 : index
      %get3A_427 = tpu.vector_load %arg7[%get3A_425, %get3A_426] {strides = array<i32>} : memref<49x16xf32, #tpu.memory_space<vmem>>, vector<16xf32>,
      %scan3A_428 = arith.constant 0 : i32
      %scan3A_429 = arith.constant 0 : i32
      %scan3A_430 = arith.constant 64 : i32
      %scan3A_431 = arith.addi %scan3A_429, %scan3A_430 : i32
      %scan3A_432 = arith.constant 1 : i32
      scf.for %scan3A_457 = %scan3A_429 to %scan3A_431 step %scan3A_432  : i32 {
        %get3A_458 = arith.constant 3 : i32
        %get3A_459 = arith.index_cast %get3A_458 : i32 to index
        %get3A_460 = arith.index_cast %scan3A_457 : i32 to index
        %get3A_461 = arith.constant 0 : index
        %get3A_462 = tpu.vector_load %arg8[%get3A_459, %get3A_460, %get3A_461] {strides = array<i32>} : memref<4x64x384xf32, #tpu.memory_space<vmem>>, vector<16xf32>,
        %mul3A_463 = arith.mulf %get3A_462, %get3A_427 : vector<16xf32>
        %swap3A = arith.constant 3 : i32
        %swap3A_464 = arith.index_cast %swap3A : i32 to index
        %swap3A_465 = arith.index_cast %scan3A_457 : i32 to index
        %swap3A_466 = arith.constant 0 : index
        %swap3A_467 = tpu.vector_load %arg8[%swap3A_464, %swap3A_465, %swap3A_466] {strides = array<i32>} : memref<4x64x384xf32, #tpu.memory_space<vmem>>, vector<16xf32>,
        tpu.vector_store %arg8[%swap3A_464, %swap3A_465, %swap3A_466], %mul3A_463 {strides = array<i32>} : memref<4x64x384xf32, #tpu.memory_space<vmem>>, vector<16xf32>,
        %get3A_468 = arith.constant 3 : i32
        %get3A_469 = arith.index_cast %get3A_468 : i32 to index
        %get3A_470 = arith.index_cast %scan3A_457 : i32 to index
        %get3A_471 = arith.constant 16 : index
        %get3A_472 = tpu.vector_load %arg8[%get3A_469, %get3A_470, %get3A_471] {strides = array<i32>} : memref<4x64x384xf32, #tpu.memory_space<vmem>>, vector<16xf32>,
        %mul3A_473 = arith.mulf %get3A_472, %get3A_427 : vector<16xf32>
        %swap3A_474 = arith.constant 3 : i32
        %swap3A_475 = arith.index_cast %swap3A_474 : i32 to index
        %swap3A_476 = arith.index_cast %scan3A_457 : i32 to index
        %swap3A_477 = arith.constant 16 : index
        %swap3A_478 = tpu.vector_load %arg8[%swap3A_475, %swap3A_476, %swap3A_477] {strides = array<i32>} : memref<4x64x384xf32, #tpu.memory_space<vmem>>, vector<16xf32>,
        tpu.vector_store %arg8[%swap3A_475, %swap3A_476, %swap3A_477], %mul3A_473 {strides = array<i32>} : memref<4x64x384xf32, #tpu.memory_space<vmem>>, vector<16xf32>,
        %get3A_479 = arith.constant 3 : i32
        %get3A_480 = arith.index_cast %get3A_479 : i32 to index
        %get3A_481 = arith.index_cast %scan3A_457 : i32 to index
        %get3A_482 = arith.constant 32 : index
        %get3A_483 = tpu.vector_load %arg8[%get3A_480, %get3A_481, %get3A_482] {strides = array<i32>} : memref<4x64x384xf32, #tpu.memory_space<vmem>>, vector<16xf32>,
        %mul3A_484 = arith.mulf %get3A_483, %get3A_427 : vector<16xf32>
        %swap3A_485 = arith.constant 3 : i32
        %swap3A_486 = arith.index_cast %swap3A_485 : i32 to index
        %swap3A_487 = arith.index_cast %scan3A_457 : i32 to index
        %swap3A_488 = arith.constant 32 : index
        %swap3A_489 = tpu.vector_load %arg8[%swap3A_486, %swap3A_487, %swap3A_488] {strides = array<i32>} : memref<4x64x384xf32, #tpu.memory_space<vmem>>, vector<16xf32>,
        tpu.vector_store %arg8[%swap3A_486, %swap3A_487, %swap3A_488], %mul3A_484 {strides = array<i32>} : memref<4x64x384xf32, #tpu.memory_space<vmem>>, vector<16xf32>,
        %get3A_490 = arith.constant 3 : i32
        %get3A_491 = arith.index_cast %get3A_490 : i32 to index
        %get3A_492 = arith.index_cast %scan3A_457 : i32 to index
        %get3A_493 = arith.constant 48 : index
        %get3A_494 = tpu.vector_load %arg8[%get3A_491, %get3A_492, %get3A_493] {strides = array<i32>} : memref<4x64x384xf32, #tpu.memory_space<vmem>>, vector<16xf32>,
        %mul3A_495 = arith.mulf %get3A_494, %get3A_427 : vector<16xf32>
        %swap3A_496 = arith.constant 3 : i32
        %swap3A_497 = arith.index_cast %swap3A_496 : i32 to index
        %swap3A_498 = arith.index_cast %scan3A_457 : i32 to index
        %swap3A_499 = arith.constant 48 : index
        %swap3A_500 = tpu.vector_load %arg8[%swap3A_497, %swap3A_498, %swap3A_499] {strides = array<i32>} : memref<4x64x384xf32, #tpu.memory_space<vmem>>, vector<16xf32>,
        tpu.vector_store %arg8[%swap3A_497, %swap3A_498, %swap3A_499], %mul3A_495 {strides = array<i32>} : memref<4x64x384xf32, #tpu.memory_space<vmem>>, vector<16xf32>,
        %get3A_501 = arith.constant 3 : i32
        %get3A_502 = arith.index_cast %get3A_501 : i32 to index
        %get3A_503 = arith.index_cast %scan3A_457 : i32 to index
        %get3A_504 = arith.constant 64 : index
        %get3A_505 = tpu.vector_load %arg8[%get3A_502, %get3A_503, %get3A_504] {strides = array<i32>} : memref<4x64x384xf32, #tpu.memory_space<vmem>>, vector<16xf32>,
        %mul3A_506 = arith.mulf %get3A_505, %get3A_427 : vector<16xf32>
        %swap3A_507 = arith.constant 3 : i32
        %swap3A_508 = arith.index_cast %swap3A_507 : i32 to index
        %swap3A_509 = arith.index_cast %scan3A_457 : i32 to index
        %swap3A_510 = arith.constant 64 : index
        %swap3A_511 = tpu.vector_load %arg8[%swap3A_508, %swap3A_509, %swap3A_510] {strides = array<i32>} : memref<4x64x384xf32, #tpu.memory_space<vmem>>, vector<16xf32>,
        tpu.vector_store %arg8[%swap3A_508, %swap3A_509, %swap3A_510], %mul3A_506 {strides = array<i32>} : memref<4x64x384xf32, #tpu.memory_space<vmem>>, vector<16xf32>,
        %get3A_512 = arith.constant 3 : i32
        %get3A_513 = arith.index_cast %get3A_512 : i32 to index
        %get3A_514 = arith.index_cast %scan3A_457 : i32 to index
        %get3A_515 = arith.constant 80 : index
        %get3A_516 = tpu.vector_load %arg8[%get3A_513, %get3A_514, %get3A_515] {strides = array<i32>} : memref<4x64x384xf32, #tpu.memory_space<vmem>>, vector<16xf32>,
        %mul3A_517 = arith.mulf %get3A_516, %get3A_427 : vector<16xf32>
        %swap3A_518 = arith.constant 3 : i32
        %swap3A_519 = arith.index_cast %swap3A_518 : i32 to index
        %swap3A_520 = arith.index_cast %scan3A_457 : i32 to index
        %swap3A_521 = arith.constant 80 : index
        %swap3A_522 = tpu.vector_load %arg8[%swap3A_519, %swap3A_520, %swap3A_521] {strides = array<i32>} : memref<4x64x384xf32, #tpu.memory_space<vmem>>, vector<16xf32>,
        tpu.vector_store %arg8[%swap3A_519, %swap3A_520, %swap3A_521], %mul3A_517 {strides = array<i32>} : memref<4x64x384xf32, #tpu.memory_space<vmem>>, vector<16xf32>,
        %get3A_523 = arith.constant 3 : i32
        %get3A_524 = arith.index_cast %get3A_523 : i32 to index
        %get3A_525 = arith.index_cast %scan3A_457 : i32 to index
        %get3A_526 = arith.constant 96 : index
        %get3A_527 = tpu.vector_load %arg8[%get3A_524, %get3A_525, %get3A_526] {strides = array<i32>} : memref<4x64x384xf32, #tpu.memory_space<vmem>>, vector<16xf32>,
        %mul3A_528 = arith.mulf %get3A_527, %get3A_427 : vector<16xf32>
        %swap3A_529 = arith.constant 3 : i32
        %swap3A_530 = arith.index_cast %swap3A_529 : i32 to index
        %swap3A_531 = arith.index_cast %scan3A_457 : i32 to index
        %swap3A_532 = arith.constant 96 : index
        %swap3A_533 = tpu.vector_load %arg8[%swap3A_530, %swap3A_531, %swap3A_532] {strides = array<i32>} : memref<4x64x384xf32, #tpu.memory_space<vmem>>, vector<16xf32>,
        tpu.vector_store %arg8[%swap3A_530, %swap3A_531, %swap3A_532], %mul3A_528 {strides = array<i32>} : memref<4x64x384xf32, #tpu.memory_space<vmem>>, vector<16xf32>,
        %get3A_534 = arith.constant 3 : i32
        %get3A_535 = arith.index_cast %get3A_534 : i32 to index
        %get3A_536 = arith.index_cast %scan3A_457 : i32 to index
        %get3A_537 = arith.constant 112 : index
        %get3A_538 = tpu.vector_load %arg8[%get3A_535, %get3A_536, %get3A_537] {strides = array<i32>} : memref<4x64x384xf32, #tpu.memory_space<vmem>>, vector<16xf32>,
        %mul3A_539 = arith.mulf %get3A_538, %get3A_427 : vector<16xf32>
        %swap3A_540 = arith.constant 3 : i32
        %swap3A_541 = arith.index_cast %swap3A_540 : i32 to index
        %swap3A_542 = arith.index_cast %scan3A_457 : i32 to index
        %swap3A_543 = arith.constant 112 : index
        %swap3A_544 = tpu.vector_load %arg8[%swap3A_541, %swap3A_542, %swap3A_543] {strides = array<i32>} : memref<4x64x384xf32, #tpu.memory_space<vmem>>, vector<16xf32>,
        tpu.vector_store %arg8[%swap3A_541, %swap3A_542, %swap3A_543], %mul3A_539 {strides = array<i32>} : memref<4x64x384xf32, #tpu.memory_space<vmem>>, vector<16xf32>,
        %get3A_545 = arith.constant 3 : i32
        %get3A_546 = arith.index_cast %get3A_545 : i32 to index
        %get3A_547 = arith.index_cast %scan3A_457 : i32 to index
        %get3A_548 = arith.constant 128 : index
        %get3A_549 = tpu.vector_load %arg8[%get3A_546, %get3A_547, %get3A_548] {strides = array<i32>} : memref<4x64x384xf32, #tpu.memory_space<vmem>>, vector<16xf32>,
        %mul3A_550 = arith.mulf %get3A_549, %get3A_427 : vector<16xf32>
        %swap3A_551 = arith.constant 3 : i32
        %swap3A_552 = arith.index_cast %swap3A_551 : i32 to index
        %swap3A_553 = arith.index_cast %scan3A_457 : i32 to index
        %swap3A_554 = arith.constant 128 : index
        %swap3A_555 = tpu.vector_load %arg8[%swap3A_552, %swap3A_553, %swap3A_554] {strides = array<i32>} : memref<4x64x384xf32, #tpu.memory_space<vmem>>, vector<16xf32>,
        tpu.vector_store %arg8[%swap3A_552, %swap3A_553, %swap3A_554], %mul3A_550 {strides = array<i32>} : memref<4x64x384xf32, #tpu.memory_space<vmem>>, vector<16xf32>,
        %get3A_556 = arith.constant 3 : i32
        %get3A_557 = arith.index_cast %get3A_556 : i32 to index
        %get3A_558 = arith.index_cast %scan3A_457 : i32 to index
        %get3A_559 = arith.constant 144 : index
        %get3A_560 = tpu.vector_load %arg8[%get3A_557, %get3A_558, %get3A_559] {strides = array<i32>} : memref<4x64x384xf32, #tpu.memory_space<vmem>>, vector<16xf32>,
        %mul3A_561 = arith.mulf %get3A_560, %get3A_427 : vector<16xf32>
        %swap3A_562 = arith.constant 3 : i32
        %swap3A_563 = arith.index_cast %swap3A_562 : i32 to index
        %swap3A_564 = arith.index_cast %scan3A_457 : i32 to index
        %swap3A_565 = arith.constant 144 : index
        %swap3A_566 = tpu.vector_load %arg8[%swap3A_563, %swap3A_564, %swap3A_565] {strides = array<i32>} : memref<4x64x384xf32, #tpu.memory_space<vmem>>, vector<16xf32>,
        tpu.vector_store %arg8[%swap3A_563, %swap3A_564, %swap3A_565], %mul3A_561 {strides = array<i32>} : memref<4x64x384xf32, #tpu.memory_space<vmem>>, vector<16xf32>,
        %get3A_567 = arith.constant 3 : i32
        %get3A_568 = arith.index_cast %get3A_567 : i32 to index
        %get3A_569 = arith.index_cast %scan3A_457 : i32 to index
        %get3A_570 = arith.constant 160 : index
        %get3A_571 = tpu.vector_load %arg8[%get3A_568, %get3A_569, %get3A_570] {strides = array<i32>} : memref<4x64x384xf32, #tpu.memory_space<vmem>>, vector<16xf32>,
        %mul3A_572 = arith.mulf %get3A_571, %get3A_427 : vector<16xf32>
        %swap3A_573 = arith.constant 3 : i32
        %swap3A_574 = arith.index_cast %swap3A_573 : i32 to index
        %swap3A_575 = arith.index_cast %scan3A_457 : i32 to index
        %swap3A_576 = arith.constant 160 : index
        %swap3A_577 = tpu.vector_load %arg8[%swap3A_574, %swap3A_575, %swap3A_576] {strides = array<i32>} : memref<4x64x384xf32, #tpu.memory_space<vmem>>, vector<16xf32>,
        tpu.vector_store %arg8[%swap3A_574, %swap3A_575, %swap3A_576], %mul3A_572 {strides = array<i32>} : memref<4x64x384xf32, #tpu.memory_space<vmem>>, vector<16xf32>,
        %get3A_578 = arith.constant 3 : i32
        %get3A_579 = arith.index_cast %get3A_578 : i32 to index
        %get3A_580 = arith.index_cast %scan3A_457 : i32 to index
        %get3A_581 = arith.constant 176 : index
        %get3A_582 = tpu.vector_load %arg8[%get3A_579, %get3A_580, %get3A_581] {strides = array<i32>} : memref<4x64x384xf32, #tpu.memory_space<vmem>>, vector<16xf32>,
        %mul3A_583 = arith.mulf %get3A_582, %get3A_427 : vector<16xf32>
        %swap3A_584 = arith.constant 3 : i32
        %swap3A_585 = arith.index_cast %swap3A_584 : i32 to index
        %swap3A_586 = arith.index_cast %scan3A_457 : i32 to index
        %swap3A_587 = arith.constant 176 : index
        %swap3A_588 = tpu.vector_load %arg8[%swap3A_585, %swap3A_586, %swap3A_587] {strides = array<i32>} : memref<4x64x384xf32, #tpu.memory_space<vmem>>, vector<16xf32>,
        tpu.vector_store %arg8[%swap3A_585, %swap3A_586, %swap3A_587], %mul3A_583 {strides = array<i32>} : memref<4x64x384xf32, #tpu.memory_space<vmem>>, vector<16xf32>,
        %get3A_589 = arith.constant 3 : i32
        %get3A_590 = arith.index_cast %get3A_589 : i32 to index
        %get3A_591 = arith.index_cast %scan3A_457 : i32 to index
        %get3A_592 = arith.constant 192 : index
        %get3A_593 = tpu.vector_load %arg8[%get3A_590, %get3A_591, %get3A_592] {strides = array<i32>} : memref<4x64x384xf32, #tpu.memory_space<vmem>>, vector<16xf32>,
        %mul3A_594 = arith.mulf %get3A_593, %get3A_427 : vector<16xf32>
        %swap3A_595 = arith.constant 3 : i32
        %swap3A_596 = arith.index_cast %swap3A_595 : i32 to index
        %swap3A_597 = arith.index_cast %scan3A_457 : i32 to index
        %swap3A_598 = arith.constant 192 : index
        %swap3A_599 = tpu.vector_load %arg8[%swap3A_596, %swap3A_597, %swap3A_598] {strides = array<i32>} : memref<4x64x384xf32, #tpu.memory_space<vmem>>, vector<16xf32>,
        tpu.vector_store %arg8[%swap3A_596, %swap3A_597, %swap3A_598], %mul3A_594 {strides = array<i32>} : memref<4x64x384xf32, #tpu.memory_space<vmem>>, vector<16xf32>,
        %get3A_600 = arith.constant 3 : i32
        %get3A_601 = arith.index_cast %get3A_600 : i32 to index
        %get3A_602 = arith.index_cast %scan3A_457 : i32 to index
        %get3A_603 = arith.constant 208 : index
        %get3A_604 = tpu.vector_load %arg8[%get3A_601, %get3A_602, %get3A_603] {strides = array<i32>} : memref<4x64x384xf32, #tpu.memory_space<vmem>>, vector<16xf32>,
        %mul3A_605 = arith.mulf %get3A_604, %get3A_427 : vector<16xf32>
        %swap3A_606 = arith.constant 3 : i32
        %swap3A_607 = arith.index_cast %swap3A_606 : i32 to index
        %swap3A_608 = arith.index_cast %scan3A_457 : i32 to index
        %swap3A_609 = arith.constant 208 : index
        %swap3A_610 = tpu.vector_load %arg8[%swap3A_607, %swap3A_608, %swap3A_609] {strides = array<i32>} : memref<4x64x384xf32, #tpu.memory_space<vmem>>, vector<16xf32>,
        tpu.vector_store %arg8[%swap3A_607, %swap3A_608, %swap3A_609], %mul3A_605 {strides = array<i32>} : memref<4x64x384xf32, #tpu.memory_space<vmem>>, vector<16xf32>,
        %get3A_611 = arith.constant 3 : i32
        %get3A_612 = arith.index_cast %get3A_611 : i32 to index
        %get3A_613 = arith.index_cast %scan3A_457 : i32 to index
        %get3A_614 = arith.constant 224 : index
        %get3A_615 = tpu.vector_load %arg8[%get3A_612, %get3A_613, %get3A_614] {strides = array<i32>} : memref<4x64x384xf32, #tpu.memory_space<vmem>>, vector<16xf32>,
        %mul3A_616 = arith.mulf %get3A_615, %get3A_427 : vector<16xf32>
        %swap3A_617 = arith.constant 3 : i32
        %swap3A_618 = arith.index_cast %swap3A_617 : i32 to index
        %swap3A_619 = arith.index_cast %scan3A_457 : i32 to index
        %swap3A_620 = arith.constant 224 : index
        %swap3A_621 = tpu.vector_load %arg8[%swap3A_618, %swap3A_619, %swap3A_620] {strides = array<i32>} : memref<4x64x384xf32, #tpu.memory_space<vmem>>, vector<16xf32>,
        tpu.vector_store %arg8[%swap3A_618, %swap3A_619, %swap3A_620], %mul3A_616 {strides = array<i32>} : memref<4x64x384xf32, #tpu.memory_space<vmem>>, vector<16xf32>,
        %get3A_622 = arith.constant 3 : i32
        %get3A_623 = arith.index_cast %get3A_622 : i32 to index
        %get3A_624 = arith.index_cast %scan3A_457 : i32 to index
        %get3A_625 = arith.constant 240 : index
        %get3A_626 = tpu.vector_load %arg8[%get3A_623, %get3A_624, %get3A_625] {strides = array<i32>} : memref<4x64x384xf32, #tpu.memory_space<vmem>>, vector<16xf32>,
        %mul3A_627 = arith.mulf %get3A_626, %get3A_427 : vector<16xf32>
        %swap3A_628 = arith.constant 3 : i32
        %swap3A_629 = arith.index_cast %swap3A_628 : i32 to index
        %swap3A_630 = arith.index_cast %scan3A_457 : i32 to index
        %swap3A_631 = arith.constant 240 : index
        %swap3A_632 = tpu.vector_load %arg8[%swap3A_629, %swap3A_630, %swap3A_631] {strides = array<i32>} : memref<4x64x384xf32, #tpu.memory_space<vmem>>, vector<16xf32>,
        tpu.vector_store %arg8[%swap3A_629, %swap3A_630, %swap3A_631], %mul3A_627 {strides = array<i32>} : memref<4x64x384xf32, #tpu.memory_space<vmem>>, vector<16xf32>,
        %get3A_633 = arith.constant 3 : i32
        %get3A_634 = arith.index_cast %get3A_633 : i32 to index
        %get3A_635 = arith.index_cast %scan3A_457 : i32 to index
        %get3A_636 = arith.constant 256 : index
        %get3A_637 = tpu.vector_load %arg8[%get3A_634, %get3A_635, %get3A_636] {strides = array<i32>} : memref<4x64x384xf32, #tpu.memory_space<vmem>>, vector<16xf32>,
        %mul3A_638 = arith.mulf %get3A_637, %get3A_427 : vector<16xf32>
        %swap3A_639 = arith.constant 3 : i32
        %swap3A_640 = arith.index_cast %swap3A_639 : i32 to index
        %swap3A_641 = arith.index_cast %scan3A_457 : i32 to index
        %swap3A_642 = arith.constant 256 : index
        %swap3A_643 = tpu.vector_load %arg8[%swap3A_640, %swap3A_641, %swap3A_642] {strides = array<i32>} : memref<4x64x384xf32, #tpu.memory_space<vmem>>, vector<16xf32>,
        tpu.vector_store %arg8[%swap3A_640, %swap3A_641, %swap3A_642], %mul3A_638 {strides = array<i32>} : memref<4x64x384xf32, #tpu.memory_space<vmem>>, vector<16xf32>,
        %get3A_644 = arith.constant 3 : i32
        %get3A_645 = arith.index_cast %get3A_644 : i32 to index
        %get3A_646 = arith.index_cast %scan3A_457 : i32 to index
        %get3A_647 = arith.constant 272 : index
        %get3A_648 = tpu.vector_load %arg8[%get3A_645, %get3A_646, %get3A_647] {strides = array<i32>} : memref<4x64x384xf32, #tpu.memory_space<vmem>>, vector<16xf32>,
        %mul3A_649 = arith.mulf %get3A_648, %get3A_427 : vector<16xf32>
        %swap3A_650 = arith.constant 3 : i32
        %swap3A_651 = arith.index_cast %swap3A_650 : i32 to index
        %swap3A_652 = arith.index_cast %scan3A_457 : i32 to index
        %swap3A_653 = arith.constant 272 : index
        %swap3A_654 = tpu.vector_load %arg8[%swap3A_651, %swap3A_652, %swap3A_653] {strides = array<i32>} : memref<4x64x384xf32, #tpu.memory_space<vmem>>, vector<16xf32>,
        tpu.vector_store %arg8[%swap3A_651, %swap3A_652, %swap3A_653], %mul3A_649 {strides = array<i32>} : memref<4x64x384xf32, #tpu.memory_space<vmem>>, vector<16xf32>,
        %get3A_655 = arith.constant 3 : i32
        %get3A_656 = arith.index_cast %get3A_655 : i32 to index
        %get3A_657 = arith.index_cast %scan3A_457 : i32 to index
        %get3A_658 = arith.constant 288 : index
        %get3A_659 = tpu.vector_load %arg8[%get3A_656, %get3A_657, %get3A_658] {strides = array<i32>} : memref<4x64x384xf32, #tpu.memory_space<vmem>>, vector<16xf32>,
        %mul3A_660 = arith.mulf %get3A_659, %get3A_427 : vector<16xf32>
        %swap3A_661 = arith.constant 3 : i32
        %swap3A_662 = arith.index_cast %swap3A_661 : i32 to index
        %swap3A_663 = arith.index_cast %scan3A_457 : i32 to index
        %swap3A_664 = arith.constant 288 : index
        %swap3A_665 = tpu.vector_load %arg8[%swap3A_662, %swap3A_663, %swap3A_664] {strides = array<i32>} : memref<4x64x384xf32, #tpu.memory_space<vmem>>, vector<16xf32>,
        tpu.vector_store %arg8[%swap3A_662, %swap3A_663, %swap3A_664], %mul3A_660 {strides = array<i32>} : memref<4x64x384xf32, #tpu.memory_space<vmem>>, vector<16xf32>,
        %get3A_666 = arith.constant 3 : i32
        %get3A_667 = arith.index_cast %get3A_666 : i32 to index
        %get3A_668 = arith.index_cast %scan3A_457 : i32 to index
        %get3A_669 = arith.constant 304 : index
        %get3A_670 = tpu.vector_load %arg8[%get3A_667, %get3A_668, %get3A_669] {strides = array<i32>} : memref<4x64x384xf32, #tpu.memory_space<vmem>>, vector<16xf32>,
        %mul3A_671 = arith.mulf %get3A_670, %get3A_427 : vector<16xf32>
        %swap3A_672 = arith.constant 3 : i32
        %swap3A_673 = arith.index_cast %swap3A_672 : i32 to index
        %swap3A_674 = arith.index_cast %scan3A_457 : i32 to index
        %swap3A_675 = arith.constant 304 : index
        %swap3A_676 = tpu.vector_load %arg8[%swap3A_673, %swap3A_674, %swap3A_675] {strides = array<i32>} : memref<4x64x384xf32, #tpu.memory_space<vmem>>, vector<16xf32>,
        tpu.vector_store %arg8[%swap3A_673, %swap3A_674, %swap3A_675], %mul3A_671 {strides = array<i32>} : memref<4x64x384xf32, #tpu.memory_space<vmem>>, vector<16xf32>,
        %get3A_677 = arith.constant 3 : i32
        %get3A_678 = arith.index_cast %get3A_677 : i32 to index
        %get3A_679 = arith.index_cast %scan3A_457 : i32 to index
        %get3A_680 = arith.constant 320 : index
        %get3A_681 = tpu.vector_load %arg8[%get3A_678, %get3A_679, %get3A_680] {strides = array<i32>} : memref<4x64x384xf32, #tpu.memory_space<vmem>>, vector<16xf32>,
        %mul3A_682 = arith.mulf %get3A_681, %get3A_427 : vector<16xf32>
        %swap3A_683 = arith.constant 3 : i32
        %swap3A_684 = arith.index_cast %swap3A_683 : i32 to index
        %swap3A_685 = arith.index_cast %scan3A_457 : i32 to index
        %swap3A_686 = arith.constant 320 : index
        %swap3A_687 = tpu.vector_load %arg8[%swap3A_684, %swap3A_685, %swap3A_686] {strides = array<i32>} : memref<4x64x384xf32, #tpu.memory_space<vmem>>, vector<16xf32>,
        tpu.vector_store %arg8[%swap3A_684, %swap3A_685, %swap3A_686], %mul3A_682 {strides = array<i32>} : memref<4x64x384xf32, #tpu.memory_space<vmem>>, vector<16xf32>,
        %get3A_688 = arith.constant 3 : i32
        %get3A_689 = arith.index_cast %get3A_688 : i32 to index
        %get3A_690 = arith.index_cast %scan3A_457 : i32 to index
        %get3A_691 = arith.constant 336 : index
        %get3A_692 = tpu.vector_load %arg8[%get3A_689, %get3A_690, %get3A_691] {strides = array<i32>} : memref<4x64x384xf32, #tpu.memory_space<vmem>>, vector<16xf32>,
        %mul3A_693 = arith.mulf %get3A_692, %get3A_427 : vector<16xf32>
        %swap3A_694 = arith.constant 3 : i32
        %swap3A_695 = arith.index_cast %swap3A_694 : i32 to index
        %swap3A_696 = arith.index_cast %scan3A_457 : i32 to index
        %swap3A_697 = arith.constant 336 : index
        %swap3A_698 = tpu.vector_load %arg8[%swap3A_695, %swap3A_696, %swap3A_697] {strides = array<i32>} : memref<4x64x384xf32, #tpu.memory_space<vmem>>, vector<16xf32>,
        tpu.vector_store %arg8[%swap3A_695, %swap3A_696, %swap3A_697], %mul3A_693 {strides = array<i32>} : memref<4x64x384xf32, #tpu.memory_space<vmem>>, vector<16xf32>,
        %get3A_699 = arith.constant 3 : i32
        %get3A_700 = arith.index_cast %get3A_699 : i32 to index
        %get3A_701 = arith.index_cast %scan3A_457 : i32 to index
        %get3A_702 = arith.constant 352 : index
        %get3A_703 = tpu.vector_load %arg8[%get3A_700, %get3A_701, %get3A_702] {strides = array<i32>} : memref<4x64x384xf32, #tpu.memory_space<vmem>>, vector<16xf32>,
        %mul3A_704 = arith.mulf %get3A_703, %get3A_427 : vector<16xf32>
        %swap3A_705 = arith.constant 3 : i32
        %swap3A_706 = arith.index_cast %swap3A_705 : i32 to index
        %swap3A_707 = arith.index_cast %scan3A_457 : i32 to index
        %swap3A_708 = arith.constant 352 : index
        %swap3A_709 = tpu.vector_load %arg8[%swap3A_706, %swap3A_707, %swap3A_708] {strides = array<i32>} : memref<4x64x384xf32, #tpu.memory_space<vmem>>, vector<16xf32>,
        tpu.vector_store %arg8[%swap3A_706, %swap3A_707, %swap3A_708], %mul3A_704 {strides = array<i32>} : memref<4x64x384xf32, #tpu.memory_space<vmem>>, vector<16xf32>,
        %get3A_710 = arith.constant 3 : i32
        %get3A_711 = arith.index_cast %get3A_710 : i32 to index
        %get3A_712 = arith.index_cast %scan3A_457 : i32 to index
        %get3A_713 = arith.constant 368 : index
        %get3A_714 = tpu.vector_load %arg8[%get3A_711, %get3A_712, %get3A_713] {strides = array<i32>} : memref<4x64x384xf32, #tpu.memory_space<vmem>>, vector<16xf32>,
        %mul3A_715 = arith.mulf %get3A_714, %get3A_427 : vector<16xf32>
        %swap3A_716 = arith.constant 3 : i32
        %swap3A_717 = arith.index_cast %swap3A_716 : i32 to index
        %swap3A_718 = arith.index_cast %scan3A_457 : i32 to index
        %swap3A_719 = arith.constant 368 : index
        %swap3A_720 = tpu.vector_load %arg8[%swap3A_717, %swap3A_718, %swap3A_719] {strides = array<i32>} : memref<4x64x384xf32, #tpu.memory_space<vmem>>, vector<16xf32>,
        tpu.vector_store %arg8[%swap3A_717, %swap3A_718, %swap3A_719], %mul3A_715 {strides = array<i32>} : memref<4x64x384xf32, #tpu.memory_space<vmem>>, vector<16xf32>,
      }
      %scan3A_433 = arith.constant 64 : i32
      %mul3A_434 = arith.constant 49 : i32
      %mul3A_435 = arith.muli %add3A, %mul3A_434 : i32
      %add3A_436 = arith.addi %mul3A_435, %add3A_391 : i32
      %dma_start3A_437 = arith.constant 3 : i32
      %dma_start3A_438 = arith.constant 3 : i32
      %dma_start3A_439 = arith.constant 0 : i32
      %dma_start3A_440 = arith.constant 0 : i32
      %dma_start3A_441 = tpu.memref_slice %arg8[%dma_start3A_437, %dma_start3A_439, %dma_start3A_440] : memref<4x64x384xf32, #tpu.memory_space<vmem>> -> memref<1x64x384xf32, #tpu.memory_space<vmem>>
      %dma_start3A_442 = tpu.memref_squeeze %dma_start3A_441 : memref<1x64x384xf32, #tpu.memory_space<vmem>> -> memref<64x384xf32, #tpu.memory_space<vmem>>
      %dma_start3A_443 = arith.constant 0 : i32
      %dma_start3A_444 = arith.constant 0 : i32
      %dma_start3A_445 = tpu.memref_slice %arg5[%add3A_436, %dma_start3A_443, %dma_start3A_444] : memref<1568x64x384xf32, #tpu.memory_space<hbm>> -> memref<1x64x384xf32, #tpu.memory_space<hbm>>
      %dma_start3A_446 = tpu.memref_squeeze %dma_start3A_445 : memref<1x64x384xf32, #tpu.memory_space<hbm>> -> memref<64x384xf32, #tpu.memory_space<hbm>>
      %dma_start3A_447 = tpu.memref_slice %arg10[%dma_start3A_438] : memref<4x!tpu.dma_semaphore, #tpu.memory_space<semaphore_mem>> -> memref<1x!tpu.dma_semaphore, #tpu.memory_space<semaphore_mem>>
      %dma_start3A_448 = tpu.memref_squeeze %dma_start3A_447 : memref<1x!tpu.dma_semaphore, #tpu.memory_space<semaphore_mem>> -> memref<!tpu.dma_semaphore, #tpu.memory_space<semaphore_mem>>
      %dma_start3A_449 = arith.constant 0 : i32
      %dma_start3A_450 = arith.constant 0 : i32
      %dma_start3A_451 = tpu.memref_slice %arg5[%add3A_436, %dma_start3A_449, %dma_start3A_450] : memref<1568x64x384xf32, #tpu.memory_space<hbm>> -> memref<1x64x384xf32, #tpu.memory_space<hbm>>
      %dma_start3A_452 = tpu.memref_squeeze %dma_start3A_451 : memref<1x64x384xf32, #tpu.memory_space<hbm>> -> memref<64x384xf32, #tpu.memory_space<hbm>>
      %dma_start3A_453 = arith.constant 0 : i32
      %dma_start3A_454 = arith.constant 0 : i32
      %dma_start3A_455 = tpu.memref_slice %arg8[%dma_start3A_437, %dma_start3A_453, %dma_start3A_454] : memref<4x64x384xf32, #tpu.memory_space<vmem>> -> memref<1x64x384xf32, #tpu.memory_space<vmem>>
      %dma_start3A_456 = tpu.memref_squeeze %dma_start3A_455 : memref<1x64x384xf32, #tpu.memory_space<vmem>> -> memref<64x384xf32, #tpu.memory_space<vmem>>
      tpu.enqueue_dma source(%dma_start3A_456 : memref<64x384xf32, #tpu.memory_space<vmem>>) target(%dma_start3A_452 : memref<64x384xf32, #tpu.memory_space<hbm>>) target_semaphore(%dma_start3A_448 : memref<!tpu.dma_semaphore, #tpu.memory_space<semaphore_mem>>)
    }
    %scan3A_66 = arith.constant 12 : i32
    %dma_wait3A = arith.constant 0 : i32
    %dma_wait3A_67 = arith.constant 0 : i32
    %dma_wait3A_68 = arith.constant 0 : i32
    %dma_wait3A_69 = arith.constant 0 : i32
    %dma_wait3A_70 = arith.constant 0 : i32
    %dma_wait3A_71 = tpu.memref_slice %arg8[%dma_wait3A_67, %dma_wait3A_69, %dma_wait3A_70] : memref<4x64x384xf32, #tpu.memory_space<vmem>> -> memref<1x64x384xf32, #tpu.memory_space<vmem>>
    %dma_wait3A_72 = tpu.memref_squeeze %dma_wait3A_71 : memref<1x64x384xf32, #tpu.memory_space<vmem>> -> memref<64x384xf32, #tpu.memory_space<vmem>>
    %dma_wait3A_73 = arith.constant 0 : i32
    %dma_wait3A_74 = arith.constant 0 : i32
    %dma_wait3A_75 = tpu.memref_slice %arg4[%dma_wait3A, %dma_wait3A_73, %dma_wait3A_74] : memref<392x64x384xf32, #tpu.memory_space<hbm>> -> memref<1x64x384xf32, #tpu.memory_space<hbm>>
    %dma_wait3A_76 = tpu.memref_squeeze %dma_wait3A_75 : memref<1x64x384xf32, #tpu.memory_space<hbm>> -> memref<64x384xf32, #tpu.memory_space<hbm>>
    %dma_wait3A_77 = tpu.memref_slice %arg9[%dma_wait3A_68] : memref<4x!tpu.dma_semaphore, #tpu.memory_space<semaphore_mem>> -> memref<1x!tpu.dma_semaphore, #tpu.memory_space<semaphore_mem>>
    %dma_wait3A_78 = tpu.memref_squeeze %dma_wait3A_77 : memref<1x!tpu.dma_semaphore, #tpu.memory_space<semaphore_mem>> -> memref<!tpu.dma_semaphore, #tpu.memory_space<semaphore_mem>>
    %dma_wait3A_79 = arith.constant 0 : i32
    %dma_wait3A_80 = arith.constant 0 : i32
    %dma_wait3A_81 = tpu.memref_slice %arg8[%dma_wait3A_67, %dma_wait3A_79, %dma_wait3A_80] : memref<4x64x384xf32, #tpu.memory_space<vmem>> -> memref<1x64x384xf32, #tpu.memory_space<vmem>>
    %dma_wait3A_82 = tpu.memref_squeeze %dma_wait3A_81 : memref<1x64x384xf32, #tpu.memory_space<vmem>> -> memref<64x384xf32, #tpu.memory_space<vmem>>
    %dma_wait3A_83 = arith.constant 0 : i32
    %dma_wait3A_84 = arith.constant 0 : i32
    %dma_wait3A_85 = tpu.memref_slice %arg4[%dma_wait3A, %dma_wait3A_83, %dma_wait3A_84] : memref<392x64x384xf32, #tpu.memory_space<hbm>> -> memref<1x64x384xf32, #tpu.memory_space<hbm>>
    %dma_wait3A_86 = tpu.memref_squeeze %dma_wait3A_85 : memref<1x64x384xf32, #tpu.memory_space<hbm>> -> memref<64x384xf32, #tpu.memory_space<hbm>>
    tpu.wait_dma2 semaphore(%dma_wait3A_78 : memref<!tpu.dma_semaphore, #tpu.memory_space<semaphore_mem>>) src(%dma_wait3A_86 : memref<64x384xf32, #tpu.memory_space<hbm>>) dst(%dma_wait3A_82 : memref<64x384xf32, #tpu.memory_space<vmem>>)
    %get3A_87 = arith.constant 48 : i32
    %get3A_88 = arith.index_cast %get3A_87 : i32 to index
    %get3A_89 = arith.constant 0 : index
    %get3A_90 = tpu.vector_load %arg7[%get3A_88, %get3A_89] {strides = array<i32>} : memref<49x16xf32, #tpu.memory_space<vmem>>, vector<16xf32>,
    %scan3A_91 = arith.constant 0 : i32
    %scan3A_92 = arith.constant 0 : i32
    %scan3A_93 = arith.constant 64 : i32
    %scan3A_94 = arith.addi %scan3A_92, %scan3A_93 : i32
    %scan3A_95 = arith.constant 1 : i32
    scf.for %scan3A_184 = %scan3A_92 to %scan3A_94 step %scan3A_95  : i32 {
      %get3A_185 = arith.constant 0 : i32
      %get3A_186 = arith.index_cast %get3A_185 : i32 to index
      %get3A_187 = arith.index_cast %scan3A_184 : i32 to index
      %get3A_188 = arith.constant 0 : index
      %get3A_189 = tpu.vector_load %arg8[%get3A_186, %get3A_187, %get3A_188] {strides = array<i32>} : memref<4x64x384xf32, #tpu.memory_space<vmem>>, vector<16xf32>,
      %mul3A_190 = arith.mulf %get3A_189, %get3A_90 : vector<16xf32>
      %swap3A = arith.constant 0 : i32
      %swap3A_191 = arith.index_cast %swap3A : i32 to index
      %swap3A_192 = arith.index_cast %scan3A_184 : i32 to index
      %swap3A_193 = arith.constant 0 : index
      %swap3A_194 = tpu.vector_load %arg8[%swap3A_191, %swap3A_192, %swap3A_193] {strides = array<i32>} : memref<4x64x384xf32, #tpu.memory_space<vmem>>, vector<16xf32>,
      tpu.vector_store %arg8[%swap3A_191, %swap3A_192, %swap3A_193], %mul3A_190 {strides = array<i32>} : memref<4x64x384xf32, #tpu.memory_space<vmem>>, vector<16xf32>,
      %get3A_195 = arith.constant 0 : i32
      %get3A_196 = arith.index_cast %get3A_195 : i32 to index
      %get3A_197 = arith.index_cast %scan3A_184 : i32 to index
      %get3A_198 = arith.constant 16 : index
      %get3A_199 = tpu.vector_load %arg8[%get3A_196, %get3A_197, %get3A_198] {strides = array<i32>} : memref<4x64x384xf32, #tpu.memory_space<vmem>>, vector<16xf32>,
      %mul3A_200 = arith.mulf %get3A_199, %get3A_90 : vector<16xf32>
      %swap3A_201 = arith.constant 0 : i32
      %swap3A_202 = arith.index_cast %swap3A_201 : i32 to index
      %swap3A_203 = arith.index_cast %scan3A_184 : i32 to index
      %swap3A_204 = arith.constant 16 : index
      %swap3A_205 = tpu.vector_load %arg8[%swap3A_202, %swap3A_203, %swap3A_204] {strides = array<i32>} : memref<4x64x384xf32, #tpu.memory_space<vmem>>, vector<16xf32>,
      tpu.vector_store %arg8[%swap3A_202, %swap3A_203, %swap3A_204], %mul3A_200 {strides = array<i32>} : memref<4x64x384xf32, #tpu.memory_space<vmem>>, vector<16xf32>,
      %get3A_206 = arith.constant 0 : i32
      %get3A_207 = arith.index_cast %get3A_206 : i32 to index
      %get3A_208 = arith.index_cast %scan3A_184 : i32 to index
      %get3A_209 = arith.constant 32 : index
      %get3A_210 = tpu.vector_load %arg8[%get3A_207, %get3A_208, %get3A_209] {strides = array<i32>} : memref<4x64x384xf32, #tpu.memory_space<vmem>>, vector<16xf32>,
      %mul3A_211 = arith.mulf %get3A_210, %get3A_90 : vector<16xf32>
      %swap3A_212 = arith.constant 0 : i32
      %swap3A_213 = arith.index_cast %swap3A_212 : i32 to index
      %swap3A_214 = arith.index_cast %scan3A_184 : i32 to index
      %swap3A_215 = arith.constant 32 : index
      %swap3A_216 = tpu.vector_load %arg8[%swap3A_213, %swap3A_214, %swap3A_215] {strides = array<i32>} : memref<4x64x384xf32, #tpu.memory_space<vmem>>, vector<16xf32>,
      tpu.vector_store %arg8[%swap3A_213, %swap3A_214, %swap3A_215], %mul3A_211 {strides = array<i32>} : memref<4x64x384xf32, #tpu.memory_space<vmem>>, vector<16xf32>,
      %get3A_217 = arith.constant 0 : i32
      %get3A_218 = arith.index_cast %get3A_217 : i32 to index
      %get3A_219 = arith.index_cast %scan3A_184 : i32 to index
      %get3A_220 = arith.constant 48 : index
      %get3A_221 = tpu.vector_load %arg8[%get3A_218, %get3A_219, %get3A_220] {strides = array<i32>} : memref<4x64x384xf32, #tpu.memory_space<vmem>>, vector<16xf32>,
      %mul3A_222 = arith.mulf %get3A_221, %get3A_90 : vector<16xf32>
      %swap3A_223 = arith.constant 0 : i32
      %swap3A_224 = arith.index_cast %swap3A_223 : i32 to index
      %swap3A_225 = arith.index_cast %scan3A_184 : i32 to index
      %swap3A_226 = arith.constant 48 : index
      %swap3A_227 = tpu.vector_load %arg8[%swap3A_224, %swap3A_225, %swap3A_226] {strides = array<i32>} : memref<4x64x384xf32, #tpu.memory_space<vmem>>, vector<16xf32>,
      tpu.vector_store %arg8[%swap3A_224, %swap3A_225, %swap3A_226], %mul3A_222 {strides = array<i32>} : memref<4x64x384xf32, #tpu.memory_space<vmem>>, vector<16xf32>,
      %get3A_228 = arith.constant 0 : i32
      %get3A_229 = arith.index_cast %get3A_228 : i32 to index
      %get3A_230 = arith.index_cast %scan3A_184 : i32 to index
      %get3A_231 = arith.constant 64 : index
      %get3A_232 = tpu.vector_load %arg8[%get3A_229, %get3A_230, %get3A_231] {strides = array<i32>} : memref<4x64x384xf32, #tpu.memory_space<vmem>>, vector<16xf32>,
      %mul3A_233 = arith.mulf %get3A_232, %get3A_90 : vector<16xf32>
      %swap3A_234 = arith.constant 0 : i32
      %swap3A_235 = arith.index_cast %swap3A_234 : i32 to index
      %swap3A_236 = arith.index_cast %scan3A_184 : i32 to index
      %swap3A_237 = arith.constant 64 : index
      %swap3A_238 = tpu.vector_load %arg8[%swap3A_235, %swap3A_236, %swap3A_237] {strides = array<i32>} : memref<4x64x384xf32, #tpu.memory_space<vmem>>, vector<16xf32>,
      tpu.vector_store %arg8[%swap3A_235, %swap3A_236, %swap3A_237], %mul3A_233 {strides = array<i32>} : memref<4x64x384xf32, #tpu.memory_space<vmem>>, vector<16xf32>,
      %get3A_239 = arith.constant 0 : i32
      %get3A_240 = arith.index_cast %get3A_239 : i32 to index
      %get3A_241 = arith.index_cast %scan3A_184 : i32 to index
      %get3A_242 = arith.constant 80 : index
      %get3A_243 = tpu.vector_load %arg8[%get3A_240, %get3A_241, %get3A_242] {strides = array<i32>} : memref<4x64x384xf32, #tpu.memory_space<vmem>>, vector<16xf32>,
      %mul3A_244 = arith.mulf %get3A_243, %get3A_90 : vector<16xf32>
      %swap3A_245 = arith.constant 0 : i32
      %swap3A_246 = arith.index_cast %swap3A_245 : i32 to index
      %swap3A_247 = arith.index_cast %scan3A_184 : i32 to index
      %swap3A_248 = arith.constant 80 : index
      %swap3A_249 = tpu.vector_load %arg8[%swap3A_246, %swap3A_247, %swap3A_248] {strides = array<i32>} : memref<4x64x384xf32, #tpu.memory_space<vmem>>, vector<16xf32>,
      tpu.vector_store %arg8[%swap3A_246, %swap3A_247, %swap3A_248], %mul3A_244 {strides = array<i32>} : memref<4x64x384xf32, #tpu.memory_space<vmem>>, vector<16xf32>,
      %get3A_250 = arith.constant 0 : i32
      %get3A_251 = arith.index_cast %get3A_250 : i32 to index
      %get3A_252 = arith.index_cast %scan3A_184 : i32 to index
      %get3A_253 = arith.constant 96 : index
      %get3A_254 = tpu.vector_load %arg8[%get3A_251, %get3A_252, %get3A_253] {strides = array<i32>} : memref<4x64x384xf32, #tpu.memory_space<vmem>>, vector<16xf32>,
      %mul3A_255 = arith.mulf %get3A_254, %get3A_90 : vector<16xf32>
      %swap3A_256 = arith.constant 0 : i32
      %swap3A_257 = arith.index_cast %swap3A_256 : i32 to index
      %swap3A_258 = arith.index_cast %scan3A_184 : i32 to index
      %swap3A_259 = arith.constant 96 : index
      %swap3A_260 = tpu.vector_load %arg8[%swap3A_257, %swap3A_258, %swap3A_259] {strides = array<i32>} : memref<4x64x384xf32, #tpu.memory_space<vmem>>, vector<16xf32>,
      tpu.vector_store %arg8[%swap3A_257, %swap3A_258, %swap3A_259], %mul3A_255 {strides = array<i32>} : memref<4x64x384xf32, #tpu.memory_space<vmem>>, vector<16xf32>,
      %get3A_261 = arith.constant 0 : i32
      %get3A_262 = arith.index_cast %get3A_261 : i32 to index
      %get3A_263 = arith.index_cast %scan3A_184 : i32 to index
      %get3A_264 = arith.constant 112 : index
      %get3A_265 = tpu.vector_load %arg8[%get3A_262, %get3A_263, %get3A_264] {strides = array<i32>} : memref<4x64x384xf32, #tpu.memory_space<vmem>>, vector<16xf32>,
      %mul3A_266 = arith.mulf %get3A_265, %get3A_90 : vector<16xf32>
      %swap3A_267 = arith.constant 0 : i32
      %swap3A_268 = arith.index_cast %swap3A_267 : i32 to index
      %swap3A_269 = arith.index_cast %scan3A_184 : i32 to index
      %swap3A_270 = arith.constant 112 : index
      %swap3A_271 = tpu.vector_load %arg8[%swap3A_268, %swap3A_269, %swap3A_270] {strides = array<i32>} : memref<4x64x384xf32, #tpu.memory_space<vmem>>, vector<16xf32>,
      tpu.vector_store %arg8[%swap3A_268, %swap3A_269, %swap3A_270], %mul3A_266 {strides = array<i32>} : memref<4x64x384xf32, #tpu.memory_space<vmem>>, vector<16xf32>,
      %get3A_272 = arith.constant 0 : i32
      %get3A_273 = arith.index_cast %get3A_272 : i32 to index
      %get3A_274 = arith.index_cast %scan3A_184 : i32 to index
      %get3A_275 = arith.constant 128 : index
      %get3A_276 = tpu.vector_load %arg8[%get3A_273, %get3A_274, %get3A_275] {strides = array<i32>} : memref<4x64x384xf32, #tpu.memory_space<vmem>>, vector<16xf32>,
      %mul3A_277 = arith.mulf %get3A_276, %get3A_90 : vector<16xf32>
      %swap3A_278 = arith.constant 0 : i32
      %swap3A_279 = arith.index_cast %swap3A_278 : i32 to index
      %swap3A_280 = arith.index_cast %scan3A_184 : i32 to index
      %swap3A_281 = arith.constant 128 : index
      %swap3A_282 = tpu.vector_load %arg8[%swap3A_279, %swap3A_280, %swap3A_281] {strides = array<i32>} : memref<4x64x384xf32, #tpu.memory_space<vmem>>, vector<16xf32>,
      tpu.vector_store %arg8[%swap3A_279, %swap3A_280, %swap3A_281], %mul3A_277 {strides = array<i32>} : memref<4x64x384xf32, #tpu.memory_space<vmem>>, vector<16xf32>,
      %get3A_283 = arith.constant 0 : i32
      %get3A_284 = arith.index_cast %get3A_283 : i32 to index
      %get3A_285 = arith.index_cast %scan3A_184 : i32 to index
      %get3A_286 = arith.constant 144 : index
      %get3A_287 = tpu.vector_load %arg8[%get3A_284, %get3A_285, %get3A_286] {strides = array<i32>} : memref<4x64x384xf32, #tpu.memory_space<vmem>>, vector<16xf32>,
      %mul3A_288 = arith.mulf %get3A_287, %get3A_90 : vector<16xf32>
      %swap3A_289 = arith.constant 0 : i32
      %swap3A_290 = arith.index_cast %swap3A_289 : i32 to index
      %swap3A_291 = arith.index_cast %scan3A_184 : i32 to index
      %swap3A_292 = arith.constant 144 : index
      %swap3A_293 = tpu.vector_load %arg8[%swap3A_290, %swap3A_291, %swap3A_292] {strides = array<i32>} : memref<4x64x384xf32, #tpu.memory_space<vmem>>, vector<16xf32>,
      tpu.vector_store %arg8[%swap3A_290, %swap3A_291, %swap3A_292], %mul3A_288 {strides = array<i32>} : memref<4x64x384xf32, #tpu.memory_space<vmem>>, vector<16xf32>,
      %get3A_294 = arith.constant 0 : i32
      %get3A_295 = arith.index_cast %get3A_294 : i32 to index
      %get3A_296 = arith.index_cast %scan3A_184 : i32 to index
      %get3A_297 = arith.constant 160 : index
      %get3A_298 = tpu.vector_load %arg8[%get3A_295, %get3A_296, %get3A_297] {strides = array<i32>} : memref<4x64x384xf32, #tpu.memory_space<vmem>>, vector<16xf32>,
      %mul3A_299 = arith.mulf %get3A_298, %get3A_90 : vector<16xf32>
      %swap3A_300 = arith.constant 0 : i32
      %swap3A_301 = arith.index_cast %swap3A_300 : i32 to index
      %swap3A_302 = arith.index_cast %scan3A_184 : i32 to index
      %swap3A_303 = arith.constant 160 : index
      %swap3A_304 = tpu.vector_load %arg8[%swap3A_301, %swap3A_302, %swap3A_303] {strides = array<i32>} : memref<4x64x384xf32, #tpu.memory_space<vmem>>, vector<16xf32>,
      tpu.vector_store %arg8[%swap3A_301, %swap3A_302, %swap3A_303], %mul3A_299 {strides = array<i32>} : memref<4x64x384xf32, #tpu.memory_space<vmem>>, vector<16xf32>,
      %get3A_305 = arith.constant 0 : i32
      %get3A_306 = arith.index_cast %get3A_305 : i32 to index
      %get3A_307 = arith.index_cast %scan3A_184 : i32 to index
      %get3A_308 = arith.constant 176 : index
      %get3A_309 = tpu.vector_load %arg8[%get3A_306, %get3A_307, %get3A_308] {strides = array<i32>} : memref<4x64x384xf32, #tpu.memory_space<vmem>>, vector<16xf32>,
      %mul3A_310 = arith.mulf %get3A_309, %get3A_90 : vector<16xf32>
      %swap3A_311 = arith.constant 0 : i32
      %swap3A_312 = arith.index_cast %swap3A_311 : i32 to index
      %swap3A_313 = arith.index_cast %scan3A_184 : i32 to index
      %swap3A_314 = arith.constant 176 : index
      %swap3A_315 = tpu.vector_load %arg8[%swap3A_312, %swap3A_313, %swap3A_314] {strides = array<i32>} : memref<4x64x384xf32, #tpu.memory_space<vmem>>, vector<16xf32>,
      tpu.vector_store %arg8[%swap3A_312, %swap3A_313, %swap3A_314], %mul3A_310 {strides = array<i32>} : memref<4x64x384xf32, #tpu.memory_space<vmem>>, vector<16xf32>,
      %get3A_316 = arith.constant 0 : i32
      %get3A_317 = arith.index_cast %get3A_316 : i32 to index
      %get3A_318 = arith.index_cast %scan3A_184 : i32 to index
      %get3A_319 = arith.constant 192 : index
      %get3A_320 = tpu.vector_load %arg8[%get3A_317, %get3A_318, %get3A_319] {strides = array<i32>} : memref<4x64x384xf32, #tpu.memory_space<vmem>>, vector<16xf32>,
      %mul3A_321 = arith.mulf %get3A_320, %get3A_90 : vector<16xf32>
      %swap3A_322 = arith.constant 0 : i32
      %swap3A_323 = arith.index_cast %swap3A_322 : i32 to index
      %swap3A_324 = arith.index_cast %scan3A_184 : i32 to index
      %swap3A_325 = arith.constant 192 : index
      %swap3A_326 = tpu.vector_load %arg8[%swap3A_323, %swap3A_324, %swap3A_325] {strides = array<i32>} : memref<4x64x384xf32, #tpu.memory_space<vmem>>, vector<16xf32>,
      tpu.vector_store %arg8[%swap3A_323, %swap3A_324, %swap3A_325], %mul3A_321 {strides = array<i32>} : memref<4x64x384xf32, #tpu.memory_space<vmem>>, vector<16xf32>,
      %get3A_327 = arith.constant 0 : i32
      %get3A_328 = arith.index_cast %get3A_327 : i32 to index
      %get3A_329 = arith.index_cast %scan3A_184 : i32 to index
      %get3A_330 = arith.constant 208 : index
      %get3A_331 = tpu.vector_load %arg8[%get3A_328, %get3A_329, %get3A_330] {strides = array<i32>} : memref<4x64x384xf32, #tpu.memory_space<vmem>>, vector<16xf32>,
      %mul3A_332 = arith.mulf %get3A_331, %get3A_90 : vector<16xf32>
      %swap3A_333 = arith.constant 0 : i32
      %swap3A_334 = arith.index_cast %swap3A_333 : i32 to index
      %swap3A_335 = arith.index_cast %scan3A_184 : i32 to index
      %swap3A_336 = arith.constant 208 : index
      %swap3A_337 = tpu.vector_load %arg8[%swap3A_334, %swap3A_335, %swap3A_336] {strides = array<i32>} : memref<4x64x384xf32, #tpu.memory_space<vmem>>, vector<16xf32>,
      tpu.vector_store %arg8[%swap3A_334, %swap3A_335, %swap3A_336], %mul3A_332 {strides = array<i32>} : memref<4x64x384xf32, #tpu.memory_space<vmem>>, vector<16xf32>,
      %get3A_338 = arith.constant 0 : i32
      %get3A_339 = arith.index_cast %get3A_338 : i32 to index
      %get3A_340 = arith.index_cast %scan3A_184 : i32 to index
      %get3A_341 = arith.constant 224 : index
      %get3A_342 = tpu.vector_load %arg8[%get3A_339, %get3A_340, %get3A_341] {strides = array<i32>} : memref<4x64x384xf32, #tpu.memory_space<vmem>>, vector<16xf32>,
      %mul3A_343 = arith.mulf %get3A_342, %get3A_90 : vector<16xf32>
      %swap3A_344 = arith.constant 0 : i32
      %swap3A_345 = arith.index_cast %swap3A_344 : i32 to index
      %swap3A_346 = arith.index_cast %scan3A_184 : i32 to index
      %swap3A_347 = arith.constant 224 : index
      %swap3A_348 = tpu.vector_load %arg8[%swap3A_345, %swap3A_346, %swap3A_347] {strides = array<i32>} : memref<4x64x384xf32, #tpu.memory_space<vmem>>, vector<16xf32>,
      tpu.vector_store %arg8[%swap3A_345, %swap3A_346, %swap3A_347], %mul3A_343 {strides = array<i32>} : memref<4x64x384xf32, #tpu.memory_space<vmem>>, vector<16xf32>,
      %get3A_349 = arith.constant 0 : i32
      %get3A_350 = arith.index_cast %get3A_349 : i32 to index
      %get3A_351 = arith.index_cast %scan3A_184 : i32 to index
      %get3A_352 = arith.constant 240 : index
      %get3A_353 = tpu.vector_load %arg8[%get3A_350, %get3A_351, %get3A_352] {strides = array<i32>} : memref<4x64x384xf32, #tpu.memory_space<vmem>>, vector<16xf32>,
      %mul3A_354 = arith.mulf %get3A_353, %get3A_90 : vector<16xf32>
      %swap3A_355 = arith.constant 0 : i32
      %swap3A_356 = arith.index_cast %swap3A_355 : i32 to index
      %swap3A_357 = arith.index_cast %scan3A_184 : i32 to index
      %swap3A_358 = arith.constant 240 : index
      %swap3A_359 = tpu.vector_load %arg8[%swap3A_356, %swap3A_357, %swap3A_358] {strides = array<i32>} : memref<4x64x384xf32, #tpu.memory_space<vmem>>, vector<16xf32>,
      tpu.vector_store %arg8[%swap3A_356, %swap3A_357, %swap3A_358], %mul3A_354 {strides = array<i32>} : memref<4x64x384xf32, #tpu.memory_space<vmem>>, vector<16xf32>,
      %get3A_360 = arith.constant 0 : i32
      %get3A_361 = arith.index_cast %get3A_360 : i32 to index
      %get3A_362 = arith.index_cast %scan3A_184 : i32 to index
      %get3A_363 = arith.constant 256 : index
      %get3A_364 = tpu.vector_load %arg8[%get3A_361, %get3A_362, %get3A_363] {strides = array<i32>} : memref<4x64x384xf32, #tpu.memory_space<vmem>>, vector<16xf32>,
      %mul3A_365 = arith.mulf %get3A_364, %get3A_90 : vector<16xf32>
      %swap3A_366 = arith.constant 0 : i32
      %swap3A_367 = arith.index_cast %swap3A_366 : i32 to index
      %swap3A_368 = arith.index_cast %scan3A_184 : i32 to index
      %swap3A_369 = arith.constant 256 : index
      %swap3A_370 = tpu.vector_load %arg8[%swap3A_367, %swap3A_368, %swap3A_369] {strides = array<i32>} : memref<4x64x384xf32, #tpu.memory_space<vmem>>, vector<16xf32>,
      tpu.vector_store %arg8[%swap3A_367, %swap3A_368, %swap3A_369], %mul3A_365 {strides = array<i32>} : memref<4x64x384xf32, #tpu.memory_space<vmem>>, vector<16xf32>,
      %get3A_371 = arith.constant 0 : i32
      %get3A_372 = arith.index_cast %get3A_371 : i32 to index
      %get3A_373 = arith.index_cast %scan3A_184 : i32 to index
      %get3A_374 = arith.constant 272 : index
      %get3A_375 = tpu.vector_load %arg8[%get3A_372, %get3A_373, %get3A_374] {strides = array<i32>} : memref<4x64x384xf32, #tpu.memory_space<vmem>>, vector<16xf32>,
      %mul3A_376 = arith.mulf %get3A_375, %get3A_90 : vector<16xf32>
      %swap3A_377 = arith.constant 0 : i32
      %swap3A_378 = arith.index_cast %swap3A_377 : i32 to index
      %swap3A_379 = arith.index_cast %scan3A_184 : i32 to index
      %swap3A_380 = arith.constant 272 : index
      %swap3A_381 = tpu.vector_load %arg8[%swap3A_378, %swap3A_379, %swap3A_380] {strides = array<i32>} : memref<4x64x384xf32, #tpu.memory_space<vmem>>, vector<16xf32>,
      tpu.vector_store %arg8[%swap3A_378, %swap3A_379, %swap3A_380], %mul3A_376 {strides = array<i32>} : memref<4x64x384xf32, #tpu.memory_space<vmem>>, vector<16xf32>,
      %get3A_382 = arith.constant 0 : i32
      %get3A_383 = arith.index_cast %get3A_382 : i32 to index
      %get3A_384 = arith.index_cast %scan3A_184 : i32 to index
      %get3A_385 = arith.constant 288 : index
      %get3A_386 = tpu.vector_load %arg8[%get3A_383, %get3A_384, %get3A_385] {strides = array<i32>} : memref<4x64x384xf32, #tpu.memory_space<vmem>>, vector<16xf32>,
      %mul3A_387 = arith.mulf %get3A_386, %get3A_90 : vector<16xf32>
      %swap3A_388 = arith.constant 0 : i32
      %swap3A_389 = arith.index_cast %swap3A_388 : i32 to index
      %swap3A_390 = arith.index_cast %scan3A_184 : i32 to index
      %swap3A_391 = arith.constant 288 : index
      %swap3A_392 = tpu.vector_load %arg8[%swap3A_389, %swap3A_390, %swap3A_391] {strides = array<i32>} : memref<4x64x384xf32, #tpu.memory_space<vmem>>, vector<16xf32>,
      tpu.vector_store %arg8[%swap3A_389, %swap3A_390, %swap3A_391], %mul3A_387 {strides = array<i32>} : memref<4x64x384xf32, #tpu.memory_space<vmem>>, vector<16xf32>,
      %get3A_393 = arith.constant 0 : i32
      %get3A_394 = arith.index_cast %get3A_393 : i32 to index
      %get3A_395 = arith.index_cast %scan3A_184 : i32 to index
      %get3A_396 = arith.constant 304 : index
      %get3A_397 = tpu.vector_load %arg8[%get3A_394, %get3A_395, %get3A_396] {strides = array<i32>} : memref<4x64x384xf32, #tpu.memory_space<vmem>>, vector<16xf32>,
      %mul3A_398 = arith.mulf %get3A_397, %get3A_90 : vector<16xf32>
      %swap3A_399 = arith.constant 0 : i32
      %swap3A_400 = arith.index_cast %swap3A_399 : i32 to index
      %swap3A_401 = arith.index_cast %scan3A_184 : i32 to index
      %swap3A_402 = arith.constant 304 : index
      %swap3A_403 = tpu.vector_load %arg8[%swap3A_400, %swap3A_401, %swap3A_402] {strides = array<i32>} : memref<4x64x384xf32, #tpu.memory_space<vmem>>, vector<16xf32>,
      tpu.vector_store %arg8[%swap3A_400, %swap3A_401, %swap3A_402], %mul3A_398 {strides = array<i32>} : memref<4x64x384xf32, #tpu.memory_space<vmem>>, vector<16xf32>,
      %get3A_404 = arith.constant 0 : i32
      %get3A_405 = arith.index_cast %get3A_404 : i32 to index
      %get3A_406 = arith.index_cast %scan3A_184 : i32 to index
      %get3A_407 = arith.constant 320 : index
      %get3A_408 = tpu.vector_load %arg8[%get3A_405, %get3A_406, %get3A_407] {strides = array<i32>} : memref<4x64x384xf32, #tpu.memory_space<vmem>>, vector<16xf32>,
      %mul3A_409 = arith.mulf %get3A_408, %get3A_90 : vector<16xf32>
      %swap3A_410 = arith.constant 0 : i32
      %swap3A_411 = arith.index_cast %swap3A_410 : i32 to index
      %swap3A_412 = arith.index_cast %scan3A_184 : i32 to index
      %swap3A_413 = arith.constant 320 : index
      %swap3A_414 = tpu.vector_load %arg8[%swap3A_411, %swap3A_412, %swap3A_413] {strides = array<i32>} : memref<4x64x384xf32, #tpu.memory_space<vmem>>, vector<16xf32>,
      tpu.vector_store %arg8[%swap3A_411, %swap3A_412, %swap3A_413], %mul3A_409 {strides = array<i32>} : memref<4x64x384xf32, #tpu.memory_space<vmem>>, vector<16xf32>,
      %get3A_415 = arith.constant 0 : i32
      %get3A_416 = arith.index_cast %get3A_415 : i32 to index
      %get3A_417 = arith.index_cast %scan3A_184 : i32 to index
      %get3A_418 = arith.constant 336 : index
      %get3A_419 = tpu.vector_load %arg8[%get3A_416, %get3A_417, %get3A_418] {strides = array<i32>} : memref<4x64x384xf32, #tpu.memory_space<vmem>>, vector<16xf32>,
      %mul3A_420 = arith.mulf %get3A_419, %get3A_90 : vector<16xf32>
      %swap3A_421 = arith.constant 0 : i32
      %swap3A_422 = arith.index_cast %swap3A_421 : i32 to index
      %swap3A_423 = arith.index_cast %scan3A_184 : i32 to index
      %swap3A_424 = arith.constant 336 : index
      %swap3A_425 = tpu.vector_load %arg8[%swap3A_422, %swap3A_423, %swap3A_424] {strides = array<i32>} : memref<4x64x384xf32, #tpu.memory_space<vmem>>, vector<16xf32>,
      tpu.vector_store %arg8[%swap3A_422, %swap3A_423, %swap3A_424], %mul3A_420 {strides = array<i32>} : memref<4x64x384xf32, #tpu.memory_space<vmem>>, vector<16xf32>,
      %get3A_426 = arith.constant 0 : i32
      %get3A_427 = arith.index_cast %get3A_426 : i32 to index
      %get3A_428 = arith.index_cast %scan3A_184 : i32 to index
      %get3A_429 = arith.constant 352 : index
      %get3A_430 = tpu.vector_load %arg8[%get3A_427, %get3A_428, %get3A_429] {strides = array<i32>} : memref<4x64x384xf32, #tpu.memory_space<vmem>>, vector<16xf32>,
      %mul3A_431 = arith.mulf %get3A_430, %get3A_90 : vector<16xf32>
      %swap3A_432 = arith.constant 0 : i32
      %swap3A_433 = arith.index_cast %swap3A_432 : i32 to index
      %swap3A_434 = arith.index_cast %scan3A_184 : i32 to index
      %swap3A_435 = arith.constant 352 : index
      %swap3A_436 = tpu.vector_load %arg8[%swap3A_433, %swap3A_434, %swap3A_435] {strides = array<i32>} : memref<4x64x384xf32, #tpu.memory_space<vmem>>, vector<16xf32>,
      tpu.vector_store %arg8[%swap3A_433, %swap3A_434, %swap3A_435], %mul3A_431 {strides = array<i32>} : memref<4x64x384xf32, #tpu.memory_space<vmem>>, vector<16xf32>,
      %get3A_437 = arith.constant 0 : i32
      %get3A_438 = arith.index_cast %get3A_437 : i32 to index
      %get3A_439 = arith.index_cast %scan3A_184 : i32 to index
      %get3A_440 = arith.constant 368 : index
      %get3A_441 = tpu.vector_load %arg8[%get3A_438, %get3A_439, %get3A_440] {strides = array<i32>} : memref<4x64x384xf32, #tpu.memory_space<vmem>>, vector<16xf32>,
      %mul3A_442 = arith.mulf %get3A_441, %get3A_90 : vector<16xf32>
      %swap3A_443 = arith.constant 0 : i32
      %swap3A_444 = arith.index_cast %swap3A_443 : i32 to index
      %swap3A_445 = arith.index_cast %scan3A_184 : i32 to index
      %swap3A_446 = arith.constant 368 : index
      %swap3A_447 = tpu.vector_load %arg8[%swap3A_444, %swap3A_445, %swap3A_446] {strides = array<i32>} : memref<4x64x384xf32, #tpu.memory_space<vmem>>, vector<16xf32>,
      tpu.vector_store %arg8[%swap3A_444, %swap3A_445, %swap3A_446], %mul3A_442 {strides = array<i32>} : memref<4x64x384xf32, #tpu.memory_space<vmem>>, vector<16xf32>,
    }
    %scan3A_96 = arith.constant 64 : i32
    %mul3A_97 = arith.constant 49 : i32
    %mul3A_98 = arith.muli %add3A, %mul3A_97 : i32
    %add3A_99 = arith.constant 48 : i32
    %add3A_100 = arith.addi %mul3A_98, %add3A_99 : i32
    %dma_start3A_101 = arith.constant 0 : i32
    %dma_start3A_102 = arith.constant 0 : i32
    %dma_start3A_103 = arith.constant 0 : i32
    %dma_start3A_104 = arith.constant 0 : i32
    %dma_start3A_105 = tpu.memref_slice %arg8[%dma_start3A_101, %dma_start3A_103, %dma_start3A_104] : memref<4x64x384xf32, #tpu.memory_space<vmem>> -> memref<1x64x384xf32, #tpu.memory_space<vmem>>
    %dma_start3A_106 = tpu.memref_squeeze %dma_start3A_105 : memref<1x64x384xf32, #tpu.memory_space<vmem>> -> memref<64x384xf32, #tpu.memory_space<vmem>>
    %dma_start3A_107 = arith.constant 0 : i32
    %dma_start3A_108 = arith.constant 0 : i32
    %dma_start3A_109 = tpu.memref_slice %arg5[%add3A_100, %dma_start3A_107, %dma_start3A_108] : memref<1568x64x384xf32, #tpu.memory_space<hbm>> -> memref<1x64x384xf32, #tpu.memory_space<hbm>>
    %dma_start3A_110 = tpu.memref_squeeze %dma_start3A_109 : memref<1x64x384xf32, #tpu.memory_space<hbm>> -> memref<64x384xf32, #tpu.memory_space<hbm>>
    %dma_start3A_111 = tpu.memref_slice %arg10[%dma_start3A_102] : memref<4x!tpu.dma_semaphore, #tpu.memory_space<semaphore_mem>> -> memref<1x!tpu.dma_semaphore, #tpu.memory_space<semaphore_mem>>
    %dma_start3A_112 = tpu.memref_squeeze %dma_start3A_111 : memref<1x!tpu.dma_semaphore, #tpu.memory_space<semaphore_mem>> -> memref<!tpu.dma_semaphore, #tpu.memory_space<semaphore_mem>>
    %dma_start3A_113 = arith.constant 0 : i32
    %dma_start3A_114 = arith.constant 0 : i32
    %dma_start3A_115 = tpu.memref_slice %arg5[%add3A_100, %dma_start3A_113, %dma_start3A_114] : memref<1568x64x384xf32, #tpu.memory_space<hbm>> -> memref<1x64x384xf32, #tpu.memory_space<hbm>>
    %dma_start3A_116 = tpu.memref_squeeze %dma_start3A_115 : memref<1x64x384xf32, #tpu.memory_space<hbm>> -> memref<64x384xf32, #tpu.memory_space<hbm>>
    %dma_start3A_117 = arith.constant 0 : i32
    %dma_start3A_118 = arith.constant 0 : i32
    %dma_start3A_119 = tpu.memref_slice %arg8[%dma_start3A_101, %dma_start3A_117, %dma_start3A_118] : memref<4x64x384xf32, #tpu.memory_space<vmem>> -> memref<1x64x384xf32, #tpu.memory_space<vmem>>
    %dma_start3A_120 = tpu.memref_squeeze %dma_start3A_119 : memref<1x64x384xf32, #tpu.memory_space<vmem>> -> memref<64x384xf32, #tpu.memory_space<vmem>>
    tpu.enqueue_dma source(%dma_start3A_120 : memref<64x384xf32, #tpu.memory_space<vmem>>) target(%dma_start3A_116 : memref<64x384xf32, #tpu.memory_space<hbm>>) target_semaphore(%dma_start3A_112 : memref<!tpu.dma_semaphore, #tpu.memory_space<semaphore_mem>>)
    %dma_wait3A_121 = arith.constant 2 : i32
    %dma_wait3A_122 = arith.constant 0 : i32
    %dma_wait3A_123 = arith.constant 2 : i32
    %dma_wait3A_124 = arith.constant 0 : i32
    %dma_wait3A_125 = arith.constant 0 : i32
    %dma_wait3A_126 = tpu.memref_slice %arg8[%dma_wait3A_121, %dma_wait3A_124, %dma_wait3A_125] : memref<4x64x384xf32, #tpu.memory_space<vmem>> -> memref<1x64x384xf32, #tpu.memory_space<vmem>>
    %dma_wait3A_127 = tpu.memref_squeeze %dma_wait3A_126 : memref<1x64x384xf32, #tpu.memory_space<vmem>> -> memref<64x384xf32, #tpu.memory_space<vmem>>
    %dma_wait3A_128 = arith.constant 0 : i32
    %dma_wait3A_129 = arith.constant 0 : i32
    %dma_wait3A_130 = tpu.memref_slice %arg5[%dma_wait3A_122, %dma_wait3A_128, %dma_wait3A_129] : memref<1568x64x384xf32, #tpu.memory_space<hbm>> -> memref<1x64x384xf32, #tpu.memory_space<hbm>>
    %dma_wait3A_131 = tpu.memref_squeeze %dma_wait3A_130 : memref<1x64x384xf32, #tpu.memory_space<hbm>> -> memref<64x384xf32, #tpu.memory_space<hbm>>
    %dma_wait3A_132 = tpu.memref_slice %arg10[%dma_wait3A_123] : memref<4x!tpu.dma_semaphore, #tpu.memory_space<semaphore_mem>> -> memref<1x!tpu.dma_semaphore, #tpu.memory_space<semaphore_mem>>
    %dma_wait3A_133 = tpu.memref_squeeze %dma_wait3A_132 : memref<1x!tpu.dma_semaphore, #tpu.memory_space<semaphore_mem>> -> memref<!tpu.dma_semaphore, #tpu.memory_space<semaphore_mem>>
    %dma_wait3A_134 = arith.constant 0 : i32
    %dma_wait3A_135 = arith.constant 0 : i32
    %dma_wait3A_136 = tpu.memref_slice %arg5[%dma_wait3A_122, %dma_wait3A_134, %dma_wait3A_135] : memref<1568x64x384xf32, #tpu.memory_space<hbm>> -> memref<1x64x384xf32, #tpu.memory_space<hbm>>
    %dma_wait3A_137 = tpu.memref_squeeze %dma_wait3A_136 : memref<1x64x384xf32, #tpu.memory_space<hbm>> -> memref<64x384xf32, #tpu.memory_space<hbm>>
    %dma_wait3A_138 = arith.constant 0 : i32
    %dma_wait3A_139 = arith.constant 0 : i32
    %dma_wait3A_140 = tpu.memref_slice %arg8[%dma_wait3A_121, %dma_wait3A_138, %dma_wait3A_139] : memref<4x64x384xf32, #tpu.memory_space<vmem>> -> memref<1x64x384xf32, #tpu.memory_space<vmem>>
    %dma_wait3A_141 = tpu.memref_squeeze %dma_wait3A_140 : memref<1x64x384xf32, #tpu.memory_space<vmem>> -> memref<64x384xf32, #tpu.memory_space<vmem>>
    tpu.wait_dma2 semaphore(%dma_wait3A_133 : memref<!tpu.dma_semaphore, #tpu.memory_space<semaphore_mem>>) src(%dma_wait3A_141 : memref<64x384xf32, #tpu.memory_space<vmem>>) dst(%dma_wait3A_137 : memref<64x384xf32, #tpu.memory_space<hbm>>)
    %dma_wait3A_142 = arith.constant 3 : i32
    %dma_wait3A_143 = arith.constant 0 : i32
    %dma_wait3A_144 = arith.constant 3 : i32
    %dma_wait3A_145 = arith.constant 0 : i32
    %dma_wait3A_146 = arith.constant 0 : i32
    %dma_wait3A_147 = tpu.memref_slice %arg8[%dma_wait3A_142, %dma_wait3A_145, %dma_wait3A_146] : memref<4x64x384xf32, #tpu.memory_space<vmem>> -> memref<1x64x384xf32, #tpu.memory_space<vmem>>
    %dma_wait3A_148 = tpu.memref_squeeze %dma_wait3A_147 : memref<1x64x384xf32, #tpu.memory_space<vmem>> -> memref<64x384xf32, #tpu.memory_space<vmem>>
    %dma_wait3A_149 = arith.constant 0 : i32
    %dma_wait3A_150 = arith.constant 0 : i32
    %dma_wait3A_151 = tpu.memref_slice %arg5[%dma_wait3A_143, %dma_wait3A_149, %dma_wait3A_150] : memref<1568x64x384xf32, #tpu.memory_space<hbm>> -> memref<1x64x384xf32, #tpu.memory_space<hbm>>
    %dma_wait3A_152 = tpu.memref_squeeze %dma_wait3A_151 : memref<1x64x384xf32, #tpu.memory_space<hbm>> -> memref<64x384xf32, #tpu.memory_space<hbm>>
    %dma_wait3A_153 = tpu.memref_slice %arg10[%dma_wait3A_144] : memref<4x!tpu.dma_semaphore, #tpu.memory_space<semaphore_mem>> -> memref<1x!tpu.dma_semaphore, #tpu.memory_space<semaphore_mem>>
    %dma_wait3A_154 = tpu.memref_squeeze %dma_wait3A_153 : memref<1x!tpu.dma_semaphore, #tpu.memory_space<semaphore_mem>> -> memref<!tpu.dma_semaphore, #tpu.memory_space<semaphore_mem>>
    %dma_wait3A_155 = arith.constant 0 : i32
    %dma_wait3A_156 = arith.constant 0 : i32
    %dma_wait3A_157 = tpu.memref_slice %arg5[%dma_wait3A_143, %dma_wait3A_155, %dma_wait3A_156] : memref<1568x64x384xf32, #tpu.memory_space<hbm>> -> memref<1x64x384xf32, #tpu.memory_space<hbm>>
    %dma_wait3A_158 = tpu.memref_squeeze %dma_wait3A_157 : memref<1x64x384xf32, #tpu.memory_space<hbm>> -> memref<64x384xf32, #tpu.memory_space<hbm>>
    %dma_wait3A_159 = arith.constant 0 : i32
    %dma_wait3A_160 = arith.constant 0 : i32
    %dma_wait3A_161 = tpu.memref_slice %arg8[%dma_wait3A_142, %dma_wait3A_159, %dma_wait3A_160] : memref<4x64x384xf32, #tpu.memory_space<vmem>> -> memref<1x64x384xf32, #tpu.memory_space<vmem>>
    %dma_wait3A_162 = tpu.memref_squeeze %dma_wait3A_161 : memref<1x64x384xf32, #tpu.memory_space<vmem>> -> memref<64x384xf32, #tpu.memory_space<vmem>>
    tpu.wait_dma2 semaphore(%dma_wait3A_154 : memref<!tpu.dma_semaphore, #tpu.memory_space<semaphore_mem>>) src(%dma_wait3A_162 : memref<64x384xf32, #tpu.memory_space<vmem>>) dst(%dma_wait3A_158 : memref<64x384xf32, #tpu.memory_space<hbm>>)
    %dma_wait3A_163 = arith.constant 0 : i32
    %dma_wait3A_164 = arith.constant 0 : i32
    %dma_wait3A_165 = arith.constant 0 : i32
    %dma_wait3A_166 = arith.constant 0 : i32
    %dma_wait3A_167 = arith.constant 0 : i32
    %dma_wait3A_168 = tpu.memref_slice %arg8[%dma_wait3A_163, %dma_wait3A_166, %dma_wait3A_167] : memref<4x64x384xf32, #tpu.memory_space<vmem>> -> memref<1x64x384xf32, #tpu.memory_space<vmem>>
    %dma_wait3A_169 = tpu.memref_squeeze %dma_wait3A_168 : memref<1x64x384xf32, #tpu.memory_space<vmem>> -> memref<64x384xf32, #tpu.memory_space<vmem>>
    %dma_wait3A_170 = arith.constant 0 : i32
    %dma_wait3A_171 = arith.constant 0 : i32
    %dma_wait3A_172 = tpu.memref_slice %arg5[%dma_wait3A_164, %dma_wait3A_170, %dma_wait3A_171] : memref<1568x64x384xf32, #tpu.memory_space<hbm>> -> memref<1x64x384xf32, #tpu.memory_space<hbm>>
    %dma_wait3A_173 = tpu.memref_squeeze %dma_wait3A_172 : memref<1x64x384xf32, #tpu.memory_space<hbm>> -> memref<64x384xf32, #tpu.memory_space<hbm>>
    %dma_wait3A_174 = tpu.memref_slice %arg10[%dma_wait3A_165] : memref<4x!tpu.dma_semaphore, #tpu.memory_space<semaphore_mem>> -> memref<1x!tpu.dma_semaphore, #tpu.memory_space<semaphore_mem>>
    %dma_wait3A_175 = tpu.memref_squeeze %dma_wait3A_174 : memref<1x!tpu.dma_semaphore, #tpu.memory_space<semaphore_mem>> -> memref<!tpu.dma_semaphore, #tpu.memory_space<semaphore_mem>>
    %dma_wait3A_176 = arith.constant 0 : i32
    %dma_wait3A_177 = arith.constant 0 : i32
    %dma_wait3A_178 = tpu.memref_slice %arg5[%dma_wait3A_164, %dma_wait3A_176, %dma_wait3A_177] : memref<1568x64x384xf32, #tpu.memory_space<hbm>> -> memref<1x64x384xf32, #tpu.memory_space<hbm>>
    %dma_wait3A_179 = tpu.memref_squeeze %dma_wait3A_178 : memref<1x64x384xf32, #tpu.memory_space<hbm>> -> memref<64x384xf32, #tpu.memory_space<hbm>>
    %dma_wait3A_180 = arith.constant 0 : i32
    %dma_wait3A_181 = arith.constant 0 : i32
    %dma_wait3A_182 = tpu.memref_slice %arg8[%dma_wait3A_163, %dma_wait3A_180, %dma_wait3A_181] : memref<4x64x384xf32, #tpu.memory_space<vmem>> -> memref<1x64x384xf32, #tpu.memory_space<vmem>>
    %dma_wait3A_183 = tpu.memref_squeeze %dma_wait3A_182 : memref<1x64x384xf32, #tpu.memory_space<vmem>> -> memref<64x384xf32, #tpu.memory_space<vmem>>
    tpu.wait_dma2 semaphore(%dma_wait3A_175 : memref<!tpu.dma_semaphore, #tpu.memory_space<semaphore_mem>>) src(%dma_wait3A_183 : memref<64x384xf32, #tpu.memory_space<vmem>>) dst(%dma_wait3A_179 : memref<64x384xf32, #tpu.memory_space<hbm>>)
    return
  }
}

</mosaic_0001>

<sc_bundles>
// kernel: kernel.3.cloned.1.call-start
scs
__scs_entry_jumppad:
0x0: {  	(pc) =	sbr.rel $0x88, $3  }
0x1: {  	(tag) =	ssettag $0x0;
	lr =	simm.s32 $0x1  }
0x2: {  	[smem:$0x3F9E] =	sst lr;
	_ =	strace $0xD0000000  }
0x3: {  	_ = 	snop  }
0x4: {  	_ = 	snop  }
0x5: {  	_ = 	snop  }
0x6: {  	_ = 	snop  }
0x7: {  	_ = 	snop  }
__scs_overlays_trampoline_lowered:
0x8: {  	[smem:$0x3FAD] =	sst s0  }
0x9: {  	[smem:$0x3FAE] =	sst s1  }
0xa: {  	[smem:$0x3FAF] =	sst s2  }
0xb: {  	[smem:$0x3FB0] =	sst s3  }
0xc: {  	[smem:$0x3FB1] =	sst s4  }
0xd: {  	[smem:$0x3FB2] =	sst s5  }
0xe: {  	[smem:$0x3FB3] =	sst s6  }
0xf: {  	[smem:$0x3FB4] =	sst s7  }
0x10: {  	[smem:$0x3FB5] =	sst s8  }
0x11: {  	[smem:$0x3FB6] =	sst s9;
	s0 =	simm.s32 @!p0 $0x0  }
0x12: {  	s1 =	sld [smem:$0x3F9C];
	s0 =	simm.s32 @p0 $0x1  }
0x13: {  	[smem:$0x3FB7] =	sst s0;
	s0 =	simm.s32 @!p1 $0x0  }
0x14: {  	s2 =	sld [smem:$0x3F9B];
	s0 =	simm.s32 @p1 $0x1  }
0x15: {  	[smem:$0x3FB8] =	sst s0;
	s0 =	simm.s32 @!p2 $0x0  }
0x16: {  	s3 =	sld [smem:$0x3FDB];
	s0 =	simm.s32 @p2 $0x1  }
0x17: {  	s4 =	simm.s32 $0x1BF5;
	[smem:$0x3FBA] =	sst s0  }
0x18: {  	s0 =	sld [smem:$0x3F9D];
	_ =	swait.ge [sflag:s4], $0x0  }
0x19: {  	s7 =	sld [smem:$0x3F9E]  }
0x1a: {  	s8 =	sadd.s32 $0xFFFFE003, lr  }
0x1b: {  	s9 =	sadd.s32 $0xFFFFFEF7, lr;
	s5 =	simm.s32 $0xFFFFFFFF;
	p2 =	slt.u32 s8, $0xFFFFF086  }
0x1c: {  	p1 =	slt.u32 s9, $0xF7A;
	s5 =	simm.s32 @!p2 $0x0  }
0x1d: {  	s5 =	simm.s32 @p1 $0x1;
	p0 =	seq.s32 s7, s2  }
0x1e: {  	s7 =	smul.u32 @!p0 $0xF7A, s2;
	p2 =	seq.s32 @!p0 s5, $0x0  }
0x1f: {  	s9 =	smul.u32 $0xF7A, s1;
	s8 =	simm.s32 @!p0 $0x1BF5;
	p2 =	por !p2, p0  }
0x20: {  	[sflag:s8] =	ssyncset.s32 @!p0 $0xFFFFF086;
	s6 =	sadd.s32 @!p0 s3, s7;
	s7 =	simm.s32 @!p0 $0x108  }
0x21: {  	s3 =	sadd.s32 s3, s9;
	s6 =	sadd.s32 @!p0 $0x88, s6;
	s7 =	simm.s32 @p2 $0x1082  }
0x22: {  	[simem:s7], [sflag:s8] =	dma.local @!p0 [hbm:s6], $0xF7A  }
0x23: {  	s9 =	sor.u32 $0xD0000000, s2;
	s6 =	simm.s32 $0x108;
	_ =	swait.ge @!p0 [sflag:s8], $0x0  }
0x24: {  	s3 =	sadd.s32 $0x88, s3;
	s6 =	simm.s32 @!p1 $0x1082;
	[sflag:s4] =	ssyncset.s32 $0xFFFFF086  }
0x25: {  	[simem:s6], [sflag:s4] =	dma.local [hbm:s3], $0xF7A  }
0x26: {  	[smem:$0x3F9E] =	sst s1;
	(tag) =	ssettag s2;
	_ =	strace s9  }
0x27: {  	s1 =	sld [smem:$0x3FAE]  }
0x28: {  	s2 =	sld [smem:$0x3FAF]  }
0x29: {  	s4 =	sld [smem:$0x3FB1]  }
0x2a: {  	p0 =	seq.s32 s5, $0x0;
	s5 =	sld [smem:$0x3FB2]  }
0x2b: {  	s6 =	sld [smem:$0x3FB3]  }
0x2c: {  	s7 =	sld [smem:$0x3FB4]  }
0x2d: {  	s3 =	simm.s32 $0x108;
	s8 =	sld [smem:$0x3FB5]  }
0x2e: {  	s3 =	simm.s32 @!p0 $0x1082;
	s9 =	sld [smem:$0x3FB6]  }
0x2f: {  	lr =	sadd.s32 s0, s3;
	s0 =	sld [smem:$0x3FAD]  }
0x30: {  	s3 =	sld [smem:$0x3FB0]  }
0x31: {  	[smem:$0x3FB9] =	sst s10  }
0x32: {  	s10 =	sld [smem:$0x3FB7];
	_ =	sdelay $0x3  }
0x33: {  	p0 =	seq.s32 s10, $0x1;
	s10 =	sld [smem:$0x3FB9];
	_ =	sdelay $0x3  }
0x34: {  	[smem:$0x3FB9] =	sst s10  }
0x35: {  	s10 =	sld [smem:$0x3FB8];
	_ =	sdelay $0x3  }
0x36: {  	p1 =	seq.s32 s10, $0x1;
	s10 =	sld [smem:$0x3FB9];
	_ =	sdelay $0x3  }
0x37: {  	[smem:$0x3FB9] =	sst s10  }
0x38: {  	s10 =	sld [smem:$0x3FBA]  }
0x39: {  	_ = 	snop;
	(pc) =	sbr.ind lr, $3  }
0x3a: {  	_ = 	snop  }
0x3b: {  	_ = 	snop  }
0x3c: {  	p2 =	seq.s32 s10, $0x1;
	s10 =	sld [smem:$0x3FB9]  }
0x3d: {  	_ =	shalt  }
0x3e: {  	_ =	shalt  }
0x3f: {  	_ =	shalt  }
0x40: {  	_ =	shalt  }
0x41: {  	_ =	shalt  }
0x42: {  	_ =	shalt  }
0x43: {  	_ =	shalt  }
0x44: {  	_ =	shalt  }
0x45: {  	_ =	shalt  }
0x46: {  	_ =	shalt  }
0x47: {  	_ =	shalt  }
0x48: {  	_ =	shalt  }
0x49: {  	_ =	shalt  }
0x4a: {  	_ =	shalt  }
0x4b: {  	_ =	shalt  }
0x4c: {  	_ =	shalt  }
0x4d: {  	_ =	shalt  }
0x4e: {  	_ =	shalt  }
0x4f: {  	_ =	shalt  }
0x50: {  	_ =	shalt  }
0x51: {  	_ =	shalt  }
0x52: {  	_ =	shalt  }
0x53: {  	_ =	shalt  }
0x54: {  	_ =	shalt  }
0x55: {  	_ =	shalt  }
0x56: {  	_ =	shalt  }
0x57: {  	_ =	shalt  }
0x58: {  	_ =	shalt  }
0x59: {  	_ =	shalt  }
0x5a: {  	_ =	shalt  }
0x5b: {  	_ =	shalt  }
0x5c: {  	_ =	shalt  }
0x5d: {  	_ =	shalt  }
0x5e: {  	_ =	shalt  }
0x5f: {  	_ =	shalt  }
0x60: {  	_ =	shalt  }
0x61: {  	_ =	shalt  }
0x62: {  	_ =	shalt  }
0x63: {  	_ =	shalt  }
0x64: {  	_ =	shalt  }
0x65: {  	_ =	shalt  }
0x66: {  	_ =	shalt  }
0x67: {  	_ =	shalt  }
0x68: {  	_ =	shalt  }
0x69: {  	_ =	shalt  }
0x6a: {  	_ =	shalt  }
0x6b: {  	_ =	shalt  }
0x6c: {  	_ =	shalt  }
0x6d: {  	_ =	shalt  }
0x6e: {  	_ =	shalt  }
0x6f: {  	_ =	shalt  }
0x70: {  	_ =	shalt  }
0x71: {  	_ =	shalt  }
0x72: {  	_ =	shalt  }
0x73: {  	_ =	shalt  }
0x74: {  	_ =	shalt  }
0x75: {  	_ =	shalt  }
0x76: {  	_ =	shalt  }
0x77: {  	_ =	shalt  }
0x78: {  	_ =	shalt  }
0x79: {  	_ =	shalt  }
0x7a: {  	_ =	shalt  }
0x7b: {  	_ =	shalt  }
0x7c: {  	_ =	shalt  }
0x7d: {  	_ =	shalt  }
0x7e: {  	_ =	shalt  }
0x7f: {  	_ =	shalt  }
0x80: {  	_ =	shalt  }
0x81: {  	_ =	shalt  }
0x82: {  	_ =	shalt  }
0x83: {  	_ =	shalt  }
0x84: {  	_ =	shalt  }
0x85: {  	_ =	shalt  }
0x86: {  	_ =	shalt  }
0x87: {  	_ =	shalt  }
.Lfunc_end0:
.L_simem_size_0:
called_computation_lowered:
.L_overlay_start_0:
0x88: {  	s2 =	sld [smem:$0x3FD9]  }
0x89: {  	s3 =	sld [smem:$0x3FFE];
	_ =	sdelay $0x1  }
0x8a: {  	s1 =	srdreg.scid  }
0x8b: {  	s0 =	sand.u32 $0x1, s1  }
0x8c: {  	s17 =	sshll.u32 s0, $0xA;
	s2 =	sadd.s32 s3, s2  }
0x8d: {  	s2 =	sadd.s32 s2, s17  }
0x8e: {  	[smem:$0x3FC5] =	sst s2  }
0x8f: {  	_ = 	snop  }
0x90: {  	s2 =	sld [smem:$0x3FC7]  }
0x91: {  	s18 =	sld [smem:$0x3FD0];
	(tm) =	ssettm $0x1  }
0x92: {  	s4 =	sld [smem:$0x3FFB];
	_ =	sdelay $0x3  }
0x93: {  	_ =	strace s4  }
0x94: {  	s4 =	sld [smem:$0x3FFC];
	_ =	sdelay $0x3  }
0x95: {  	_ =	strace s4  }
0x96: {  	s4 =	sld [smem:$0x3FFD];
	_ =	sdelay $0x3  }
0x97: {  	_ =	strace s4  }
0x98: {  	_ =	strace $0x8FFFFFFF  }
0x99: {  	s19 =	sld [smem:$0x3FDB];
	_ =	sdelay $0x1  }
0x9a: {  	s5 =	simm.s32 $_scs_section_size  }
0x9b: {  	s6 =	simm.s32 $_size__tile_overlayer_lowered;
	s7 =	simm.s32 $_tile_overlayer_lowered  }
0x9c: {  	s22 =	simm.s32 $0x1BFF;
	s21 =	sshll.u32 s7, $0x1;
	s4 =	sadd.s32 s5, s19  }
0x9d: {  	s8 =	simm.s32 $0x0;
	s20 =	sshll.u32 s6, $0x1;
	s6 =	sadd.s32 s21, s4  }
0x9e: {  	[timem:s8], [sflag:s22] =	dma.local [hbm:s6], s20  }
0x9f: {  	_ =	swait.ge [sflag:s22], s20  }
0xa0: {  	s5 =	ssub.s32 $0x0, s20;
	[sflag:s22] =	ssyncset.done $0x0  }
0xa1: {  	[sflag:s22] =	ssyncadd.s32 s5;
	_ =	sdelay $0x1  }
0xa2: {  	s23 =	simm.s32 $0x1B8B  }
0xa3: {  	_ =	swait.ge [sflag:s23], $0x1  }
0xa4: {  	[sflag:s23] =	ssyncset.done $0x0  }
0xa5: {  	s25 =	simm.s32 $0x1B8E;
	s24 =	sld [smem:$0x3FFE];
	[sflag:s23] =	ssyncadd.s32 $0xFFFFFFFF  }
0xa6: {  	s26 =	simm.s32 $execute0_lowered;
	[smem:$0x3FD2] =	sst s25  }
0xa7: {  	s6 =	sshll.u32 s26, $0x1;
	_ =	strace $0x80000046;
	[dreg:$0x1] =	wrdreg $0xFFFFFFFF  }
0xa8: {  	s28 =	simm.s32 $_size_execute0_lowered;
	s4 =	sadd.s32 s4, s6;
	[dreg:$0x0] =	wrdreg $0x0  }
0xa9: {  	s6 =	sshll.u32 s28, $0x1;
	[dreg:$0x2] =	wrdreg s4  }
0xaa: {  	[dreg:$0x3] =	wrdreg s6  }
0xab: {  	[dreg:$0x4] =	wrdreg $0xC0  }
0xac: {  	_ =	task [dreg:s8], $0x5FFFF  }
0xad: {  	[dreg:$0x1] =	wrdreg $0xFFFFFFFF  }
0xae: {  	[dreg:$0x0] =	wrdreg $0x60  }
0xaf: {  	[dreg:$0x2] =	wrdreg s24  }
0xb0: {  	[dreg:$0x3] =	wrdreg s2  }
0xb1: {  	[dreg:$0x4] =	wrdreg s18  }
0xb2: {  	[dreg:$0x5] =	wrdreg $0x9  }
0xb3: {  	_ =	task.clear_ibuf [dreg:s8], $0x6FFFF;
	_ =	strace $0x90000046  }
0xb4: {  	s29 =	simm.s32 $0x9;
	_ =	strace $0x80000048  }
0xb5: {  	_ =	swait.ge [sflag:s29], $0x1  }
0xb6: {  	[sflag:s29] =	ssyncadd.s32 $0xFFFFFFFF  }
0xb7: {  	_ =	strace $0x90000048  }
0xb8: {  	_ =	sfence  }
0xb9: {  	s30 =	sld [smem:$0x0];
	_ =	sdelay $0x2  }
0xba: {  	s31 =	sshll.u32 s1, $0xD;
	s1 =	sshrl.u32 s1, $0x2  }
0xbb: {  	s3 =	sand.u32 $0x4000, s31;
	s1 =	sadd.s32 s1, s30  }
0xbc: {  	s0 =	sor.u32 s3, s0;
	s1 =	sshll.u32 s1, $0x11  }
0xbd: {  	s0 =	sor.u32 s1, s0  }
0xbe: {  	s0 =	sadd.s32 $0x8F2B, s0  }
0xbf: {  	[sflag:s0] =	ssyncadd.remote.s32 $0x1  }
0xc0: {  	_ =	sfence.sel $0xFFFF  }
0xc1: {  	[dreg:$0x0] =	wrdreg $0xFFFFFFFF;
	(pc) =	sbr.abs _section_cstart, $3  }
0xc2: {  	[dreg:$0x1] =	wrdreg $0xFFFFFFFF  }
0xc3: {  	_ =	task.clear_ibuf [dreg:s8], $0x2FFFF;
	_ =	strace $0x9FFFFFFF  }
0xc4: {  	(tm) =	ssettm $0x7FFFFFFF  }
0xc5: {  	_ =	shalt  }
tec
execute0_lowered:
.L_overlay_start_1:
0x0: {  	(tag) =	ssettag $0x1  }
0x1: {  	s0 =	rddreg [dreg:$0x0];
	s1 =	srdreg.scid  }
0x2: {  	s3 =	stileid.u32;
	s2 =	rddreg [dreg:$0x1];
	s10 =	simm.s32 $0x9  }
0x3: {  	s12 =	simm.s32 $0x3800;
	s13 =	simm.s32 $0x9800;
	s14 =	simm.s32 $0x2  }
0x4: {  	s15 =	simm.s32 $0xF800;
	s16 =	simm.s32 $0x1;
	s17 =	simm.s32 $0x3  }
0x5: {  	s18 =	simm.s32 $0x15800;
	s19 =	simm.s32 $0x5;
	s20 =	simm.s32 $0x6  }
0x6: {  	s21 =	simm.s32 $0x4;
	s1 =	sand.u32 $0x1, s1;
	s4 =	sshll.u32 s3, $0x1  }
0x7: {  	s22 =	simm.s32 $0x7;
	s23 =	simm.s32 $0x8;
	s5 =	sor.u32 s1, s4  }
0x8: {  	s24 =	simm.s32 $0x0;
	s3 =	rddreg [dreg:$0x2];
	s6 =	smul.u32 $0x380, s5  }
0x9: {  	s4 =	simm.s32 $0x0;
	s1 =	ssub.s32 $0x2, s1;
	s7 =	smul.u32 $0x126000, s5  }
0xa: {  	[smem:$0x7FF] =	sst s4;
	s8 =	sshrl.u32 s1, $0x1;
	s0 =	sadd.s32 s6, s0  }
0xb: {  	_ =	strace $0x80000047;
	s7 =	sshrl.u32 s7, $0x3;
	s6 =	sadd.s32 $0x7400, s0  }
0xc: {  	s0 =	sadd.s32 $0x400, s0;
	s31 =	sadd.s32 s3, s7;
	[dreg:$0x4] =	wrdreg s6  }
0xd: {  	s1 =	ssub.s32 s1, s8;
	[dreg:$0x5] =	wrdreg s0;
	s0 =	sadd.s32 $0x24000, s31  }
0xe: {  	s9 =	smax.u32 s1, $0x1;
	s7 =	smul.u32 $0x31, s5;
	[dreg:$0x6] =	wrdreg s0  }
.LBB2_1:
0xf: {  	s0 =	rddreg [dreg:$0x4]  }
0x10: {  	[tilespmem:s4], [sflag:$0x9] =	stream.linear.gather [hbm4b:s0+s4], $0x1880, $0x38;
	[tilespmem:$0x1B800] =	vst v63  }
0x11: {  	_ =	swait.ge [sflag:s10], $0x1880  }
0x12: {  	[sflag:s10] =	ssyncset.done $0x0  }
0x13: {  	s1 =	simm.s32 $0x1C00;
	s29 =	rddreg [dreg:$0x5];
	[sflag:s10] =	ssyncadd.s32 $0xFFFFE780  }
0x14: {  	[tilespmem:s1], [sflag:$0x9] =	stream.linear.gather [hbm4b:s29+s4], $0x1880, $0x38;
	[tilespmem:$0x1B800] =	vst v63  }
0x15: {  	_ =	swait.ge [sflag:s10], $0x1880  }
0x16: {  	[sflag:s10] =	ssyncset.done $0x0  }
0x17: {  	[sflag:s10] =	ssyncadd.s32 $0xFFFFE780  }
0x18: {  	v0 =	vld [tilespmem:$0x0];
	_ =	sdelay $0x4  }
0x19: {  	v0 =	vxor.u32 $0x80000000, v0  }
0x1a: {  	(xrf0) =	vmax.scan.msk.u32 $0xffff, v0;
	_ =	sdelay $0x5  }
0x1b: {  	v0, _, _ =	vpop (xrf0)  }
0x1c: {  	(v2sf) =	vpush v0, $0xF;
	_ =	sdelay $0xe  }
0x1d: {  	s30 =	spop (v2sf)  }
0x1e: {  	s0 =	smul.u32 $0x6000, s30;
	_ =	sdelay $0x1  }
0x1f: {  	s0 =	sshrl.u32 s0, $0x3  }
0x20: {  	s0 =	sadd.s32 s2, s0  }
0x21: {  	[tilespmem:s12], [sflag:$0x1] =	stream.linear.gather [hbm4b:s0+s4], $0x6000, $0x38;
	[tilespmem:$0x1B800] =	vst v63  }
0x22: {  	v63 =	vld [tilespmem:$0x80];
	_ =	sdelay $0x4  }
0x23: {  	v0 =	vxor.u32 $0x80000000, v63  }
0x24: {  	(xrf0) =	vmax.scan.msk.u32 $0xffff, v0;
	_ =	sdelay $0x5  }
0x25: {  	v0, _, _ =	vpop (xrf0)  }
0x26: {  	(v2sf) =	vpush v0, $0xF;
	_ =	sdelay $0xe  }
0x27: {  	s31 =	spop (v2sf)  }
0x28: {  	s0 =	smul.u32 $0x6000, s31;
	_ =	sdelay $0x1  }
0x29: {  	s0 =	sshrl.u32 s0, $0x3  }
0x2a: {  	s25 =	simm.s32 $0x0;
	s0 =	sadd.s32 s2, s0  }
0x2b: {  	[tilespmem:s13], [sflag:$0x2] =	stream.linear.gather [hbm4b:s0+s4], $0x6000, $0x38;
	[tilespmem:$0x1B800] =	vst v63  }
.LBB2_2:
0x2c: {  	s1 =	sshll.u32 s25, $0x2;
	p0 =	seq.s32 s25, $0x0  }
0x2d: {  	s0 =	simm.s32 @!p0 $0x7;
	s28 =	sor.u32 @!p0 $0x2, s1  }
0x2e: {  	_ =	swait.ge @!p0 [sflag:s0], $0x6000;
	s28 =	simm.s32 @p0 $0x2  }
0x2f: {  	[sflag:s0] =	ssyncset.done @!p0 $0x0;
	s5 =	sshll.u32 s28, $0x9  }
0x30: {  	[sflag:s0] =	ssyncadd.s32 @!p0 $0xFFFFA000;
	s31 =	sshrl.u32 s5, $0x2  }
0x31: {  	v0 =	vld [tilespmem:s31+$0x0];
	_ =	sdelay $0x4  }
0x32: {  	v0 =	vxor.u32 $0x80000000, v0  }
0x33: {  	(xrf0) =	vmax.scan.msk.u32 $0xffff, v0;
	_ =	sdelay $0x5  }
0x34: {  	v0, _, _ =	vpop (xrf0)  }
0x35: {  	(v2sf) =	vpush v0, $0xF;
	_ =	sdelay $0xe  }
0x36: {  	s8 =	spop (v2sf)  }
0x37: {  	s0 =	smul.u32 $0x6000, s8;
	_ =	sdelay $0x1  }
0x38: {  	s26 =	simm.s32 $0x0;
	s0 =	sshrl.u32 s0, $0x3  }
0x39: {  	s5 =	smul.u32 $0x3000, s26;
	s11 =	sadd.s32 s2, s0;
	s0 =	simm.s32 $0x0  }
0x3a: {  	[tilespmem:s15], [sflag:$0x3] =	stream.linear.gather [hbm4b:s11+s0], $0x6000, $0x38;
	[tilespmem:$0x1B800] =	vst v63  }
0x3b: {  	_ =	swait.ge [sflag:s16], $0x6000  }
0x3c: {  	s5 =	sshra.s32 s5, $0x2;
	s11 =	sshll.u32 s25, $0xB;
	[sflag:s16] =	ssyncset.done $0x0  }
0x3d: {  	s30 =	sand.u32 $0x380, s0;
	s29 =	sshrl.u32 s11, $0x2;
	[sflag:s16] =	ssyncadd.s32 $0xFFFFA000  }
0x3e: {  	s26 =	sor.u32 s30, s5;
	v0 =	vld [tilespmem:s29+$0x1C00]  }
0x3f: {  	v1 =	vld [tilespmem:s26+$0x3800]  }
0x40: {  	v2 =	vld [tilespmem:s26+$0x3810]  }
0x41: {  	v3 =	vld [tilespmem:s26+$0x3820]  }
0x42: {  	v5 =	vld [tilespmem:s26+$0x3840]  }
0x43: {  	v4 =	vld [tilespmem:s26+$0x3830]  }
0x44: {  	v6 =	vld [tilespmem:s26+$0x3860];
	v1 =	vmul.f32 v1, v0  }
0x45: {  	v7 =	vld [tilespmem:s26+$0x3870];
	v2 =	vmul.f32 v2, v0  }
0x46: {  	v3 =	vmul.f32 v3, v0;
	[tilespmem:s26+$0x3800] =	vst v1;
	v1 =	vld [tilespmem:s26+$0x3850]  }
0x47: {  	v5 =	vmul.f32 v5, v0;
	[tilespmem:s26+$0x3810] =	vst v2;
	v2 =	vld [tilespmem:s26+$0x3C00]  }
0x48: {  	v4 =	vmul.f32 v4, v0;
	[tilespmem:s26+$0x3820] =	vst v3;
	v3 =	vld [tilespmem:s26+$0x3C10]  }
0x49: {  	[tilespmem:s26+$0x3840] =	vst v5;
	v5 =	vld [tilespmem:s26+$0x3C30]  }
0x4a: {  	[tilespmem:s26+$0x3830] =	vst v4;
	v4 =	vld [tilespmem:s26+$0x3C20]  }
0x4b: {  	v1 =	vmul.f32 v1, v0  }
0x4c: {  	v6 =	vmul.f32 v6, v0  }
0x4d: {  	v8 =	vld [tilespmem:s26+$0x3C40];
	[tilespmem:s26+$0x3850] =	vst v1;
	v1 =	vmul.f32 v7, v0  }
0x4e: {  	[tilespmem:s26+$0x3860] =	vst v6;
	v6 =	vld [tilespmem:s26+$0x3C50];
	v2 =	vmul.f32 v2, v0;
	v7 =	vmul.f32 v5, v0  }
0x4f: {  	[tilespmem:s26+$0x3870] =	vst v1;
	v1 =	vmul.f32 v3, v0;
	v3 =	vmul.f32 v4, v0;
	v4 =	vld [tilespmem:s26+$0x3C60]  }
0x50: {  	[tilespmem:s26+$0x3C00] =	vst v2;
	v5 =	vld [tilespmem:s26+$0x3C70]  }
0x51: {  	v2 =	vld [tilespmem:s26+$0x4000];
	[tilespmem:s26+$0x3C30] =	vst v7  }
0x52: {  	v7 =	vmul.f32 v8, v0;
	[tilespmem:s26+$0x3C10] =	vst v1;
	v1 =	vld [tilespmem:s26+$0x4010]  }
0x53: {  	s11 =	simm.s32 $0x1;
	v6 =	vmul.f32 v6, v0;
	[tilespmem:s26+$0x3C20] =	vst v3;
	v3 =	vld [tilespmem:s26+$0x4020]  }
.LBB2_3:
0x54: {  	s5 =	sshrl.u32 s11, $0x3;
	p1 =	sne.s32 s11, $0x3F;
	[tilespmem:s26+$0x3C40] =	vst v7;
	v4 =	vmul.f32 v4, v0;
	v7 =	vld [tilespmem:s26+$0x4030]  }
0x55: {  	s5 =	smul.u32 $0x3000, s5;
	[tilespmem:s26+$0x3C50] =	vst v6;
	v5 =	vmul.f32 v5, v0;
	v6 =	vld [tilespmem:s26+$0x4040]  }
0x56: {  	s0 =	sadd.s32 $0x80, s0;
	[tilespmem:s26+$0x3C60] =	vst v4;
	v2 =	vmul.f32 v2, v0;
	v4 =	vld [tilespmem:s26+$0x4050]  }
0x57: {  	s30 =	sand.u32 $0x380, s0;
	s5 =	sshra.s32 s5, $0x2;
	[tilespmem:s26+$0x3C70] =	vst v5;
	v1 =	vmul.f32 v1, v0;
	v5 =	vld [tilespmem:s26+$0x4060]  }
0x58: {  	s5 =	sor.u32 s30, s5;
	[tilespmem:s26+$0x4000] =	vst v2;
	v2 =	vmul.f32 v3, v0;
	v3 =	vld [tilespmem:s26+$0x4070]  }
0x59: {  	v8 =	vld [tilespmem:s5+$0x3800];
	[tilespmem:s26+$0x4010] =	vst v1;
	v1 =	vmul.f32 v7, v0  }
0x5a: {  	v7 =	vld [tilespmem:s5+$0x3810];
	[tilespmem:s26+$0x4020] =	vst v2;
	v2 =	vmul.f32 v6, v0  }
0x5b: {  	v6 =	vld [tilespmem:s5+$0x3820];
	[tilespmem:s26+$0x4030] =	vst v1;
	v1 =	vmul.f32 v4, v0  }
0x5c: {  	v4 =	vld [tilespmem:s5+$0x3830];
	[tilespmem:s26+$0x4040] =	vst v2;
	v2 =	vmul.f32 v5, v0  }
0x5d: {  	v5 =	vld [tilespmem:s5+$0x3840];
	[tilespmem:s26+$0x4050] =	vst v1;
	v1 =	vmul.f32 v3, v0  }
0x5e: {  	v3 =	vmul.f32 v8, v0;
	v8 =	vld [tilespmem:s5+$0x3850];
	[tilespmem:s26+$0x4060] =	vst v2  }
0x5f: {  	v2 =	vmul.f32 v7, v0;
	v7 =	vld [tilespmem:s5+$0x3860];
	[tilespmem:s26+$0x4070] =	vst v1;
	s26 =	smov.u32 s5  }
0x60: {  	[tilespmem:s26+$0x3800] =	vst v3;
	v1 =	vmul.f32 v6, v0;
	v3 =	vld [tilespmem:s26+$0x3870]  }
0x61: {  	[tilespmem:s26+$0x3810] =	vst v2;
	v2 =	vmul.f32 v4, v0;
	v4 =	vld [tilespmem:s26+$0x3C00]  }
0x62: {  	[tilespmem:s26+$0x3820] =	vst v1;
	v1 =	vmul.f32 v5, v0;
	v5 =	vld [tilespmem:s26+$0x3C10]  }
0x63: {  	[tilespmem:s26+$0x3830] =	vst v2;
	v2 =	vmul.f32 v8, v0;
	v6 =	vld [tilespmem:s26+$0x3C20]  }
0x64: {  	[tilespmem:s26+$0x3840] =	vst v1;
	v1 =	vmul.f32 v7, v0;
	v7 =	vld [tilespmem:s26+$0x3C30]  }
0x65: {  	[tilespmem:s26+$0x3850] =	vst v2;
	v2 =	vmul.f32 v3, v0;
	v3 =	vld [tilespmem:s26+$0x3C40]  }
0x66: {  	[tilespmem:s26+$0x3860] =	vst v1;
	v1 =	vmul.f32 v4, v0;
	v8 =	vld [tilespmem:s26+$0x3C50]  }
.Ltmp0:
0x67: {  	[tilespmem:s26+$0x3870] =	vst v2;
	v2 =	vmul.f32 v5, v0;
	v4 =	vld [tilespmem:s26+$0x3C60];
	(pc) =	sbr.rel @p1 .LBB2_3-.Ltmp0, $4  }
0x68: {  	[tilespmem:s26+$0x3C00] =	vst v1;
	v1 =	vmul.f32 v6, v0;
	v5 =	vld [tilespmem:s26+$0x3C70]  }
0x69: {  	[tilespmem:s26+$0x3C10] =	vst v2;
	v6 =	vmul.f32 v7, v0;
	v2 =	vld [tilespmem:s26+$0x4000]  }
0x6a: {  	[tilespmem:s26+$0x3C20] =	vst v1;
	v7 =	vmul.f32 v3, v0;
	v1 =	vld [tilespmem:s26+$0x4010]  }
0x6b: {  	s11 =	sadd.s32 $0x1, s11;
	[tilespmem:s26+$0x3C30] =	vst v6;
	v6 =	vmul.f32 v8, v0;
	v3 =	vld [tilespmem:s26+$0x4020]  }
0x6c: {  	[tilespmem:s26+$0x3C40] =	vst v7;
	v7 =	vld [tilespmem:s26+$0x4030];
	v4 =	vmul.f32 v4, v0  }
0x6d: {  	[tilespmem:s26+$0x3C50] =	vst v6;
	v6 =	vld [tilespmem:s26+$0x4040];
	v5 =	vmul.f32 v5, v0  }
0x6e: {  	[tilespmem:s26+$0x3C60] =	vst v4;
	v4 =	vld [tilespmem:s26+$0x4050];
	v2 =	vmul.f32 v2, v0  }
0x6f: {  	[tilespmem:s26+$0x3C70] =	vst v5;
	v1 =	vmul.f32 v1, v0;
	v5 =	vld [tilespmem:s26+$0x4060]  }
0x70: {  	[tilespmem:s26+$0x4000] =	vst v2;
	v2 =	vmul.f32 v3, v0;
	v3 =	vld [tilespmem:s26+$0x4070]  }
0x71: {  	[tilespmem:s26+$0x4010] =	vst v1;
	v1 =	vmul.f32 v7, v0  }
0x72: {  	[tilespmem:s26+$0x4020] =	vst v2;
	v2 =	vmul.f32 v6, v0  }
0x73: {  	[tilespmem:s26+$0x4030] =	vst v1;
	v1 =	vmul.f32 v4, v0  }
0x74: {  	s0 =	sadd.s32 s7, s1;
	[tilespmem:s26+$0x4040] =	vst v2;
	v2 =	vmul.f32 v5, v0  }
0x75: {  	s0 =	smul.u32 $0xC00, s0;
	[tilespmem:s26+$0x4050] =	vst v1;
	v0 =	vmul.f32 v3, v0  }
0x76: {  	[tilespmem:s26+$0x4060] =	vst v2  }
0x77: {  	s0 =	sadd.s32 s3, s0;
	[tilespmem:s26+$0x4070] =	vst v0  }
0x78: {  	[hbm4b:s0+s4] =	stream.linear.scatter [tilespmem:s12], [sflag:$0x5], $0x6000, $0x38;
	[tilespmem:$0x1B800] =	vst v63  }
0x79: {  	s26 =	sor.u32 @!p0 $0x3, s1;
	s0 =	simm.s32 @!p0 $0x8  }
0x7a: {  	s26 =	simm.s32 @p0 $0x3;
	_ =	swait.ge @!p0 [sflag:s0], $0x6000  }
0x7b: {  	s5 =	sshll.u32 s26, $0x9;
	[sflag:s0] =	ssyncset.done @!p0 $0x0  }
0x7c: {  	s30 =	sshrl.u32 s5, $0x2;
	[sflag:s0] =	ssyncadd.s32 @!p0 $0xFFFFA000  }
0x7d: {  	v0 =	vld [tilespmem:s30+$0x0];
	_ =	sdelay $0x4  }
0x7e: {  	v0 =	vxor.u32 $0x80000000, v0  }
0x7f: {  	(xrf0) =	vmax.scan.msk.u32 $0xffff, v0;
	_ =	sdelay $0x5  }
0x80: {  	v0, _, _ =	vpop (xrf0)  }
0x81: {  	(v2sf) =	vpush v0, $0xF;
	_ =	sdelay $0xe  }
0x82: {  	s5 =	spop (v2sf)  }
0x83: {  	s0 =	smul.u32 $0x6000, s5;
	_ =	sdelay $0x1  }
0x84: {  	s11 =	simm.s32 $0x0;
	s0 =	sshrl.u32 s0, $0x3  }
0x85: {  	s6 =	simm.s32 $0x0;
	s1 =	sor.u32 $0x1, s1;
	s0 =	sadd.s32 s2, s0  }
0x86: {  	[tilespmem:s18], [sflag:$0x4] =	stream.linear.gather [hbm4b:s0+s11], $0x6000, $0x38;
	[tilespmem:$0x1B800] =	vst v63  }
0x87: {  	s8 =	sshll.u32 s1, $0x7;
	s0 =	smul.u32 $0x3000, s6;
	_ =	swait.ge [sflag:s14], $0x6000  }
0x88: {  	s5 =	sand.u32 $0x3FFFFF80, s8;
	[sflag:s14] =	ssyncset.done $0x0  }
0x89: {  	s6 =	sand.u32 $0x380, s11;
	s0 =	sshra.s32 s0, $0x2;
	[sflag:s14] =	ssyncadd.s32 $0xFFFFA000  }
0x8a: {  	s0 =	sor.u32 s6, s0;
	v0 =	vld [tilespmem:s5+$0x1C00]  }
0x8b: {  	v1 =	vld [tilespmem:s0+$0x9800]  }
0x8c: {  	v2 =	vld [tilespmem:s0+$0x9810]  }
0x8d: {  	v3 =	vld [tilespmem:s0+$0x9820]  }
0x8e: {  	v5 =	vld [tilespmem:s0+$0x9840]  }
0x8f: {  	v4 =	vld [tilespmem:s0+$0x9830]  }
0x90: {  	v6 =	vld [tilespmem:s0+$0x9860];
	v1 =	vmul.f32 v1, v0  }
0x91: {  	v7 =	vld [tilespmem:s0+$0x9870];
	v2 =	vmul.f32 v2, v0  }
0x92: {  	v3 =	vmul.f32 v3, v0;
	[tilespmem:s0+$0x9800] =	vst v1;
	v1 =	vld [tilespmem:s0+$0x9850]  }
0x93: {  	v5 =	vmul.f32 v5, v0;
	[tilespmem:s0+$0x9810] =	vst v2;
	v2 =	vld [tilespmem:s0+$0x9C00]  }
0x94: {  	v4 =	vmul.f32 v4, v0;
	[tilespmem:s0+$0x9820] =	vst v3;
	v3 =	vld [tilespmem:s0+$0x9C10]  }
0x95: {  	[tilespmem:s0+$0x9840] =	vst v5;
	v5 =	vld [tilespmem:s0+$0x9C30]  }
0x96: {  	[tilespmem:s0+$0x9830] =	vst v4;
	v4 =	vld [tilespmem:s0+$0x9C20]  }
0x97: {  	v1 =	vmul.f32 v1, v0  }
0x98: {  	v6 =	vmul.f32 v6, v0  }
0x99: {  	v8 =	vld [tilespmem:s0+$0x9C40];
	[tilespmem:s0+$0x9850] =	vst v1;
	v1 =	vmul.f32 v7, v0  }
0x9a: {  	[tilespmem:s0+$0x9860] =	vst v6;
	v6 =	vld [tilespmem:s0+$0x9C50];
	v2 =	vmul.f32 v2, v0;
	v7 =	vmul.f32 v5, v0  }
0x9b: {  	[tilespmem:s0+$0x9870] =	vst v1;
	v1 =	vmul.f32 v3, v0;
	v3 =	vmul.f32 v4, v0;
	v4 =	vld [tilespmem:s0+$0x9C60]  }
0x9c: {  	[tilespmem:s0+$0x9C00] =	vst v2;
	v5 =	vld [tilespmem:s0+$0x9C70]  }
0x9d: {  	v2 =	vld [tilespmem:s0+$0xA000];
	[tilespmem:s0+$0x9C30] =	vst v7  }
0x9e: {  	v7 =	vmul.f32 v8, v0;
	[tilespmem:s0+$0x9C10] =	vst v1;
	v1 =	vld [tilespmem:s0+$0xA010]  }
0x9f: {  	s5 =	simm.s32 $0x1;
	v6 =	vmul.f32 v6, v0;
	[tilespmem:s0+$0x9C20] =	vst v3;
	v3 =	vld [tilespmem:s0+$0xA020]  }
.LBB2_5:
0xa0: {  	s6 =	sshrl.u32 s5, $0x3;
	p0 =	sne.s32 s5, $0x3F;
	[tilespmem:s0+$0x9C40] =	vst v7;
	v4 =	vmul.f32 v4, v0;
	v7 =	vld [tilespmem:s0+$0xA030]  }
0xa1: {  	s6 =	smul.u32 $0x3000, s6;
	[tilespmem:s0+$0x9C50] =	vst v6;
	v5 =	vmul.f32 v5, v0;
	v6 =	vld [tilespmem:s0+$0xA040]  }
0xa2: {  	s11 =	sadd.s32 $0x80, s11;
	[tilespmem:s0+$0x9C60] =	vst v4;
	v2 =	vmul.f32 v2, v0;
	v4 =	vld [tilespmem:s0+$0xA050]  }
0xa3: {  	s8 =	sand.u32 $0x380, s11;
	s6 =	sshra.s32 s6, $0x2;
	[tilespmem:s0+$0x9C70] =	vst v5;
	v1 =	vmul.f32 v1, v0;
	v5 =	vld [tilespmem:s0+$0xA060]  }
0xa4: {  	s6 =	sor.u32 s8, s6;
	[tilespmem:s0+$0xA000] =	vst v2;
	v2 =	vmul.f32 v3, v0;
	v3 =	vld [tilespmem:s0+$0xA070]  }
0xa5: {  	v8 =	vld [tilespmem:s6+$0x9800];
	[tilespmem:s0+$0xA010] =	vst v1;
	v1 =	vmul.f32 v7, v0  }
0xa6: {  	v7 =	vld [tilespmem:s6+$0x9810];
	[tilespmem:s0+$0xA020] =	vst v2;
	v2 =	vmul.f32 v6, v0  }
0xa7: {  	v6 =	vld [tilespmem:s6+$0x9820];
	[tilespmem:s0+$0xA030] =	vst v1;
	v1 =	vmul.f32 v4, v0  }
0xa8: {  	v4 =	vld [tilespmem:s6+$0x9830];
	[tilespmem:s0+$0xA040] =	vst v2;
	v2 =	vmul.f32 v5, v0  }
0xa9: {  	v5 =	vld [tilespmem:s6+$0x9840];
	[tilespmem:s0+$0xA050] =	vst v1;
	v1 =	vmul.f32 v3, v0  }
0xaa: {  	v3 =	vmul.f32 v8, v0;
	v8 =	vld [tilespmem:s6+$0x9850];
	[tilespmem:s0+$0xA060] =	vst v2  }
0xab: {  	v2 =	vmul.f32 v7, v0;
	v7 =	vld [tilespmem:s6+$0x9860];
	[tilespmem:s0+$0xA070] =	vst v1;
	s0 =	smov.u32 s6  }
0xac: {  	[tilespmem:s0+$0x9800] =	vst v3;
	v1 =	vmul.f32 v6, v0;
	v3 =	vld [tilespmem:s0+$0x9870]  }
0xad: {  	[tilespmem:s0+$0x9810] =	vst v2;
	v2 =	vmul.f32 v4, v0;
	v4 =	vld [tilespmem:s0+$0x9C00]  }
0xae: {  	[tilespmem:s0+$0x9820] =	vst v1;
	v1 =	vmul.f32 v5, v0;
	v5 =	vld [tilespmem:s0+$0x9C10]  }
0xaf: {  	[tilespmem:s0+$0x9830] =	vst v2;
	v2 =	vmul.f32 v8, v0;
	v6 =	vld [tilespmem:s0+$0x9C20]  }
0xb0: {  	[tilespmem:s0+$0x9840] =	vst v1;
	v1 =	vmul.f32 v7, v0;
	v7 =	vld [tilespmem:s0+$0x9C30]  }
0xb1: {  	[tilespmem:s0+$0x9850] =	vst v2;
	v2 =	vmul.f32 v3, v0;
	v3 =	vld [tilespmem:s0+$0x9C40]  }
0xb2: {  	[tilespmem:s0+$0x9860] =	vst v1;
	v1 =	vmul.f32 v4, v0;
	v8 =	vld [tilespmem:s0+$0x9C50]  }
.Ltmp1:
0xb3: {  	[tilespmem:s0+$0x9870] =	vst v2;
	v2 =	vmul.f32 v5, v0;
	v4 =	vld [tilespmem:s0+$0x9C60];
	(pc) =	sbr.rel @p0 .LBB2_5-.Ltmp1, $4  }
0xb4: {  	[tilespmem:s0+$0x9C00] =	vst v1;
	v1 =	vmul.f32 v6, v0;
	v5 =	vld [tilespmem:s0+$0x9C70]  }
0xb5: {  	[tilespmem:s0+$0x9C10] =	vst v2;
	v6 =	vmul.f32 v7, v0;
	v2 =	vld [tilespmem:s0+$0xA000]  }
0xb6: {  	[tilespmem:s0+$0x9C20] =	vst v1;
	v7 =	vmul.f32 v3, v0;
	v1 =	vld [tilespmem:s0+$0xA010]  }
0xb7: {  	s5 =	sadd.s32 $0x1, s5;
	[tilespmem:s0+$0x9C30] =	vst v6;
	v6 =	vmul.f32 v8, v0;
	v3 =	vld [tilespmem:s0+$0xA020]  }
0xb8: {  	[tilespmem:s0+$0x9C40] =	vst v7;
	v48 =	vld [tilespmem:s0+$0xA030];
	v4 =	vmul.f32 v4, v0  }
0xb9: {  	v49 =	vld [tilespmem:s0+$0xA040];
	[tilespmem:s0+$0x9C50] =	vst v6;
	v5 =	vmul.f32 v5, v0  }
0xba: {  	v50 =	vld [tilespmem:s0+$0xA050];
	[tilespmem:s0+$0x9C60] =	vst v4;
	v2 =	vmul.f32 v2, v0  }
0xbb: {  	v51 =	vld [tilespmem:s0+$0xA060];
	[tilespmem:s0+$0x9C70] =	vst v5;
	v1 =	vmul.f32 v1, v0  }
0xbc: {  	[tilespmem:s0+$0xA000] =	vst v2;
	v2 =	vmul.f32 v3, v0;
	v3 =	vld [tilespmem:s0+$0xA070]  }
0xbd: {  	[tilespmem:s0+$0xA010] =	vst v1;
	v1 =	vmul.f32 v48, v0  }
0xbe: {  	[tilespmem:s0+$0xA020] =	vst v2;
	v2 =	vmul.f32 v49, v0  }
0xbf: {  	[tilespmem:s0+$0xA030] =	vst v1;
	v1 =	vmul.f32 v50, v0  }
0xc0: {  	s1 =	sadd.s32 s7, s1;
	[tilespmem:s0+$0xA040] =	vst v2;
	v2 =	vmul.f32 v51, v0  }
0xc1: {  	s1 =	smul.u32 $0xC00, s1;
	[tilespmem:s0+$0xA050] =	vst v1;
	v0 =	vmul.f32 v3, v0  }
0xc2: {  	[tilespmem:s0+$0xA060] =	vst v2  }
0xc3: {  	s6 =	simm.s32 $0x0;
	s5 =	sadd.s32 s3, s1;
	[tilespmem:s0+$0xA070] =	vst v0  }
0xc4: {  	[hbm4b:s5+s6] =	stream.linear.scatter [tilespmem:s13], [sflag:$0x6], $0x6000, $0x38;
	[tilespmem:$0x1B800] =	vst v63  }
0xc5: {  	_ =	swait.ge [sflag:s19], $0x6000  }
0xc6: {  	[sflag:s19] =	ssyncset.done $0x0  }
0xc7: {  	[sflag:s19] =	ssyncadd.s32 $0xFFFFA000  }
0xc8: {  	v0 =	vld [tilespmem:s29+$0x200];
	_ =	sdelay $0x4  }
0xc9: {  	v0 =	vxor.u32 $0x80000000, v0  }
0xca: {  	(xrf0) =	vmax.scan.msk.u32 $0xffff, v0;
	_ =	sdelay $0x5  }
0xcb: {  	v0, _, _ =	vpop (xrf0)  }
0xcc: {  	(v2sf) =	vpush v0, $0xF;
	_ =	sdelay $0xe  }
0xcd: {  	s8 =	spop (v2sf)  }
0xce: {  	s0 =	smul.u32 $0x6000, s8;
	_ =	sdelay $0x1  }
0xcf: {  	s0 =	sshrl.u32 s0, $0x3  }
0xd0: {  	s11 =	simm.s32 $0x0;
	s0 =	sadd.s32 s2, s0  }
0xd1: {  	[tilespmem:s12], [sflag:$0x1] =	stream.linear.gather [hbm4b:s0+s6], $0x6000, $0x38;
	[tilespmem:$0x1B800] =	vst v63  }
0xd2: {  	s0 =	smul.u32 $0x3000, s11;
	_ =	swait.ge [sflag:s17], $0x6000  }
0xd3: {  	[sflag:s17] =	ssyncset.done $0x0  }
0xd4: {  	s1 =	sand.u32 $0x380, s6;
	s0 =	sshra.s32 s0, $0x2;
	[sflag:s17] =	ssyncadd.s32 $0xFFFFA000  }
0xd5: {  	s0 =	sor.u32 s1, s0;
	v0 =	vld [tilespmem:s31+$0x1C00]  }
0xd6: {  	v1 =	vld [tilespmem:s0+$0xFC50]  }
0xd7: {  	v2 =	vld [tilespmem:s0+$0xFC40]  }
0xd8: {  	v3 =	vld [tilespmem:s0+$0xFC60]  }
0xd9: {  	v52 =	vld [tilespmem:s0+$0xFC30]  }
0xda: {  	v8 =	vld [tilespmem:s0+$0xF850]  }
0xdb: {  	v53 =	vld [tilespmem:s0+$0xF800];
	v1 =	vmul.f32 v1, v0  }
0xdc: {  	v54 =	vld [tilespmem:s0+$0xF810];
	v2 =	vmul.f32 v2, v0  }
0xdd: {  	v55 =	vld [tilespmem:s0+$0xF860];
	v3 =	vmul.f32 v3, v0;
	[tilespmem:s0+$0xFC50] =	vst v1  }
0xde: {  	v56 =	vld [tilespmem:s0+$0xF870];
	v4 =	vmul.f32 v52, v0;
	[tilespmem:s0+$0xFC40] =	vst v2  }
0xdf: {  	v59 =	vmul.f32 v8, v0;
	v1 =	vld [tilespmem:s0+$0xF840];
	[tilespmem:s0+$0xFC60] =	vst v3  }
0xe0: {  	v57 =	vld [tilespmem:s0+$0xF830];
	v2 =	vmul.f32 v53, v0;
	[tilespmem:s0+$0xFC30] =	vst v4  }
0xe1: {  	v61 =	vld [tilespmem:s0+$0xF820];
	v3 =	vmul.f32 v54, v0;
	[tilespmem:s0+$0xF850] =	vst v59  }
0xe2: {  	v58 =	vld [tilespmem:s0+$0xFC70];
	[tilespmem:s0+$0xF800] =	vst v2;
	v2 =	vmul.f32 v55, v0  }
0xe3: {  	v5 =	vmul.f32 v56, v0;
	[tilespmem:s0+$0xF810] =	vst v3;
	v3 =	vld [tilespmem:s0+$0xFC00]  }
0xe4: {  	[tilespmem:s0+$0xF860] =	vst v2;
	v2 =	vld [tilespmem:s0+$0xFC10];
	v1 =	vmul.f32 v1, v0  }
0xe5: {  	v60 =	vld [tilespmem:s0+$0xFC20];
	v6 =	vmul.f32 v57, v0;
	[tilespmem:s0+$0xF870] =	vst v5  }
0xe6: {  	v62 =	vmul.f32 v61, v0;
	[tilespmem:s0+$0xF840] =	vst v1;
	v1 =	vld [tilespmem:s0+$0x10000]  }
0xe7: {  	v4 =	vmul.f32 v58, v0;
	[tilespmem:s0+$0xF830] =	vst v6  }
0xe8: {  	[tilespmem:s0+$0xF820] =	vst v62;
	v3 =	vmul.f32 v3, v0  }
0xe9: {  	[tilespmem:s0+$0xFC70] =	vst v4;
	v2 =	vmul.f32 v2, v0  }
0xea: {  	[tilespmem:s0+$0xFC00] =	vst v3;
	v3 =	vmul.f32 v60, v0  }
0xeb: {  	[tilespmem:s0+$0xFC10] =	vst v2;
	v1 =	vmul.f32 v1, v0  }
0xec: {  	s5 =	sadd.s32 $0x10000, s0;
	[tilespmem:s0+$0xFC20] =	vst v3  }
0xed: {  	[tilespmem:s0+$0x10000] =	vst v1;
	v1 =	vld [tilespmem:s5+$0x60]  }
0xee: {  	v2 =	vld [tilespmem:s5+$0x20]  }
0xef: {  	v3 =	vld [tilespmem:s5+$0x10]  }
0xf0: {  	v4 =	vld [tilespmem:s5+$0x30]  }
0xf1: {  	v5 =	vld [tilespmem:s5+$0x40]  }
0xf2: {  	v6 =	vld [tilespmem:s5+$0x50];
	v1 =	vmul.f32 v1, v0  }
0xf3: {  	v2 =	vmul.f32 v2, v0  }
0xf4: {  	v63 =	vld [tilespmem:s5+$0x70];
	v3 =	vmul.f32 v3, v0;
	[tilespmem:s5+$0x60] =	vst v1  }
0xf5: {  	s31 =	simm.s32 $0x0;
	v1 =	vmul.f32 v4, v0;
	[tilespmem:s5+$0x20] =	vst v2  }
0xf6: {  	s0 =	smul.u32 $0x3000, s31;
	[tilespmem:s5+$0x10] =	vst v3;
	v2 =	vmul.f32 v5, v0  }
0xf7: {  	s1 =	simm.s32 $0x80;
	v3 =	vmul.f32 v6, v0;
	[tilespmem:s5+$0x30] =	vst v1  }
0xf8: {  	s6 =	sand.u32 $0x380, s1;
	s0 =	sshra.s32 s0, $0x2;
	[tilespmem:s5+$0x40] =	vst v2  }
0xf9: {  	s11 =	simm.s32 $0x2;
	s0 =	sor.u32 s6, s0;
	v1 =	vmul.f32 v63, v0;
	[tilespmem:s5+$0x50] =	vst v3  }
.LBB2_7:
0xfa: {  	p0 =	sne.s32 s11, $0x3F  }
0xfb: {  	s1 =	sadd.s32 $0x80, s1;
	[tilespmem:s5+$0x70] =	vst v1;
	s5 =	smov.u32 s11;
	s11 =	sadd.s32 $0x1, s11  }
0xfc: {  	v1 =	vld [tilespmem:s0+$0xFC40]  }
0xfd: {  	v2 =	vld [tilespmem:s0+$0xFC50]  }
0xfe: {  	v3 =	vld [tilespmem:s0+$0xFC60]  }
0xff: {  	v4 =	vld [tilespmem:s0+$0xF850]  }
0x100: {  	v5 =	vld [tilespmem:s0+$0xFC30]  }
0x101: {  	v6 =	vld [tilespmem:s0+$0xF800];
	v1 =	vmul.f32 v1, v0  }
0x102: {  	v7 =	vld [tilespmem:s0+$0xF810];
	v2 =	vmul.f32 v2, v0  }
0x103: {  	v8 =	vld [tilespmem:s0+$0xF860];
	v3 =	vmul.f32 v3, v0  }
0x104: {  	v9 =	vld [tilespmem:s0+$0xF820];
	[tilespmem:s0+$0xFC50] =	vst v2  }
0x105: {  	v2 =	vld [tilespmem:s0+$0xF840];
	v5 =	vmul.f32 v5, v0;
	[tilespmem:s0+$0xFC40] =	vst v1  }
0x106: {  	v1 =	vmul.f32 v6, v0;
	v6 =	vld [tilespmem:s0+$0xF870];
	[tilespmem:s0+$0xFC60] =	vst v3  }
0x107: {  	v3 =	vmul.f32 v7, v0;
	v7 =	vld [tilespmem:s0+$0xF830];
	[tilespmem:s0+$0xFC30] =	vst v5  }
0x108: {  	[tilespmem:s0+$0xF800] =	vst v1;
	v1 =	vmul.f32 v4, v0;
	v4 =	vmul.f32 v8, v0;
	v5 =	vld [tilespmem:s0+$0xFC70]  }
0x109: {  	[tilespmem:s0+$0xF810] =	vst v3;
	v3 =	vmul.f32 v9, v0;
	v8 =	vld [tilespmem:s0+$0xFC00]  }
0x10a: {  	v2 =	vmul.f32 v2, v0;
	[tilespmem:s0+$0xF860] =	vst v4;
	v4 =	vld [tilespmem:s0+$0x10000]  }
0x10b: {  	[tilespmem:s0+$0xF850] =	vst v1;
	v1 =	vmul.f32 v6, v0;
	v6 =	vld [tilespmem:s0+$0xFC10]  }
0x10c: {  	v7 =	vmul.f32 v7, v0;
	[tilespmem:s0+$0xF840] =	vst v2;
	v2 =	vld [tilespmem:s0+$0xFC20]  }
0x10d: {  	[tilespmem:s0+$0xF870] =	vst v1;
	v1 =	vmul.f32 v5, v0  }
0x10e: {  	s5 =	sshrl.u32 s5, $0x3;
	[tilespmem:s0+$0xF830] =	vst v7;
	v5 =	vmul.f32 v8, v0  }
0x10f: {  	s5 =	smul.u32 $0x3000, s5;
	[tilespmem:s0+$0xFC70] =	vst v1;
	v1 =	vmul.f32 v4, v0  }
0x110: {  	[tilespmem:s0+$0xFC00] =	vst v5;
	v4 =	vmul.f32 v6, v0  }
0x111: {  	s6 =	sand.u32 $0x380, s1;
	s5 =	sshra.s32 s5, $0x2;
	v2 =	vmul.f32 v2, v0;
	[tilespmem:s0+$0x10000] =	vst v1  }
0x112: {  	s6 =	sor.u32 s6, s5;
	[tilespmem:s0+$0xFC10] =	vst v4  }
0x113: {  	[tilespmem:s0+$0xFC20] =	vst v2  }
0x114: {  	s5 =	sadd.s32 $0x10000, s0;
	[tilespmem:s0+$0xF820] =	vst v3;
	s0 =	smov.u32 s6  }
0x115: {  	v1 =	vld [tilespmem:s5+$0x60]  }
0x116: {  	v2 =	vld [tilespmem:s5+$0x20]  }
0x117: {  	v3 =	vld [tilespmem:s5+$0x10]  }
0x118: {  	v4 =	vld [tilespmem:s5+$0x30]  }
0x119: {  	v5 =	vld [tilespmem:s5+$0x40]  }
0x11a: {  	v6 =	vld [tilespmem:s5+$0x50];
	v1 =	vmul.f32 v1, v0  }
0x11b: {  	v2 =	vmul.f32 v2, v0;
	v7 =	vld [tilespmem:s5+$0x70]  }
0x11c: {  	v3 =	vmul.f32 v3, v0;
	[tilespmem:s5+$0x60] =	vst v1  }
.Ltmp2:
0x11d: {  	[tilespmem:s5+$0x20] =	vst v2;
	v1 =	vmul.f32 v4, v0;
	(pc) =	sbr.rel @p0 .LBB2_7-.Ltmp2, $4  }
0x11e: {  	[tilespmem:s5+$0x10] =	vst v3;
	v2 =	vmul.f32 v5, v0  }
0x11f: {  	[tilespmem:s5+$0x30] =	vst v1;
	v3 =	vmul.f32 v6, v0  }
0x120: {  	[tilespmem:s5+$0x40] =	vst v2;
	v1 =	vmul.f32 v7, v0  }
0x121: {  	[tilespmem:s5+$0x50] =	vst v3  }
0x122: {  	[tilespmem:s5+$0x70] =	vst v1  }
0x123: {  	v2 =	vld [tilespmem:s0+$0xFC50]  }
0x124: {  	v1 =	vld [tilespmem:s0+$0xFC40]  }
0x125: {  	v3 =	vld [tilespmem:s0+$0xFC60]  }
0x126: {  	v5 =	vld [tilespmem:s0+$0xFC30]  }
0x127: {  	v6 =	vld [tilespmem:s0+$0xF800]  }
0x128: {  	v7 =	vld [tilespmem:s0+$0xF810];
	v2 =	vmul.f32 v2, v0  }
0x129: {  	v8 =	vld [tilespmem:s0+$0xF860];
	v1 =	vmul.f32 v1, v0  }
0x12a: {  	v4 =	vld [tilespmem:s0+$0xF850];
	v3 =	vmul.f32 v3, v0;
	[tilespmem:s0+$0xFC50] =	vst v2  }
0x12b: {  	v5 =	vmul.f32 v5, v0;
	v2 =	vld [tilespmem:s0+$0xF840];
	[tilespmem:s0+$0xFC40] =	vst v1  }
0x12c: {  	v1 =	vld [tilespmem:s0+$0xF870];
	[tilespmem:s0+$0xFC60] =	vst v3;
	v3 =	vmul.f32 v6, v0  }
0x12d: {  	v46 =	vld [tilespmem:s0+$0xF830];
	v47 =	vmul.f32 v7, v0;
	[tilespmem:s0+$0xFC30] =	vst v5  }
0x12e: {  	v48 =	vmul.f32 v8, v0;
	[tilespmem:s0+$0xF800] =	vst v3;
	v3 =	vld [tilespmem:s0+$0xFC70]  }
0x12f: {  	v52 =	vld [tilespmem:s0+$0xFC20];
	v4 =	vmul.f32 v4, v0;
	[tilespmem:s0+$0xF810] =	vst v47  }
0x130: {  	v49 =	vld [tilespmem:s0+$0xFC00];
	[tilespmem:s0+$0xF860] =	vst v48;
	v2 =	vmul.f32 v2, v0  }
0x131: {  	v50 =	vld [tilespmem:s0+$0x10000];
	[tilespmem:s0+$0xF850] =	vst v4;
	v1 =	vmul.f32 v1, v0  }
0x132: {  	v51 =	vld [tilespmem:s0+$0xFC10];
	[tilespmem:s0+$0xF840] =	vst v2;
	v2 =	vmul.f32 v46, v0  }
0x133: {  	v9 =	vld [tilespmem:s0+$0xF820];
	[tilespmem:s0+$0xF870] =	vst v1;
	v1 =	vmul.f32 v3, v0  }
0x134: {  	v3 =	vmul.f32 v52, v0;
	[tilespmem:s0+$0xF830] =	vst v2  }
0x135: {  	v2 =	vmul.f32 v49, v0;
	[tilespmem:s0+$0xFC70] =	vst v1  }
0x136: {  	v1 =	vmul.f32 v50, v0;
	[tilespmem:s0+$0xFC20] =	vst v3  }
0x137: {  	[tilespmem:s0+$0xFC00] =	vst v2;
	v2 =	vmul.f32 v51, v0  }
0x138: {  	[tilespmem:s0+$0x10000] =	vst v1;
	v1 =	vmul.f32 v9, v0  }
0x139: {  	[tilespmem:s0+$0xFC10] =	vst v2  }
0x13a: {  	s8 =	sadd.s32 $0x10000, s0;
	[tilespmem:s0+$0xF820] =	vst v1  }
0x13b: {  	v1 =	vld [tilespmem:s8+$0x60]  }
0x13c: {  	v2 =	vld [tilespmem:s8+$0x20]  }
0x13d: {  	v3 =	vld [tilespmem:s8+$0x10]  }
0x13e: {  	v53 =	vld [tilespmem:s8+$0x30]  }
0x13f: {  	v54 =	vld [tilespmem:s8+$0x40]  }
0x140: {  	v55 =	vld [tilespmem:s8+$0x50];
	v1 =	vmul.f32 v1, v0  }
0x141: {  	v56 =	vld [tilespmem:s8+$0x70];
	v2 =	vmul.f32 v2, v0  }
0x142: {  	v3 =	vmul.f32 v3, v0;
	[tilespmem:s8+$0x60] =	vst v1  }
0x143: {  	[tilespmem:s8+$0x20] =	vst v2;
	v1 =	vmul.f32 v53, v0  }
0x144: {  	[tilespmem:s8+$0x10] =	vst v3;
	v2 =	vmul.f32 v54, v0  }
0x145: {  	s1 =	sadd.s32 s7, s28;
	[tilespmem:s8+$0x30] =	vst v1;
	v1 =	vmul.f32 v55, v0  }
0x146: {  	s1 =	smul.u32 $0xC00, s1;
	[tilespmem:s8+$0x40] =	vst v2;
	v0 =	vmul.f32 v56, v0  }
0x147: {  	[tilespmem:s8+$0x50] =	vst v1  }
0x148: {  	s11 =	sadd.s32 s3, s1;
	[tilespmem:s8+$0x70] =	vst v0  }
0x149: {  	[hbm4b:s11+s4] =	stream.linear.scatter [tilespmem:s15], [sflag:$0x7], $0x6000, $0x38;
	[tilespmem:$0x1B800] =	vst v63  }
0x14a: {  	_ =	swait.ge [sflag:s20], $0x6000  }
0x14b: {  	[sflag:s20] =	ssyncset.done $0x0  }
0x14c: {  	p0 =	seq.s32 s25, $0xB;
	[sflag:s20] =	ssyncadd.s32 $0xFFFFA000  }
0x14d: {  	v0 =	vld @!p0 [tilespmem:s29+$0x280];
	_ =	sdelay $0x4  }
0x14e: {  	v0 =	vxor.u32 @!p0 $0x80000000, v0  }
0x14f: {  	(xrf0) =	vmax.scan.msk.u32 @!p0 $0xffff, v0;
	_ =	sdelay $0x5  }
0x150: {  	v0, _, _ =	vpop @!p0 (xrf0)  }
0x151: {  	(v2sf) =	vpush @!p0 v0, $0xF;
	_ =	sdelay $0xe  }
0x152: {  	s0 =	spop @!p0 (v2sf)  }
0x153: {  	s0 =	smul.u32 @!p0 $0x6000, s0;
	_ =	sdelay $0x1  }
0x154: {  	s5 =	simm.s32 @!p0 $0x9800;
	s0 =	sshrl.u32 @!p0 s0, $0x3  }
0x155: {  	s1 =	simm.s32 @!p0 $0x0;
	s29 =	simm.s32 $0x0;
	s0 =	sadd.s32 @!p0 s2, s0  }
0x156: {  	[tilespmem:s5], [sflag:$0x2] =	stream.linear.gather @!p0 [hbm4b:s0+s1], $0x6000, $0x38;
	[tilespmem:$0x1B800] =	vst v63  }
0x157: {  	s0 =	smul.u32 $0x3000, s29;
	_ =	swait.ge [sflag:s21], $0x6000  }
0x158: {  	s28 =	simm.s32 $0x0;
	[sflag:s21] =	ssyncset.done $0x0  }
0x159: {  	s31 =	sand.u32 $0x380, s28;
	s0 =	sshra.s32 s0, $0x2;
	[sflag:s21] =	ssyncadd.s32 $0xFFFFA000  }
0x15a: {  	s1 =	sor.u32 s31, s0;
	v0 =	vld [tilespmem:s30+$0x1C00]  }
0x15b: {  	v1 =	vld [tilespmem:s1+$0x15800];
	_ =	sdelay $0x2  }
0x15c: {  	s0 =	sadd.s32 $0x15800, s1  }
0x15d: {  	v2 =	vld [tilespmem:s0+$0x70]  }
0x15e: {  	v3 =	vld [tilespmem:s0+$0x60];
	v1 =	vmul.f32 v1, v0  }
0x15f: {  	v57 =	vld [tilespmem:s0+$0x50]  }
0x160: {  	[tilespmem:s1+$0x15800] =	vst v1;
	v1 =	vld [tilespmem:s0+$0x40]  }
0x161: {  	v58 =	vld [tilespmem:s0+$0x30]  }
0x162: {  	v2 =	vmul.f32 v2, v0;
	v59 =	vld [tilespmem:s0+$0x20]  }
0x163: {  	v3 =	vmul.f32 v3, v0;
	v60 =	vld [tilespmem:s0+$0x10]  }
0x164: {  	v4 =	vmul.f32 v57, v0;
	[tilespmem:s0+$0x70] =	vst v2  }
0x165: {  	[tilespmem:s0+$0x60] =	vst v3;
	v1 =	vmul.f32 v1, v0  }
0x166: {  	[tilespmem:s0+$0x50] =	vst v4;
	v2 =	vmul.f32 v58, v0  }
0x167: {  	v3 =	vmul.f32 v59, v0;
	[tilespmem:s0+$0x40] =	vst v1  }
0x168: {  	v1 =	vmul.f32 v60, v0;
	[tilespmem:s0+$0x30] =	vst v2  }
0x169: {  	[tilespmem:s0+$0x20] =	vst v3  }
0x16a: {  	[tilespmem:s0+$0x10] =	vst v1  }
0x16b: {  	v1 =	vld [tilespmem:s1+$0x15C00];
	_ =	sdelay $0x2  }
0x16c: {  	s5 =	sadd.s32 $0x15C00, s1  }
0x16d: {  	v2 =	vld [tilespmem:s5+$0x70]  }
0x16e: {  	v3 =	vld [tilespmem:s5+$0x60];
	v1 =	vmul.f32 v1, v0  }
0x16f: {  	v4 =	vld [tilespmem:s5+$0x50]  }
0x170: {  	[tilespmem:s1+$0x15C00] =	vst v1;
	v1 =	vld [tilespmem:s5+$0x40]  }
0x171: {  	v61 =	vld [tilespmem:s5+$0x10]  }
0x172: {  	v2 =	vmul.f32 v2, v0;
	v62 =	vld [tilespmem:s5+$0x20]  }
0x173: {  	v3 =	vmul.f32 v3, v0;
	v63 =	vld [tilespmem:s5+$0x30]  }
0x174: {  	v4 =	vmul.f32 v4, v0;
	[tilespmem:s5+$0x70] =	vst v2  }
0x175: {  	[tilespmem:s5+$0x60] =	vst v3;
	v1 =	vmul.f32 v1, v0  }
0x176: {  	[tilespmem:s5+$0x50] =	vst v4;
	v2 =	vmul.f32 v61, v0  }
0x177: {  	[tilespmem:s5+$0x40] =	vst v1  }
0x178: {  	s0 =	simm.s32 $0x1;
	v1 =	vmul.f32 v62, v0;
	[tilespmem:s5+$0x10] =	vst v2;
	v2 =	vmul.f32 v63, v0  }
.LBB2_9:
0x179: {  	p0 =	sne.s32 s0, $0x3F  }
0x17a: {  	[tilespmem:s5+$0x20] =	vst v1;
	s28 =	sadd.s32 $0x80, s28;
	s6 =	smov.u32 s0;
	s0 =	sadd.s32 $0x1, s0  }
0x17b: {  	[tilespmem:s5+$0x30] =	vst v2  }
0x17c: {  	s5 =	sshrl.u32 s6, $0x3;
	s6 =	sadd.s32 $0x16000, s1;
	v1 =	vld [tilespmem:s1+$0x16000]  }
0x17d: {  	s5 =	smul.u32 $0x3000, s5;
	v2 =	vld [tilespmem:s6+$0x40]  }
0x17e: {  	v3 =	vld [tilespmem:s6+$0x50]  }
0x17f: {  	s8 =	sand.u32 $0x380, s28;
	s5 =	sshra.s32 s5, $0x2;
	v4 =	vld [tilespmem:s6+$0x60]  }
0x180: {  	s5 =	sor.u32 s8, s5;
	v5 =	vld [tilespmem:s6+$0x70]  }
0x181: {  	v1 =	vmul.f32 v1, v0  }
0x182: {  	v2 =	vmul.f32 v2, v0  }
0x183: {  	[tilespmem:s1+$0x16000] =	vst v1;
	v1 =	vmul.f32 v3, v0;
	s1 =	smov.u32 s5  }
0x184: {  	v3 =	vld [tilespmem:s6+$0x20];
	[tilespmem:s6+$0x40] =	vst v2;
	v2 =	vmul.f32 v4, v0  }
0x185: {  	v4 =	vld [tilespmem:s6+$0x10];
	[tilespmem:s6+$0x50] =	vst v1;
	v1 =	vmul.f32 v5, v0  }
0x186: {  	v5 =	vld [tilespmem:s6+$0x30];
	[tilespmem:s6+$0x60] =	vst v2  }
0x187: {  	[tilespmem:s6+$0x70] =	vst v1  }
0x188: {  	s5 =	sadd.s32 $0x15800, s1  }
0x189: {  	v1 =	vmul.f32 v3, v0  }
0x18a: {  	v2 =	vmul.f32 v4, v0  }
0x18b: {  	[tilespmem:s6+$0x20] =	vst v1;
	v1 =	vmul.f32 v5, v0  }
0x18c: {  	[tilespmem:s6+$0x10] =	vst v2  }
0x18d: {  	[tilespmem:s6+$0x30] =	vst v1  }
0x18e: {  	v1 =	vld [tilespmem:s1+$0x15800];
	_ =	sdelay $0x3  }
0x18f: {  	v2 =	vld [tilespmem:s5+$0x70]  }
0x190: {  	v1 =	vmul.f32 v1, v0;
	v3 =	vld [tilespmem:s5+$0x60]  }
0x191: {  	v4 =	vld [tilespmem:s5+$0x50]  }
0x192: {  	[tilespmem:s1+$0x15800] =	vst v1;
	v1 =	vld [tilespmem:s5+$0x40]  }
0x193: {  	v5 =	vld [tilespmem:s5+$0x30]  }
0x194: {  	v6 =	vld [tilespmem:s5+$0x20];
	v2 =	vmul.f32 v2, v0  }
0x195: {  	v7 =	vld [tilespmem:s5+$0x10];
	v3 =	vmul.f32 v3, v0  }
0x196: {  	v4 =	vmul.f32 v4, v0;
	[tilespmem:s5+$0x70] =	vst v2  }
0x197: {  	v1 =	vmul.f32 v1, v0;
	[tilespmem:s5+$0x60] =	vst v3  }
0x198: {  	v2 =	vmul.f32 v5, v0;
	[tilespmem:s5+$0x50] =	vst v4  }
0x199: {  	v3 =	vmul.f32 v6, v0;
	[tilespmem:s5+$0x40] =	vst v1  }
0x19a: {  	v1 =	vmul.f32 v7, v0;
	[tilespmem:s5+$0x30] =	vst v2  }
0x19b: {  	[tilespmem:s5+$0x20] =	vst v3  }
0x19c: {  	[tilespmem:s5+$0x10] =	vst v1  }
0x19d: {  	v1 =	vld [tilespmem:s1+$0x15C00];
	_ =	sdelay $0x2  }
0x19e: {  	s5 =	sadd.s32 $0x15C00, s1  }
0x19f: {  	v2 =	vld [tilespmem:s5+$0x70]  }
0x1a0: {  	v1 =	vmul.f32 v1, v0;
	v3 =	vld [tilespmem:s5+$0x60]  }
0x1a1: {  	v4 =	vld [tilespmem:s5+$0x50]  }
0x1a2: {  	[tilespmem:s1+$0x15C00] =	vst v1;
	v1 =	vld [tilespmem:s5+$0x40]  }
0x1a3: {  	v5 =	vld [tilespmem:s5+$0x10]  }
0x1a4: {  	v6 =	vld [tilespmem:s5+$0x20];
	v2 =	vmul.f32 v2, v0  }
0x1a5: {  	v7 =	vld [tilespmem:s5+$0x30];
	v3 =	vmul.f32 v3, v0  }
.Ltmp3:
0x1a6: {  	v4 =	vmul.f32 v4, v0;
	[tilespmem:s5+$0x70] =	vst v2;
	(pc) =	sbr.rel @p0 .LBB2_9-.Ltmp3, $4  }
0x1a7: {  	v2 =	vmul.f32 v1, v0;
	[tilespmem:s5+$0x60] =	vst v3  }
0x1a8: {  	v3 =	vmul.f32 v5, v0;
	[tilespmem:s5+$0x50] =	vst v4  }
0x1a9: {  	v1 =	vmul.f32 v6, v0;
	[tilespmem:s5+$0x40] =	vst v2  }
0x1aa: {  	[tilespmem:s5+$0x10] =	vst v3;
	v2 =	vmul.f32 v7, v0  }
0x1ab: {  	[tilespmem:s5+$0x20] =	vst v1  }
0x1ac: {  	[tilespmem:s5+$0x30] =	vst v2  }
0x1ad: {  	v1 =	vld [tilespmem:s1+$0x16000];
	_ =	sdelay $0x2  }
0x1ae: {  	s0 =	sadd.s32 $0x16000, s1  }
0x1af: {  	v2 =	vld [tilespmem:s0+$0x40]  }
0x1b0: {  	v3 =	vld [tilespmem:s0+$0x50];
	v1 =	vmul.f32 v1, v0  }
0x1b1: {  	v4 =	vld [tilespmem:s0+$0x60]  }
0x1b2: {  	v5 =	vld [tilespmem:s0+$0x70];
	[tilespmem:s1+$0x16000] =	vst v1  }
0x1b3: {  	v1 =	vld [tilespmem:s0+$0x20]  }
0x1b4: {  	v2 =	vmul.f32 v2, v0;
	v6 =	vld [tilespmem:s0+$0x10]  }
0x1b5: {  	v3 =	vmul.f32 v3, v0;
	v7 =	vld [tilespmem:s0+$0x30]  }
0x1b6: {  	v60 =	vmul.f32 v4, v0;
	[tilespmem:s0+$0x40] =	vst v2  }
0x1b7: {  	s25 =	sadd.s32 $0x1, s25;
	v61 =	vmul.f32 v5, v0;
	[tilespmem:s0+$0x50] =	vst v3  }
0x1b8: {  	p0 =	sne.s32 s25, $0xC;
	[tilespmem:s0+$0x60] =	vst v60;
	v1 =	vmul.f32 v1, v0  }
.Ltmp4:
0x1b9: {  	s30 =	sadd.s32 s7, s26;
	[tilespmem:s0+$0x70] =	vst v61;
	v62 =	vmul.f32 v6, v0;
	(pc) =	sbr.rel @p0 .LBB2_2-.Ltmp4, $4  }
0x1ba: {  	s1 =	smul.u32 $0xC00, s30;
	v63 =	vmul.f32 v7, v0;
	[tilespmem:s0+$0x20] =	vst v1  }
0x1bb: {  	[tilespmem:s0+$0x10] =	vst v62  }
0x1bc: {  	s31 =	sadd.s32 s3, s1;
	[tilespmem:s0+$0x30] =	vst v63  }
0x1bd: {  	[hbm4b:s31+s4] =	stream.linear.scatter [tilespmem:s18], [sflag:$0x8], $0x6000, $0x38;
	[tilespmem:$0x1B800] =	vst v63  }
0x1be: {  	s0 =	simm.s32 $0x0  }
0x1bf: {  	_ =	swait.ge [sflag:s16], $0x6000;
	s0 =	smul.u32 $0x3000, s0  }
0x1c0: {  	s1 =	simm.s32 $0x0;
	[sflag:s16] =	ssyncset.done $0x0  }
0x1c1: {  	s5 =	sand.u32 $0x380, s1;
	[sflag:s16] =	ssyncadd.s32 $0xFFFFA000;
	s0 =	sshra.s32 s0, $0x2  }
0x1c2: {  	v0 =	vld [tilespmem:$0x3400];
	s0 =	sor.u32 s5, s0  }
0x1c3: {  	v1 =	vld [tilespmem:s0+$0x3800]  }
0x1c4: {  	v2 =	vld [tilespmem:s0+$0x3810]  }
0x1c5: {  	v3 =	vld [tilespmem:s0+$0x3820]  }
0x1c6: {  	v5 =	vld [tilespmem:s0+$0x3840]  }
0x1c7: {  	v4 =	vld [tilespmem:s0+$0x3830]  }
0x1c8: {  	v6 =	vld [tilespmem:s0+$0x3860];
	v1 =	vmul.f32 v1, v0  }
0x1c9: {  	v7 =	vld [tilespmem:s0+$0x3870];
	v2 =	vmul.f32 v2, v0  }
0x1ca: {  	v3 =	vmul.f32 v3, v0;
	[tilespmem:s0+$0x3800] =	vst v1;
	v1 =	vld [tilespmem:s0+$0x3850]  }
0x1cb: {  	v5 =	vmul.f32 v5, v0;
	[tilespmem:s0+$0x3810] =	vst v2;
	v2 =	vld [tilespmem:s0+$0x3C00]  }
0x1cc: {  	v4 =	vmul.f32 v4, v0;
	[tilespmem:s0+$0x3820] =	vst v3;
	v3 =	vld [tilespmem:s0+$0x3C10]  }
0x1cd: {  	[tilespmem:s0+$0x3840] =	vst v5;
	v5 =	vld [tilespmem:s0+$0x3C30]  }
0x1ce: {  	[tilespmem:s0+$0x3830] =	vst v4;
	v4 =	vld [tilespmem:s0+$0x3C20]  }
0x1cf: {  	v1 =	vmul.f32 v1, v0  }
0x1d0: {  	v6 =	vmul.f32 v6, v0  }
0x1d1: {  	v8 =	vld [tilespmem:s0+$0x3C40];
	[tilespmem:s0+$0x3850] =	vst v1;
	v1 =	vmul.f32 v7, v0  }
0x1d2: {  	[tilespmem:s0+$0x3860] =	vst v6;
	v6 =	vld [tilespmem:s0+$0x3C50];
	v2 =	vmul.f32 v2, v0;
	v7 =	vmul.f32 v5, v0  }
0x1d3: {  	[tilespmem:s0+$0x3870] =	vst v1;
	v1 =	vmul.f32 v3, v0;
	v3 =	vmul.f32 v4, v0;
	v4 =	vld [tilespmem:s0+$0x3C60]  }
0x1d4: {  	[tilespmem:s0+$0x3C00] =	vst v2;
	v5 =	vld [tilespmem:s0+$0x3C70]  }
0x1d5: {  	v2 =	vld [tilespmem:s0+$0x4000];
	[tilespmem:s0+$0x3C30] =	vst v7  }
0x1d6: {  	v7 =	vmul.f32 v8, v0;
	[tilespmem:s0+$0x3C10] =	vst v1;
	v1 =	vld [tilespmem:s0+$0x4010]  }
0x1d7: {  	s5 =	simm.s32 $0x1;
	v6 =	vmul.f32 v6, v0;
	[tilespmem:s0+$0x3C20] =	vst v3;
	v3 =	vld [tilespmem:s0+$0x4020]  }
.LBB2_12:
0x1d8: {  	s6 =	sshrl.u32 s5, $0x3;
	p0 =	sne.s32 s5, $0x3F;
	[tilespmem:s0+$0x3C40] =	vst v7;
	v4 =	vmul.f32 v4, v0;
	v7 =	vld [tilespmem:s0+$0x4030]  }
0x1d9: {  	s6 =	smul.u32 $0x3000, s6;
	[tilespmem:s0+$0x3C50] =	vst v6;
	v5 =	vmul.f32 v5, v0;
	v6 =	vld [tilespmem:s0+$0x4040]  }
0x1da: {  	s1 =	sadd.s32 $0x80, s1;
	[tilespmem:s0+$0x3C60] =	vst v4;
	v2 =	vmul.f32 v2, v0;
	v4 =	vld [tilespmem:s0+$0x4050]  }
0x1db: {  	s8 =	sand.u32 $0x380, s1;
	s6 =	sshra.s32 s6, $0x2;
	[tilespmem:s0+$0x3C70] =	vst v5;
	v1 =	vmul.f32 v1, v0;
	v5 =	vld [tilespmem:s0+$0x4060]  }
0x1dc: {  	s6 =	sor.u32 s8, s6;
	[tilespmem:s0+$0x4000] =	vst v2;
	v2 =	vmul.f32 v3, v0;
	v3 =	vld [tilespmem:s0+$0x4070]  }
0x1dd: {  	v8 =	vld [tilespmem:s6+$0x3800];
	[tilespmem:s0+$0x4010] =	vst v1;
	v1 =	vmul.f32 v7, v0  }
0x1de: {  	v7 =	vld [tilespmem:s6+$0x3810];
	[tilespmem:s0+$0x4020] =	vst v2;
	v2 =	vmul.f32 v6, v0  }
0x1df: {  	v6 =	vld [tilespmem:s6+$0x3820];
	[tilespmem:s0+$0x4030] =	vst v1;
	v1 =	vmul.f32 v4, v0  }
0x1e0: {  	v4 =	vld [tilespmem:s6+$0x3830];
	[tilespmem:s0+$0x4040] =	vst v2;
	v2 =	vmul.f32 v5, v0  }
0x1e1: {  	v5 =	vld [tilespmem:s6+$0x3840];
	[tilespmem:s0+$0x4050] =	vst v1;
	v1 =	vmul.f32 v3, v0  }
0x1e2: {  	v3 =	vmul.f32 v8, v0;
	v8 =	vld [tilespmem:s6+$0x3850];
	[tilespmem:s0+$0x4060] =	vst v2  }
0x1e3: {  	v2 =	vmul.f32 v7, v0;
	v7 =	vld [tilespmem:s6+$0x3860];
	[tilespmem:s0+$0x4070] =	vst v1;
	s0 =	smov.u32 s6  }
0x1e4: {  	[tilespmem:s0+$0x3800] =	vst v3;
	v1 =	vmul.f32 v6, v0;
	v3 =	vld [tilespmem:s0+$0x3870]  }
0x1e5: {  	[tilespmem:s0+$0x3810] =	vst v2;
	v2 =	vmul.f32 v4, v0;
	v4 =	vld [tilespmem:s0+$0x3C00]  }
0x1e6: {  	[tilespmem:s0+$0x3820] =	vst v1;
	v1 =	vmul.f32 v5, v0;
	v5 =	vld [tilespmem:s0+$0x3C10]  }
0x1e7: {  	[tilespmem:s0+$0x3830] =	vst v2;
	v2 =	vmul.f32 v8, v0;
	v6 =	vld [tilespmem:s0+$0x3C20]  }
0x1e8: {  	[tilespmem:s0+$0x3840] =	vst v1;
	v1 =	vmul.f32 v7, v0;
	v7 =	vld [tilespmem:s0+$0x3C30]  }
0x1e9: {  	[tilespmem:s0+$0x3850] =	vst v2;
	v2 =	vmul.f32 v3, v0;
	v3 =	vld [tilespmem:s0+$0x3C40]  }
0x1ea: {  	[tilespmem:s0+$0x3860] =	vst v1;
	v1 =	vmul.f32 v4, v0;
	v8 =	vld [tilespmem:s0+$0x3C50]  }
.Ltmp5:
0x1eb: {  	[tilespmem:s0+$0x3870] =	vst v2;
	v2 =	vmul.f32 v5, v0;
	v4 =	vld [tilespmem:s0+$0x3C60];
	(pc) =	sbr.rel @p0 .LBB2_12-.Ltmp5, $4  }
0x1ec: {  	[tilespmem:s0+$0x3C00] =	vst v1;
	v1 =	vmul.f32 v6, v0;
	v5 =	vld [tilespmem:s0+$0x3C70]  }
0x1ed: {  	[tilespmem:s0+$0x3C10] =	vst v2;
	v6 =	vmul.f32 v7, v0;
	v2 =	vld [tilespmem:s0+$0x4000]  }
0x1ee: {  	[tilespmem:s0+$0x3C20] =	vst v1;
	v7 =	vmul.f32 v3, v0;
	v1 =	vld [tilespmem:s0+$0x4010]  }
0x1ef: {  	s5 =	sadd.s32 $0x1, s5;
	[tilespmem:s0+$0x3C30] =	vst v6;
	v6 =	vmul.f32 v8, v0;
	v3 =	vld [tilespmem:s0+$0x4020]  }
0x1f0: {  	[tilespmem:s0+$0x3C40] =	vst v7;
	v53 =	vld [tilespmem:s0+$0x4030];
	v4 =	vmul.f32 v4, v0  }
0x1f1: {  	v54 =	vld [tilespmem:s0+$0x4040];
	[tilespmem:s0+$0x3C50] =	vst v6;
	v5 =	vmul.f32 v5, v0  }
0x1f2: {  	v55 =	vld [tilespmem:s0+$0x4050];
	[tilespmem:s0+$0x3C60] =	vst v4;
	v2 =	vmul.f32 v2, v0  }
0x1f3: {  	v56 =	vld [tilespmem:s0+$0x4060];
	[tilespmem:s0+$0x3C70] =	vst v5;
	v1 =	vmul.f32 v1, v0  }
0x1f4: {  	v58 =	vld [tilespmem:s0+$0x4070];
	[tilespmem:s0+$0x4000] =	vst v2;
	v57 =	vmul.f32 v3, v0  }
0x1f5: {  	[tilespmem:s0+$0x4010] =	vst v1;
	v59 =	vmul.f32 v53, v0  }
0x1f6: {  	v60 =	vmul.f32 v54, v0;
	[tilespmem:s0+$0x4020] =	vst v57  }
0x1f7: {  	v61 =	vmul.f32 v55, v0;
	[tilespmem:s0+$0x4030] =	vst v59  }
0x1f8: {  	v62 =	vmul.f32 v56, v0;
	[tilespmem:s0+$0x4040] =	vst v60  }
0x1f9: {  	v63 =	vmul.f32 v58, v0;
	[tilespmem:s0+$0x4050] =	vst v61  }
0x1fa: {  	[tilespmem:s0+$0x4060] =	vst v62  }
0x1fb: {  	s31 =	rddreg [dreg:$0x6];
	[tilespmem:s0+$0x4070] =	vst v63  }
0x1fc: {  	[hbm4b:s31+s4] =	stream.linear.scatter [tilespmem:s12], [sflag:$0x5], $0x6000, $0x38;
	[tilespmem:$0x1B800] =	vst v63  }
0x1fd: {  	_ =	swait.ge [sflag:s22], $0x6000  }
0x1fe: {  	[sflag:s22] =	ssyncset.done $0x0  }
0x1ff: {  	s24 =	sadd.s32 $0x1, s24;
	[sflag:s22] =	ssyncadd.s32 $0xFFFFA000  }
0x200: {  	p0 =	sne.s32 s24, s9;
	_ =	swait.ge [sflag:s23], $0x6000  }
.Ltmp6:
0x201: {  	[sflag:s23] =	ssyncset.done $0x0;
	(pc) =	sbr.rel @p0 .LBB2_1-.Ltmp6, $4  }
0x202: {  	[sflag:s23] =	ssyncadd.s32 $0xFFFFA000  }
0x203: {  	_ =	swait.ge [sflag:s19], $0x6000  }
0x204: {  	[sflag:s19] =	ssyncset.done $0x0  }
0x205: {  	[sflag:s19] =	ssyncadd.s32 $0xFFFFA000  }
0x206: {  	_ =	sfence.sel $0x180000  }
0x207: {  	[bflag:$0x0] =	sbarrier.arrive $0xFFFF  }
0x208: {  	_ =	strace $0x90000047  }
0x209: {  	s0 =	stileid.u32;
	[bflag:$0x2] =	sbarrier.arrive $0xFFFF  }
0x20a: {  	p0 =	sne.s32 s0, $0x0;
	s0 =	rddreg [dreg:$0x3]  }
0x20b: {  	s0 =	sadd.s32 @!p0 $0x100000, s0  }
0x20c: {  	[sflag:s0] =	ssyncadd.tile.s32 @!p0 $0x1;
	_ =	shalt  }
.Lfunc_end2:
_tile_overlayer_lowered:
.L_overlay_start_2:
0x20d: {  	(tag) =	ssettag $0x2  }
0x20e: {  	s0 =	rddreg [dreg:$0x0];
	s2 =	stileid.u32  }
0x20f: {  	s1 =	rddreg [dreg:$0x1];
	p0 =	sne.s32 s2, $0x0  }
0x210: {  	s3 =	rddreg [dreg:$0x2];
	[bflag:$0x3] =	sbarrier.arrive $0xFFFF;
	s2 =	simm.s32 @!p0 $0x1C09  }
0x211: {  	[timem:s3], [sflag:s2] =	dma.local @!p0 [hbm:s0], s1  }
0x212: {  	s0 =	simm.s32 @!p0 $0x9  }
0x213: {  	_ =	swait.ge @!p0 [sflag:s0], s1  }
0x214: {  	s1 =	ssub.s32 @!p0 $0x0, s1;
	[sflag:s0] =	ssyncset.done @!p0 $0x0  }
0x215: {  	[sflag:s0] =	ssyncadd.s32 @!p0 s1  }
0x216: {  	[bflag:$0x3] =	sbarrier.arrive $0xFFFF  }
0x217: {  	_ =	shalt  }

</sc_bundles>
